<compile_context>
chip_gen: v7x
topology: tpu7x:2x2x1
jax: 0.10.2.dev20260603
libtpu: 0.0.44.dev20260713+nightly
codegen_flags: <defaults>
</compile_context>

<pallas_src>
import jax
import jax.numpy as jnp
from jax.experimental import pallas as pl
from jax.experimental.pallas import tpu as pltpu
from jax.experimental.pallas import tpu_sc as plsc

_B = 1024
_D = 768
_FF = 3072
_DC = _D // 4
_E = 8
_L = 6
_CAP = 160
_S = _E * _CAP

_PARAMS = pltpu.CompilerParams(vmem_limit_bytes=110 * 1024 * 1024)


def _rms_mul(h, w):
    return h * jax.lax.rsqrt(jnp.mean(h * h, axis=-1, keepdims=True) + 1e-6) * w


def _dot(a, b):
    return jnp.dot(a, b, preferred_element_type=jnp.float32)


def _proj_kernel(x_ref, w_ref, b_ref, o_ref):
    o_ref[...] = _dot(x_ref[...], w_ref[...]) + b_ref[...]


def _attn_block(h_ref, g1_ref, wv_ref, wo_ref, g2_ref, o_ref, hb_ref=None):
    h = h_ref[...]
    if hb_ref is not None:
        h = h + hb_ref[...]
    n = _rms_mul(h, g1_ref[0])
    hn = h + _dot(_dot(n, wv_ref[0]), wo_ref[0])
    o_ref[...] = hn
    return _rms_mul(hn, g2_ref[0])


def _make_dense_kernel(two_h):
    def _dense_kernel(*args):
        if two_h:
            (h_ref, hb_ref, g1_ref, wv_ref, wo_ref, g2_ref, wi_ref, w2_ref,
             o_ref, n2_scr, h1_scr) = args
        else:
            (h_ref, g1_ref, wv_ref, wo_ref, g2_ref, wi_ref, w2_ref,
             o_ref, n2_scr, h1_scr) = args
            hb_ref = None
        t = pl.program_id(0)

        @pl.when(t == 0)
        def _():
            n2 = _attn_block(h_ref, g1_ref, wv_ref, wo_ref, g2_ref, o_ref,
                             hb_ref)
            for k in range(4):
                n2_scr[k] = n2[:, k * _DC:(k + 1) * _DC]

        @pl.when((t >= 1) & (t <= 4))
        def _():
            k = t - 1
            part = _dot(n2_scr[k], wi_ref[0])
            for f in range(4):
                chunk = part[:, f * _D:(f + 1) * _D]

                @pl.when(k == 0)
                def _(chunk=chunk, f=f):
                    h1_scr[f] = chunk

                @pl.when(k > 0)
                def _(chunk=chunk, f=f):
                    h1_scr[f] += chunk

        @pl.when(t >= 5)
        def _():
            f = t - 5
            h1 = jnp.maximum(h1_scr[f], 0.0)
            o_ref[...] += _dot(h1, w2_ref[0])

    return _dense_kernel


def _moe_kernel(h_ref, g1_ref, wv_ref, wo_ref, g2_ref, rw_ref, wia_ref,
                wib_ref, w2a_ref, w2b_ref, o_ref, h2g_ref, slot_ref,
                ein_scr, gs_scr):
    t = pl.program_id(0)

    @pl.when(t == 0)
    def _():
        n2 = _attn_block(h_ref, g1_ref, wv_ref, wo_ref, g2_ref, o_ref)
        logits = _dot(n2, rw_ref[0])
        col = jax.lax.broadcasted_iota(jnp.int32, (_B, _E), 1)
        m = jnp.max(logits, axis=-1, keepdims=True)
        ex = jnp.exp(logits - m)
        probs = ex / jnp.sum(ex, axis=-1, keepdims=True)
        gate = jnp.max(probs, axis=-1, keepdims=True)
        idx = jnp.min(jnp.where(probs == gate, col, _E), axis=-1,
                      keepdims=True)
        onehot = (col == idx).astype(jnp.float32)
        ri = jax.lax.broadcasted_iota(jnp.int32, (_B, _B), 0)
        ci = jax.lax.broadcasted_iota(jnp.int32, (_B, _B), 1)
        tril = (ci < ri).astype(jnp.float32)
        cnt = _dot(tril, onehot)
        pos = jnp.sum(cnt * onehot, axis=-1, keepdims=True).astype(jnp.int32)
        slot = jnp.where(pos < _CAP, idx * _CAP + pos, _S)
        slot_ref[...] = slot
        scol = jax.lax.broadcasted_iota(jnp.int32, (_B, _S), 1)
        pt = (scol == slot).astype(jnp.float32)
        gs_scr[...] = jax.lax.dot_general(
            pt, gate, (((0,), (0,)), ((), ())),
            preferred_element_type=jnp.float32)
        ein_scr[...] = jax.lax.dot_general(
            pt, n2, (((0,), (0,)), ((), ())),
            preferred_element_type=jnp.float32)
        h2g_ref[pl.ds(_S, 16), :] = jnp.zeros((16, _D), jnp.float32)

    @pl.when((t >= 1) & (t <= _E))
    def _():
        e = t - 1
        rows = ein_scr[pl.ds(e * _CAP, _CAP), :]
        h1 = jnp.maximum(
            _dot(rows[:, :_D // 2], wia_ref[0, 0]) +
            _dot(rows[:, _D // 2:], wib_ref[0, 0]), 0.0)
        h2 = (_dot(h1[:, :_FF // 2], w2a_ref[0, 0]) +
              _dot(h1[:, _FF // 2:], w2b_ref[0, 0]))
        h2g_ref[pl.ds(e * _CAP, _CAP), :] = (
            h2 * gs_scr[pl.ds(e * _CAP, _CAP), :])


_NW = 32
_BW = _B // _NW


def _sc_combine(h2g_ref, slot_ref, out_ref, idx_v, rows_v, sem):
    wid = jax.lax.axis_index("s") * 2 + jax.lax.axis_index("c")
    base = wid * _BW
    pltpu.sync_copy(slot_ref.at[pl.ds(base, _BW)], idx_v)
    pltpu.async_copy(h2g_ref.at[idx_v], rows_v, sem).wait()
    pltpu.sync_copy(rows_v, out_ref.at[pl.ds(base, _BW)])


def _final_kernel(ha_ref, hb_ref, g_ref, w_ref, b_ref, o_ref):
    n = _rms_mul(ha_ref[...] + hb_ref[...], g_ref[...])
    o_ref[...] = _dot(n, w_ref[...]) + b_ref[...]


def kernel(x, proj_W, proj_b, attn_q, attn_k, attn_v, attn_o, ln1, ln2,
           router_W, moe_wi, moe_wo, ffn_wi, ffn_wo, final_ln, fc_W, fc_b):
    f32 = jnp.float32
    sd = jax.ShapeDtypeStruct
    xf = x.reshape(_B, -1)
    ln1r = ln1.reshape(_L, 1, _D)
    ln2r = ln2.reshape(_L, 1, _D)

    h = pl.pallas_call(
        _proj_kernel,
        grid=(4,),
        in_specs=[
            pl.BlockSpec((_B // 4, 3072), lambda k: (k, 0)),
            pl.BlockSpec((3072, _D), lambda k: (0, 0)),
            pl.BlockSpec((1, _D), lambda k: (0, 0)),
        ],
        out_specs=pl.BlockSpec((_B // 4, _D), lambda k: (k, 0)),
        out_shape=sd((_B, _D), f32),
        compiler_params=_PARAMS)(xf, proj_W, proj_b.reshape(1, _D))

    hb = None
    for i in range(_L):
        j = i // 2
        if i % 2 == 1:
            hatt, h2g, slot = pl.pallas_call(
                _moe_kernel,
                grid=(_E + 1,),
                in_specs=[
                    pl.BlockSpec((_B, _D), lambda t: (0, 0)),
                    pl.BlockSpec((1, 1, _D), lambda t, i=i: (i, 0, 0)),
                    pl.BlockSpec((1, _D, _D), lambda t, i=i: (i, 0, 0)),
                    pl.BlockSpec((1, _D, _D), lambda t, i=i: (i, 0, 0)),
                    pl.BlockSpec((1, 1, _D), lambda t, i=i: (i, 0, 0)),
                    pl.BlockSpec((1, _D, _E), lambda t, j=j: (j, 0, 0)),
                    pl.BlockSpec(
                        (1, 1, _D // 2, _FF),
                        lambda t, j=j: (j, jnp.clip(t - 1, 0, _E - 1), 0, 0)),
                    pl.BlockSpec(
                        (1, 1, _D // 2, _FF),
                        lambda t, j=j: (j, jnp.clip(t - 1, 0, _E - 1), 1, 0)),
                    pl.BlockSpec(
                        (1, 1, _FF // 2, _D),
                        lambda t, j=j: (j, jnp.clip(t - 1, 0, _E - 1), 0, 0)),
                    pl.BlockSpec(
                        (1, 1, _FF // 2, _D),
                        lambda t, j=j: (j, jnp.clip(t - 1, 0, _E - 1), 1, 0)),
                ],
                out_specs=[
                    pl.BlockSpec((_B, _D), lambda t: (0, 0)),
                    pl.BlockSpec((_S + 16, _D), lambda t: (0, 0)),
                    pl.BlockSpec((_B, 1), lambda t: (0, 0)),
                ],
                out_shape=[
                    sd((_B, _D), f32),
                    sd((_S + 16, _D), f32),
                    sd((_B, 1), jnp.int32),
                ],
                scratch_shapes=[
                    pltpu.VMEM((_S, _D), f32),
                    pltpu.VMEM((_S, 1), f32),
                ],
                compiler_params=_PARAMS)(
                    h, ln1r, attn_v, attn_o, ln2r, router_W,
                    moe_wi, moe_wi, moe_wo, moe_wo)
            moe = pl.kernel(
                _sc_combine,
                out_type=sd((_B, _D), f32),
                mesh=plsc.VectorSubcoreMesh(core_axis_name="c",
                                            subcore_axis_name="s"),
                scratch_types=[
                    pltpu.VMEM((_BW,), jnp.int32),
                    pltpu.VMEM((_BW, _D), f32),
                    pltpu.SemaphoreType.DMA,
                ])(h2g, slot.reshape(_B))
            h, hb = hatt, moe
        else:
            two_h = hb is not None
            dense_in = [h, hb] if two_h else [h]
            h = pl.pallas_call(
                _make_dense_kernel(two_h),
                grid=(9,),
                in_specs=[pl.BlockSpec((_B, _D), lambda t: (0, 0))] * (
                    2 if two_h else 1) + [
                    pl.BlockSpec((1, 1, _D), lambda t, i=i: (i, 0, 0)),
                    pl.BlockSpec((1, _D, _D), lambda t, i=i: (i, 0, 0)),
                    pl.BlockSpec((1, _D, _D), lambda t, i=i: (i, 0, 0)),
                    pl.BlockSpec((1, 1, _D), lambda t, i=i: (i, 0, 0)),
                    pl.BlockSpec((1, _DC, _FF),
                                 lambda t, j=j: (j, jnp.clip(t - 1, 0, 3), 0)),
                    pl.BlockSpec((1, _D, _D),
                                 lambda t, j=j: (j, jnp.clip(t - 5, 0, 3), 0)),
                ],
                out_specs=pl.BlockSpec((_B, _D), lambda t: (0, 0)),
                out_shape=sd((_B, _D), f32),
                scratch_shapes=[
                    pltpu.VMEM((4, _B, _DC), f32),
                    pltpu.VMEM((4, _B, _D), f32),
                ],
                compiler_params=_PARAMS)(
                    *dense_in, ln1r, attn_v, attn_o, ln2r, ffn_wi, ffn_wo)
            hb = None

    out = pl.pallas_call(
        _final_kernel,
        out_shape=sd((_B, 10), f32),
        compiler_params=_PARAMS)(
            h, hb, final_ln.reshape(1, _D), fc_W, fc_b.reshape(1, 10))
    return out

# --- scband reference (transcript-rebuilt; emitter-appended) ---
"""Pipeline reference for scband-switch-for-cifar10-32787780337961 (READ-ONLY COPY).

The authoritative reference and input builder live on the scoring server;
editing this copy changes nothing except your own understanding.
"""

import jax, jax.numpy as jnp
import numpy as np

B = 1024
D = 768
FF = 3072
E = 8
L = 6
H = 12
CAP = 1.25


def _rms(h, w):
    return h * jax.lax.rsqrt(jnp.mean(h * h, axis=-1, keepdims=True) + 1e-6) * w


def _moe(n, rW, wi, wo):
    nb = n.shape[0]
    ne = rW.shape[-1]
    cap = int(np.ceil(nb / ne * CAP))
    probs = jax.nn.softmax(n @ rW, axis=-1)
    gate = jnp.max(probs, axis=-1)
    idx = jnp.argmax(probs, axis=-1)
    onehot = jax.nn.one_hot(idx, ne, dtype=n.dtype)
    pos = (jnp.cumsum(onehot, axis=0) - 1.0) * onehot
    dispatch = onehot[:, :, None] * jax.nn.one_hot(pos.astype(jnp.int32), cap, dtype=n.dtype)
    ein = jnp.einsum('bec,bd->ecd', dispatch, n)
    h1 = jax.nn.relu(jnp.einsum('ecd,edf->ecf', ein, wi))
    h2 = jnp.einsum('ecf,efd->ecd', h1, wo)
    return jnp.einsum('bec,ecd->bd', dispatch * gate[:, None, None], h2)


def _forward(x, proj_W, proj_b, attn_q, attn_k, attn_v, attn_o, ln1, ln2, router_W, moe_wi, moe_wo, ffn_wi, ffn_wo, final_ln, fc_W, fc_b):
    b = x.shape[0]
    h = x.reshape(b, -1) @ proj_W + proj_b
    h = h[:, None, :]
    dh = D // H
    for i in range(L):
        n = _rms(h, ln1[i])
        q = (n @ attn_q[i]).reshape(b, -1, H, dh).transpose(0, 2, 1, 3)
        k = (n @ attn_k[i]).reshape(b, -1, H, dh).transpose(0, 2, 1, 3)
        v = (n @ attn_v[i]).reshape(b, -1, H, dh).transpose(0, 2, 1, 3)
        scores = jnp.einsum('bhqd,bhkd->bhqk', q, k)
        attn = jax.nn.softmax(scores, axis=-1)
        o = jnp.einsum('bhqk,bhkd->bhqd', attn, v).transpose(0, 2, 1, 3).reshape(b, -1, D)
        h = h + o @ attn_o[i]
        n2 = _rms(h, ln2[i])[:, 0, :]
        j = i // 2
        if i % 2 == 1:
            y = _moe(n2, router_W[j], moe_wi[j], moe_wo[j])
        else:
            y = jax.nn.relu(n2 @ ffn_wi[j]) @ ffn_wo[j]
        h = h + y[:, None, :]
    h = _rms(h, final_ln)
    return h[:, 0, :] @ fc_W + fc_b


def setup_inputs(seed: int = 0):
    key = jax.random.key(seed)
    ks = jax.random.split(key, 16)
    s = 0.02
    inp = {}
    inp['x'] = jax.random.normal(ks[0], (B, 3, 32, 32), dtype=jnp.float32)
    inp['proj_W'] = jax.random.normal(ks[1], (3 * 32 * 32, D), dtype=jnp.float32) * s
    inp['proj_b'] = jnp.zeros((D,), dtype=jnp.float32)
    inp['attn_q'] = jax.random.normal(ks[2], (L, D, D), dtype=jnp.float32) * s
    inp['attn_k'] = jax.random.normal(ks[3], (L, D, D), dtype=jnp.float32) * s
    inp['attn_v'] = jax.random.normal(ks[4], (L, D, D), dtype=jnp.float32) * s
    inp['attn_o'] = jax.random.normal(ks[5], (L, D, D), dtype=jnp.float32) * s
    inp['ln1'] = jnp.ones((L, D), dtype=jnp.float32)
    inp['ln2'] = jnp.ones((L, D), dtype=jnp.float32)
    inp['router_W'] = jax.random.normal(ks[6], (L // 2, D, E), dtype=jnp.float32) * s
    inp['moe_wi'] = jax.random.normal(ks[7], (L // 2, E, D, FF), dtype=jnp.float32) * s
    inp['moe_wo'] = jax.random.normal(ks[8], (L // 2, E, FF, D), dtype=jnp.float32) * s
    inp['ffn_wi'] = jax.random.normal(ks[9], (L - L // 2, D, FF), dtype=jnp.float32) * s
    inp['ffn_wo'] = jax.random.normal(ks[10], (L - L // 2, FF, D), dtype=jnp.float32) * s
    inp['final_ln'] = jnp.ones((D,), dtype=jnp.float32)
    inp['fc_W'] = jax.random.normal(ks[11], (D, 10), dtype=jnp.float32) * s
    inp['fc_b'] = jnp.zeros((10,), dtype=jnp.float32)
    return inp


def reference(x, proj_W, proj_b, attn_q, attn_k, attn_v, attn_o, ln1, ln2, router_W, moe_wi, moe_wo, ffn_wi, ffn_wo, final_ln, fc_W, fc_b):
    return _forward(x, proj_W, proj_b, attn_q, attn_k, attn_v, attn_o, ln1, ln2, router_W, moe_wi, moe_wo, ffn_wi, ffn_wo, final_ln, fc_W, fc_b)

if __name__ == "__main__":
    import jax
    _d = setup_inputs()
    print(jax.jit(kernel)(*tuple(_d.values())))

</pallas_src>

<mosaic_0001>
#map = affine_map<(d0, d1) -> (0, 0)>
#map1 = affine_map<(d0, d1) -> (0)>
module attributes {stable_mosaic.version = 14 : i64} {
  func.func @_sc_combine(%arg0: i32, %arg1: i32, %arg2: memref<1296x768xf32, #tpu.memory_space<hbm>>, %arg3: memref<1024xi32, #tpu.memory_space<hbm>>, %arg4: memref<1024x768xf32, #tpu.memory_space<hbm>>, %arg5: memref<32xi32, #tpu.memory_space<vmem>>, %arg6: memref<32x768xf32, #tpu.memory_space<vmem>>, %arg7: memref<!tpu.dma_semaphore, #tpu.memory_space<semaphore_mem>>) attributes {dimension_semantics = [#tpu.dimension_semantics<core_parallel>, #tpu.dimension_semantics<subcore_parallel>], iteration_bounds = array<i64: 2, 16>, scalar_prefetch = 0 : i64, scratch_operands = 3 : i64, tpu.core_type = #tpu.core_type<sc_vector_subcore>, window_params = [{transform_indices = #map}, {transform_indices = #map1}, {transform_indices = #map}]} {
    %mul3A = arith.constant 2 : i32
    %mul3A_0 = arith.muli %arg1, %mul3A : i32
    %add3A = arith.addi %mul3A_0, %arg0 : i32
    %mul3A_1 = arith.constant 32 : i32
    %mul3A_2 = arith.muli %add3A, %mul3A_1 : i32
    "tpu.region"() ({
      %run_scoped3A = tpu.sem_alloc : memref<!tpu.dma_semaphore, #tpu.memory_space<semaphore_mem>>
      %dma_start3A_7 = tpu.memref_slice %arg3[%mul3A_2] : memref<1024xi32, #tpu.memory_space<hbm>> -> memref<32xi32, #tpu.memory_space<hbm>>
      %dma_start3A_8 = tpu.memref_slice %arg3[%mul3A_2] : memref<1024xi32, #tpu.memory_space<hbm>> -> memref<32xi32, #tpu.memory_space<hbm>>
      tpu.enqueue_dma source(%dma_start3A_8 : memref<32xi32, #tpu.memory_space<hbm>>) target(%arg5 : memref<32xi32, #tpu.memory_space<vmem>>) target_semaphore(%run_scoped3A : memref<!tpu.dma_semaphore, #tpu.memory_space<semaphore_mem>>)
      %dma_wait3A_9 = tpu.memref_slice %arg3[%mul3A_2] : memref<1024xi32, #tpu.memory_space<hbm>> -> memref<32xi32, #tpu.memory_space<hbm>>
      %dma_wait3A_10 = tpu.memref_slice %arg3[%mul3A_2] : memref<1024xi32, #tpu.memory_space<hbm>> -> memref<32xi32, #tpu.memory_space<hbm>>
      tpu.wait_dma2 semaphore(%run_scoped3A : memref<!tpu.dma_semaphore, #tpu.memory_space<semaphore_mem>>) src(%dma_wait3A_10 : memref<32xi32, #tpu.memory_space<hbm>>) dst(%arg5 : memref<32xi32, #tpu.memory_space<vmem>>)
      tpu.yield
    }) : () -> ()
    %dma_start3A = arith.constant 0 : i32
    %dma_start3A_3 = arith.constant 0 : i32
    %dma_start3A_4 = tpu.memref_slice %arg2[%dma_start3A, %dma_start3A_3] : memref<1296x768xf32, #tpu.memory_space<hbm>> -> memref<1296x768xf32, #tpu.memory_space<hbm>>
    tpu.enqueue_indirect_dma source(%dma_start3A_4 : memref<1296x768xf32, #tpu.memory_space<hbm>>) target(%arg6 : memref<32x768xf32, #tpu.memory_space<vmem>>) offsets(%arg5 : memref<32xi32, #tpu.memory_space<vmem>>) semaphore(%arg7 : memref<!tpu.dma_semaphore, #tpu.memory_space<semaphore_mem>>)
    %dma_wait3A = arith.constant 0 : i32
    %dma_wait3A_5 = arith.constant 0 : i32
    %dma_wait3A_6 = tpu.memref_slice %arg2[%dma_wait3A, %dma_wait3A_5] : memref<1296x768xf32, #tpu.memory_space<hbm>> -> memref<1296x768xf32, #tpu.memory_space<hbm>>
    tpu.wait_indirect_dma semaphore(%arg7 : memref<!tpu.dma_semaphore, #tpu.memory_space<semaphore_mem>>) src(%dma_wait3A_6 : memref<1296x768xf32, #tpu.memory_space<hbm>>) dst(%arg6 : memref<32x768xf32, #tpu.memory_space<vmem>>)
    "tpu.region"() ({
      %run_scoped3A = tpu.sem_alloc : memref<!tpu.dma_semaphore, #tpu.memory_space<semaphore_mem>>
      %dma_start3A_7 = arith.constant 0 : i32
      %dma_start3A_8 = tpu.memref_slice %arg4[%mul3A_2, %dma_start3A_7] : memref<1024x768xf32, #tpu.memory_space<hbm>> -> memref<32x768xf32, #tpu.memory_space<hbm>>
      %dma_start3A_9 = arith.constant 0 : i32
      %dma_start3A_10 = tpu.memref_slice %arg4[%mul3A_2, %dma_start3A_9] : memref<1024x768xf32, #tpu.memory_space<hbm>> -> memref<32x768xf32, #tpu.memory_space<hbm>>
      tpu.enqueue_dma source(%arg6 : memref<32x768xf32, #tpu.memory_space<vmem>>) target(%dma_start3A_10 : memref<32x768xf32, #tpu.memory_space<hbm>>) target_semaphore(%run_scoped3A : memref<!tpu.dma_semaphore, #tpu.memory_space<semaphore_mem>>)
      %dma_wait3A_11 = arith.constant 0 : i32
      %dma_wait3A_12 = tpu.memref_slice %arg4[%mul3A_2, %dma_wait3A_11] : memref<1024x768xf32, #tpu.memory_space<hbm>> -> memref<32x768xf32, #tpu.memory_space<hbm>>
      %dma_wait3A_13 = arith.constant 0 : i32
      %dma_wait3A_14 = tpu.memref_slice %arg4[%mul3A_2, %dma_wait3A_13] : memref<1024x768xf32, #tpu.memory_space<hbm>> -> memref<32x768xf32, #tpu.memory_space<hbm>>
      tpu.wait_dma2 semaphore(%run_scoped3A : memref<!tpu.dma_semaphore, #tpu.memory_space<semaphore_mem>>) src(%arg6 : memref<32x768xf32, #tpu.memory_space<vmem>>) dst(%dma_wait3A_14 : memref<32x768xf32, #tpu.memory_space<hbm>>)
      tpu.yield
    }) : () -> ()
    return
  }
}

#map = affine_map<(d0, d1) -> (0, 0)>
#map1 = affine_map<(d0, d1) -> (0)>
module attributes {stable_mosaic.version = 14 : i64} {
  func.func @_sc_combine(%arg0: i32, %arg1: i32, %arg2: memref<1296x768xf32, #tpu.memory_space<hbm>>, %arg3: memref<1024xi32, #tpu.memory_space<hbm>>, %arg4: memref<1024x768xf32, #tpu.memory_space<hbm>>, %arg5: memref<32xi32, #tpu.memory_space<vmem>>, %arg6: memref<32x768xf32, #tpu.memory_space<vmem>>, %arg7: memref<!tpu.dma_semaphore, #tpu.memory_space<semaphore_mem>>) attributes {dimension_semantics = [#tpu.dimension_semantics<core_parallel>, #tpu.dimension_semantics<subcore_parallel>], iteration_bounds = array<i64: 2, 16>, scalar_prefetch = 0 : i64, scratch_operands = 3 : i64, tpu.core_type = #tpu.core_type<sc_vector_subcore>, window_params = [{transform_indices = #map}, {transform_indices = #map1}, {transform_indices = #map}]} {
    %mul3A = arith.constant 2 : i32
    %mul3A_0 = arith.muli %arg1, %mul3A : i32
    %add3A = arith.addi %mul3A_0, %arg0 : i32
    %mul3A_1 = arith.constant 32 : i32
    %mul3A_2 = arith.muli %add3A, %mul3A_1 : i32
    "tpu.region"() ({
      %run_scoped3A = tpu.sem_alloc : memref<!tpu.dma_semaphore, #tpu.memory_space<semaphore_mem>>
      %dma_start3A_7 = tpu.memref_slice %arg3[%mul3A_2] : memref<1024xi32, #tpu.memory_space<hbm>> -> memref<32xi32, #tpu.memory_space<hbm>>
      %dma_start3A_8 = tpu.memref_slice %arg3[%mul3A_2] : memref<1024xi32, #tpu.memory_space<hbm>> -> memref<32xi32, #tpu.memory_space<hbm>>
      tpu.enqueue_dma source(%dma_start3A_8 : memref<32xi32, #tpu.memory_space<hbm>>) target(%arg5 : memref<32xi32, #tpu.memory_space<vmem>>) target_semaphore(%run_scoped3A : memref<!tpu.dma_semaphore, #tpu.memory_space<semaphore_mem>>)
      %dma_wait3A_9 = tpu.memref_slice %arg3[%mul3A_2] : memref<1024xi32, #tpu.memory_space<hbm>> -> memref<32xi32, #tpu.memory_space<hbm>>
      %dma_wait3A_10 = tpu.memref_slice %arg3[%mul3A_2] : memref<1024xi32, #tpu.memory_space<hbm>> -> memref<32xi32, #tpu.memory_space<hbm>>
      tpu.wait_dma2 semaphore(%run_scoped3A : memref<!tpu.dma_semaphore, #tpu.memory_space<semaphore_mem>>) src(%dma_wait3A_10 : memref<32xi32, #tpu.memory_space<hbm>>) dst(%arg5 : memref<32xi32, #tpu.memory_space<vmem>>)
      tpu.yield
    }) : () -> ()
    %dma_start3A = arith.constant 0 : i32
    %dma_start3A_3 = arith.constant 0 : i32
    %dma_start3A_4 = tpu.memref_slice %arg2[%dma_start3A, %dma_start3A_3] : memref<1296x768xf32, #tpu.memory_space<hbm>> -> memref<1296x768xf32, #tpu.memory_space<hbm>>
    tpu.enqueue_indirect_dma source(%dma_start3A_4 : memref<1296x768xf32, #tpu.memory_space<hbm>>) target(%arg6 : memref<32x768xf32, #tpu.memory_space<vmem>>) offsets(%arg5 : memref<32xi32, #tpu.memory_space<vmem>>) semaphore(%arg7 : memref<!tpu.dma_semaphore, #tpu.memory_space<semaphore_mem>>)
    %dma_wait3A = arith.constant 0 : i32
    %dma_wait3A_5 = arith.constant 0 : i32
    %dma_wait3A_6 = tpu.memref_slice %arg2[%dma_wait3A, %dma_wait3A_5] : memref<1296x768xf32, #tpu.memory_space<hbm>> -> memref<1296x768xf32, #tpu.memory_space<hbm>>
    tpu.wait_indirect_dma semaphore(%arg7 : memref<!tpu.dma_semaphore, #tpu.memory_space<semaphore_mem>>) src(%dma_wait3A_6 : memref<1296x768xf32, #tpu.memory_space<hbm>>) dst(%arg6 : memref<32x768xf32, #tpu.memory_space<vmem>>)
    "tpu.region"() ({
      %run_scoped3A = tpu.sem_alloc : memref<!tpu.dma_semaphore, #tpu.memory_space<semaphore_mem>>
      %dma_start3A_7 = arith.constant 0 : i32
      %dma_start3A_8 = tpu.memref_slice %arg4[%mul3A_2, %dma_start3A_7] : memref<1024x768xf32, #tpu.memory_space<hbm>> -> memref<32x768xf32, #tpu.memory_space<hbm>>
      %dma_start3A_9 = arith.constant 0 : i32
      %dma_start3A_10 = tpu.memref_slice %arg4[%mul3A_2, %dma_start3A_9] : memref<1024x768xf32, #tpu.memory_space<hbm>> -> memref<32x768xf32, #tpu.memory_space<hbm>>
      tpu.enqueue_dma source(%arg6 : memref<32x768xf32, #tpu.memory_space<vmem>>) target(%dma_start3A_10 : memref<32x768xf32, #tpu.memory_space<hbm>>) target_semaphore(%run_scoped3A : memref<!tpu.dma_semaphore, #tpu.memory_space<semaphore_mem>>)
      %dma_wait3A_11 = arith.constant 0 : i32
      %dma_wait3A_12 = tpu.memref_slice %arg4[%mul3A_2, %dma_wait3A_11] : memref<1024x768xf32, #tpu.memory_space<hbm>> -> memref<32x768xf32, #tpu.memory_space<hbm>>
      %dma_wait3A_13 = arith.constant 0 : i32
      %dma_wait3A_14 = tpu.memref_slice %arg4[%mul3A_2, %dma_wait3A_13] : memref<1024x768xf32, #tpu.memory_space<hbm>> -> memref<32x768xf32, #tpu.memory_space<hbm>>
      tpu.wait_dma2 semaphore(%run_scoped3A : memref<!tpu.dma_semaphore, #tpu.memory_space<semaphore_mem>>) src(%arg6 : memref<32x768xf32, #tpu.memory_space<vmem>>) dst(%dma_wait3A_14 : memref<32x768xf32, #tpu.memory_space<hbm>>)
      tpu.yield
    }) : () -> ()
    return
  }
}

#map = affine_map<(d0, d1) -> (0, 0)>
#map1 = affine_map<(d0, d1) -> (0)>
module attributes {stable_mosaic.version = 14 : i64} {
  func.func @_sc_combine(%arg0: i32, %arg1: i32, %arg2: memref<1296x768xf32, #tpu.memory_space<hbm>>, %arg3: memref<1024xi32, #tpu.memory_space<hbm>>, %arg4: memref<1024x768xf32, #tpu.memory_space<hbm>>, %arg5: memref<32xi32, #tpu.memory_space<vmem>>, %arg6: memref<32x768xf32, #tpu.memory_space<vmem>>, %arg7: memref<!tpu.dma_semaphore, #tpu.memory_space<semaphore_mem>>) attributes {dimension_semantics = [#tpu.dimension_semantics<core_parallel>, #tpu.dimension_semantics<subcore_parallel>], iteration_bounds = array<i64: 2, 16>, scalar_prefetch = 0 : i64, scratch_operands = 3 : i64, tpu.core_type = #tpu.core_type<sc_vector_subcore>, window_params = [{transform_indices = #map}, {transform_indices = #map1}, {transform_indices = #map}]} {
    %mul3A = arith.constant 2 : i32
    %mul3A_0 = arith.muli %arg1, %mul3A : i32
    %add3A = arith.addi %mul3A_0, %arg0 : i32
    %mul3A_1 = arith.constant 32 : i32
    %mul3A_2 = arith.muli %add3A, %mul3A_1 : i32
    "tpu.region"() ({
      %run_scoped3A = tpu.sem_alloc : memref<!tpu.dma_semaphore, #tpu.memory_space<semaphore_mem>>
      %dma_start3A_7 = tpu.memref_slice %arg3[%mul3A_2] : memref<1024xi32, #tpu.memory_space<hbm>> -> memref<32xi32, #tpu.memory_space<hbm>>
      %dma_start3A_8 = tpu.memref_slice %arg3[%mul3A_2] : memref<1024xi32, #tpu.memory_space<hbm>> -> memref<32xi32, #tpu.memory_space<hbm>>
      tpu.enqueue_dma source(%dma_start3A_8 : memref<32xi32, #tpu.memory_space<hbm>>) target(%arg5 : memref<32xi32, #tpu.memory_space<vmem>>) target_semaphore(%run_scoped3A : memref<!tpu.dma_semaphore, #tpu.memory_space<semaphore_mem>>)
      %dma_wait3A_9 = tpu.memref_slice %arg3[%mul3A_2] : memref<1024xi32, #tpu.memory_space<hbm>> -> memref<32xi32, #tpu.memory_space<hbm>>
      %dma_wait3A_10 = tpu.memref_slice %arg3[%mul3A_2] : memref<1024xi32, #tpu.memory_space<hbm>> -> memref<32xi32, #tpu.memory_space<hbm>>
      tpu.wait_dma2 semaphore(%run_scoped3A : memref<!tpu.dma_semaphore, #tpu.memory_space<semaphore_mem>>) src(%dma_wait3A_10 : memref<32xi32, #tpu.memory_space<hbm>>) dst(%arg5 : memref<32xi32, #tpu.memory_space<vmem>>)
      tpu.yield
    }) : () -> ()
    %dma_start3A = arith.constant 0 : i32
    %dma_start3A_3 = arith.constant 0 : i32
    %dma_start3A_4 = tpu.memref_slice %arg2[%dma_start3A, %dma_start3A_3] : memref<1296x768xf32, #tpu.memory_space<hbm>> -> memref<1296x768xf32, #tpu.memory_space<hbm>>
    tpu.enqueue_indirect_dma source(%dma_start3A_4 : memref<1296x768xf32, #tpu.memory_space<hbm>>) target(%arg6 : memref<32x768xf32, #tpu.memory_space<vmem>>) offsets(%arg5 : memref<32xi32, #tpu.memory_space<vmem>>) semaphore(%arg7 : memref<!tpu.dma_semaphore, #tpu.memory_space<semaphore_mem>>)
    %dma_wait3A = arith.constant 0 : i32
    %dma_wait3A_5 = arith.constant 0 : i32
    %dma_wait3A_6 = tpu.memref_slice %arg2[%dma_wait3A, %dma_wait3A_5] : memref<1296x768xf32, #tpu.memory_space<hbm>> -> memref<1296x768xf32, #tpu.memory_space<hbm>>
    tpu.wait_indirect_dma semaphore(%arg7 : memref<!tpu.dma_semaphore, #tpu.memory_space<semaphore_mem>>) src(%dma_wait3A_6 : memref<1296x768xf32, #tpu.memory_space<hbm>>) dst(%arg6 : memref<32x768xf32, #tpu.memory_space<vmem>>)
    "tpu.region"() ({
      %run_scoped3A = tpu.sem_alloc : memref<!tpu.dma_semaphore, #tpu.memory_space<semaphore_mem>>
      %dma_start3A_7 = arith.constant 0 : i32
      %dma_start3A_8 = tpu.memref_slice %arg4[%mul3A_2, %dma_start3A_7] : memref<1024x768xf32, #tpu.memory_space<hbm>> -> memref<32x768xf32, #tpu.memory_space<hbm>>
      %dma_start3A_9 = arith.constant 0 : i32
      %dma_start3A_10 = tpu.memref_slice %arg4[%mul3A_2, %dma_start3A_9] : memref<1024x768xf32, #tpu.memory_space<hbm>> -> memref<32x768xf32, #tpu.memory_space<hbm>>
      tpu.enqueue_dma source(%arg6 : memref<32x768xf32, #tpu.memory_space<vmem>>) target(%dma_start3A_10 : memref<32x768xf32, #tpu.memory_space<hbm>>) target_semaphore(%run_scoped3A : memref<!tpu.dma_semaphore, #tpu.memory_space<semaphore_mem>>)
      %dma_wait3A_11 = arith.constant 0 : i32
      %dma_wait3A_12 = tpu.memref_slice %arg4[%mul3A_2, %dma_wait3A_11] : memref<1024x768xf32, #tpu.memory_space<hbm>> -> memref<32x768xf32, #tpu.memory_space<hbm>>
      %dma_wait3A_13 = arith.constant 0 : i32
      %dma_wait3A_14 = tpu.memref_slice %arg4[%mul3A_2, %dma_wait3A_13] : memref<1024x768xf32, #tpu.memory_space<hbm>> -> memref<32x768xf32, #tpu.memory_space<hbm>>
      tpu.wait_dma2 semaphore(%run_scoped3A : memref<!tpu.dma_semaphore, #tpu.memory_space<semaphore_mem>>) src(%arg6 : memref<32x768xf32, #tpu.memory_space<vmem>>) dst(%dma_wait3A_14 : memref<32x768xf32, #tpu.memory_space<hbm>>)
      tpu.yield
    }) : () -> ()
    return
  }
}

module attributes {stable_mosaic.version = 14 : i64} {
  func.func @_dense_kernel(%arg0: i32, %arg1: memref<1024x768xf32, #tpu.memory_space<vmem>>, %arg2: memref<1x1x768xf32, #tpu.memory_space<vmem>>, %arg3: memref<1x768x768xf32, #tpu.memory_space<vmem>>, %arg4: memref<1x768x768xf32, #tpu.memory_space<vmem>>, %arg5: memref<1x1x768xf32, #tpu.memory_space<vmem>>, %arg6: memref<1x192x3072xf32, #tpu.memory_space<vmem>>, %arg7: memref<1x768x768xf32, #tpu.memory_space<vmem>>, %arg8: memref<1024x768xf32, #tpu.memory_space<vmem>>, %arg9: memref<4x1024x192xf32, #tpu.memory_space<vmem>>, %arg10: memref<4x1024x768xf32, #tpu.memory_space<vmem>>) attributes {dimension_semantics = [#tpu.dimension_semantics<arbitrary>], iteration_bounds = array<i64: 9>, scalar_prefetch = 0 : i64, scratch_operands = 2 : i64, tpu.core_type = #tpu.core_type<tc>, window_params = [{pipeline_mode = #tpu.pipeline_mode<synchronous>, transform_indices = @transform_0, window_bounds = array<i64: 1024, 768>}, {transform_indices = @transform_1, window_bounds = array<i64: 1, 1, 768>}, {transform_indices = @transform_2, window_bounds = array<i64: 1, 768, 768>}, {transform_indices = @transform_3, window_bounds = array<i64: 1, 768, 768>}, {transform_indices = @transform_4, window_bounds = array<i64: 1, 1, 768>}, {transform_indices = @transform_5, window_bounds = array<i64: 1, 192, 3072>}, {transform_indices = @transform_6, window_bounds = array<i64: 1, 768, 768>}, {pipeline_mode = #tpu.pipeline_mode<synchronous>, transform_indices = @transform_7, window_bounds = array<i64: 1024, 768>}]} {
    %eq3A = arith.constant 0 : i32
    %eq3A_0 = arith.cmpi eq, %arg0, %eq3A : i32
    %convert_element_type3A = arith.extui %eq3A_0 : i1 to i32
    %cond3A = arith.constant 0 : i32
    %cond3A_1 = arith.cmpi ne, %convert_element_type3A, %cond3A : i32
    scf.if %cond3A_1 {
      %get3A = arith.constant 0 : index
      %get3A_12 = arith.constant 0 : index
      %get3A_13 = vector.load %arg1[%get3A, %get3A_12] : memref<1024x768xf32, #tpu.memory_space<vmem>>, vector<1024x768xf32>
      %get3A_14 = arith.constant 0 : index
      %get3A_15 = arith.constant 0 : index
      %get3A_16 = arith.constant 0 : index
      %get3A_17 = vector.load %arg2[%get3A_14, %get3A_15, %get3A_16] : memref<1x1x768xf32, #tpu.memory_space<vmem>>, vector<1x1x768xf32>
      %get3A_18 = vector.shape_cast %get3A_17 : vector<1x1x768xf32> to vector<1x768xf32>
      %mul3A = arith.mulf %get3A_13, %get3A_13 : vector<1024x768xf32>
      %reduce_sum3A = arith.constant dense<0.000000e+00> : vector<1024xf32>
      %reduce_sum3A_19 = vector.multi_reduction <add>, %mul3A, %reduce_sum3A [1] : vector<1024x768xf32> to vector<1024xf32>
      %broadcast_in_dim3A = vector.shape_cast %reduce_sum3A_19 : vector<1024xf32> to vector<1024x1xf32>
      %div3A = arith.constant 7.680000e+02 : f32
      %div3A_20 = vector.broadcast %div3A : f32 to vector<1024x1xf32>
      %div3A_21 = arith.divf %broadcast_in_dim3A, %div3A_20 : vector<1024x1xf32>
      %add3A = arith.constant 9.99999997E-7 : f32
      %add3A_22 = vector.broadcast %add3A : f32 to vector<1024x1xf32>
      %add3A_23 = arith.addf %div3A_21, %add3A_22 : vector<1024x1xf32>
      %rsqrt3A = math.rsqrt %add3A_23 : vector<1024x1xf32>
      %mul3A_24 = vector.broadcast %rsqrt3A : vector<1024x1xf32> to vector<1024x768xf32>
      %mul3A_25 = arith.mulf %get3A_13, %mul3A_24 : vector<1024x768xf32>
      %mul3A_26 = vector.broadcast %get3A_18 : vector<1x768xf32> to vector<1024x768xf32>
      %mul3A_27 = arith.mulf %mul3A_25, %mul3A_26 : vector<1024x768xf32>
      %get3A_28 = arith.constant 0 : index
      %get3A_29 = arith.constant 0 : index
      %get3A_30 = arith.constant 0 : index
      %get3A_31 = vector.load %arg3[%get3A_28, %get3A_29, %get3A_30] : memref<1x768x768xf32, #tpu.memory_space<vmem>>, vector<1x768x768xf32>
      %get3A_32 = vector.shape_cast %get3A_31 : vector<1x768x768xf32> to vector<768x768xf32>
      %dot_general3A = arith.constant dense<0.000000e+00> : vector<1024x768xf32>
      %dot_general3A_33 = tpu.matmul %mul3A_27, %get3A_32, %dot_general3A {dimension_numbers = #tpu.dot_dimension_numbers<[1], [0], [0], [1], [0, 0, 1, 1], [], []>, transpose_lhs_hint = false} : vector<1024x768xf32>, vector<768x768xf32>, vector<1024x768xf32> -> vector<1024x768xf32>
      %get3A_34 = arith.constant 0 : index
      %get3A_35 = arith.constant 0 : index
      %get3A_36 = arith.constant 0 : index
      %get3A_37 = vector.load %arg4[%get3A_34, %get3A_35, %get3A_36] : memref<1x768x768xf32, #tpu.memory_space<vmem>>, vector<1x768x768xf32>
      %get3A_38 = vector.shape_cast %get3A_37 : vector<1x768x768xf32> to vector<768x768xf32>
      %dot_general3A_39 = arith.constant dense<0.000000e+00> : vector<1024x768xf32>
      %dot_general3A_40 = tpu.matmul %dot_general3A_33, %get3A_38, %dot_general3A_39 {dimension_numbers = #tpu.dot_dimension_numbers<[1], [0], [0], [1], [0, 0, 1, 1], [], []>, transpose_lhs_hint = false} : vector<1024x768xf32>, vector<768x768xf32>, vector<1024x768xf32> -> vector<1024x768xf32>
      %add3A_41 = arith.addf %get3A_13, %dot_general3A_40 : vector<1024x768xf32>
      %swap3A = arith.constant 0 : index
      %swap3A_42 = arith.constant 0 : index
      %swap3A_43 = vector.load %arg8[%swap3A, %swap3A_42] : memref<1024x768xf32, #tpu.memory_space<vmem>>, vector<1024x768xf32>
      tpu.vector_store %arg8[%swap3A, %swap3A_42], %add3A_41 {strides = array<i32>} : memref<1024x768xf32, #tpu.memory_space<vmem>>, vector<1024x768xf32>,
      %get3A_44 = arith.constant 0 : index
      %get3A_45 = arith.constant 0 : index
      %get3A_46 = arith.constant 0 : index
      %get3A_47 = vector.load %arg5[%get3A_44, %get3A_45, %get3A_46] : memref<1x1x768xf32, #tpu.memory_space<vmem>>, vector<1x1x768xf32>
      %get3A_48 = vector.shape_cast %get3A_47 : vector<1x1x768xf32> to vector<1x768xf32>
      %mul3A_49 = arith.mulf %add3A_41, %add3A_41 : vector<1024x768xf32>
      %reduce_sum3A_50 = arith.constant dense<0.000000e+00> : vector<1024xf32>
      %reduce_sum3A_51 = vector.multi_reduction <add>, %mul3A_49, %reduce_sum3A_50 [1] : vector<1024x768xf32> to vector<1024xf32>
      %broadcast_in_dim3A_52 = vector.shape_cast %reduce_sum3A_51 : vector<1024xf32> to vector<1024x1xf32>
      %div3A_53 = arith.constant 7.680000e+02 : f32
      %div3A_54 = vector.broadcast %div3A_53 : f32 to vector<1024x1xf32>
      %div3A_55 = arith.divf %broadcast_in_dim3A_52, %div3A_54 : vector<1024x1xf32>
      %add3A_56 = arith.constant 9.99999997E-7 : f32
      %add3A_57 = vector.broadcast %add3A_56 : f32 to vector<1024x1xf32>
      %add3A_58 = arith.addf %div3A_55, %add3A_57 : vector<1024x1xf32>
      %rsqrt3A_59 = math.rsqrt %add3A_58 : vector<1024x1xf32>
      %mul3A_60 = vector.broadcast %rsqrt3A_59 : vector<1024x1xf32> to vector<1024x768xf32>
      %mul3A_61 = arith.mulf %add3A_41, %mul3A_60 : vector<1024x768xf32>
      %mul3A_62 = vector.broadcast %get3A_48 : vector<1x768xf32> to vector<1024x768xf32>
      %mul3A_63 = arith.mulf %mul3A_61, %mul3A_62 : vector<1024x768xf32>
      %slice3A = vector.extract_strided_slice %mul3A_63 {offsets = [0, 0], sizes = [1024, 192], strides = [1, 1]} : vector<1024x768xf32> to vector<1024x192xf32>
      %swap3A_64 = arith.constant 0 : index
      %swap3A_65 = arith.constant 0 : index
      %swap3A_66 = arith.constant 0 : index
      %swap3A_67 = vector.load %arg9[%swap3A_64, %swap3A_65, %swap3A_66] : memref<4x1024x192xf32, #tpu.memory_space<vmem>>, vector<1x1024x192xf32>
      %swap3A_68 = vector.shape_cast %swap3A_67 : vector<1x1024x192xf32> to vector<1024x192xf32>
      %swap3A_69 = vector.shape_cast %slice3A : vector<1024x192xf32> to vector<1x1024x192xf32>
      tpu.vector_store %arg9[%swap3A_64, %swap3A_65, %swap3A_66], %swap3A_69 {strides = array<i32>} : memref<4x1024x192xf32, #tpu.memory_space<vmem>>, vector<1x1024x192xf32>,
      %slice3A_70 = vector.extract_strided_slice %mul3A_63 {offsets = [0, 192], sizes = [1024, 192], strides = [1, 1]} : vector<1024x768xf32> to vector<1024x192xf32>
      %swap3A_71 = arith.constant 1 : index
      %swap3A_72 = arith.constant 0 : index
      %swap3A_73 = arith.constant 0 : index
      %swap3A_74 = vector.load %arg9[%swap3A_71, %swap3A_72, %swap3A_73] : memref<4x1024x192xf32, #tpu.memory_space<vmem>>, vector<1x1024x192xf32>
      %swap3A_75 = vector.shape_cast %swap3A_74 : vector<1x1024x192xf32> to vector<1024x192xf32>
      %swap3A_76 = vector.shape_cast %slice3A_70 : vector<1024x192xf32> to vector<1x1024x192xf32>
      tpu.vector_store %arg9[%swap3A_71, %swap3A_72, %swap3A_73], %swap3A_76 {strides = array<i32>} : memref<4x1024x192xf32, #tpu.memory_space<vmem>>, vector<1x1024x192xf32>,
      %slice3A_77 = vector.extract_strided_slice %mul3A_63 {offsets = [0, 384], sizes = [1024, 192], strides = [1, 1]} : vector<1024x768xf32> to vector<1024x192xf32>
      %swap3A_78 = arith.constant 2 : index
      %swap3A_79 = arith.constant 0 : index
      %swap3A_80 = arith.constant 0 : index
      %swap3A_81 = vector.load %arg9[%swap3A_78, %swap3A_79, %swap3A_80] : memref<4x1024x192xf32, #tpu.memory_space<vmem>>, vector<1x1024x192xf32>
      %swap3A_82 = vector.shape_cast %swap3A_81 : vector<1x1024x192xf32> to vector<1024x192xf32>
      %swap3A_83 = vector.shape_cast %slice3A_77 : vector<1024x192xf32> to vector<1x1024x192xf32>
      tpu.vector_store %arg9[%swap3A_78, %swap3A_79, %swap3A_80], %swap3A_83 {strides = array<i32>} : memref<4x1024x192xf32, #tpu.memory_space<vmem>>, vector<1x1024x192xf32>,
      %slice3A_84 = vector.extract_strided_slice %mul3A_63 {offsets = [0, 576], sizes = [1024, 192], strides = [1, 1]} : vector<1024x768xf32> to vector<1024x192xf32>
      %swap3A_85 = arith.constant 3 : index
      %swap3A_86 = arith.constant 0 : index
      %swap3A_87 = arith.constant 0 : index
      %swap3A_88 = vector.load %arg9[%swap3A_85, %swap3A_86, %swap3A_87] : memref<4x1024x192xf32, #tpu.memory_space<vmem>>, vector<1x1024x192xf32>
      %swap3A_89 = vector.shape_cast %swap3A_88 : vector<1x1024x192xf32> to vector<1024x192xf32>
      %swap3A_90 = vector.shape_cast %slice3A_84 : vector<1024x192xf32> to vector<1x1024x192xf32>
      tpu.vector_store %arg9[%swap3A_85, %swap3A_86, %swap3A_87], %swap3A_90 {strides = array<i32>} : memref<4x1024x192xf32, #tpu.memory_space<vmem>>, vector<1x1024x192xf32>,
    } else {
    }
    %ge3A = arith.constant 1 : i32
    %ge3A_2 = arith.cmpi sge, %arg0, %ge3A : i32
    %le3A = arith.constant 4 : i32
    %le3A_3 = arith.cmpi sle, %arg0, %le3A : i32
    %and3A = arith.andi %ge3A_2, %le3A_3 : i1
    %convert_element_type3A_4 = arith.extui %and3A : i1 to i32
    %cond3A_5 = arith.constant 0 : i32
    %cond3A_6 = arith.cmpi ne, %convert_element_type3A_4, %cond3A_5 : i32
    scf.if %cond3A_6 {
      %sub3A = arith.constant 1 : i32
      %sub3A_12 = arith.subi %arg0, %sub3A : i32
      %get3A = arith.index_cast %sub3A_12 : i32 to index
      %get3A_13 = arith.constant 0 : index
      %get3A_14 = arith.constant 0 : index
      %get3A_15 = vector.load %arg9[%get3A, %get3A_13, %get3A_14] : memref<4x1024x192xf32, #tpu.memory_space<vmem>>, vector<1x1024x192xf32>
      %get3A_16 = vector.shape_cast %get3A_15 : vector<1x1024x192xf32> to vector<1024x192xf32>
      %get3A_17 = arith.constant 0 : index
      %get3A_18 = arith.constant 0 : index
      %get3A_19 = arith.constant 0 : index
      %get3A_20 = vector.load %arg6[%get3A_17, %get3A_18, %get3A_19] : memref<1x192x3072xf32, #tpu.memory_space<vmem>>, vector<1x192x3072xf32>
      %get3A_21 = vector.shape_cast %get3A_20 : vector<1x192x3072xf32> to vector<192x3072xf32>
      %dot_general3A = arith.constant dense<0.000000e+00> : vector<1024x3072xf32>
      %dot_general3A_22 = tpu.matmul %get3A_16, %get3A_21, %dot_general3A {dimension_numbers = #tpu.dot_dimension_numbers<[1], [0], [0], [1], [0, 0, 1, 1], [], []>, transpose_lhs_hint = false} : vector<1024x192xf32>, vector<192x3072xf32>, vector<1024x3072xf32> -> vector<1024x3072xf32>
      %slice3A = vector.extract_strided_slice %dot_general3A_22 {offsets = [0, 0], sizes = [1024, 768], strides = [1, 1]} : vector<1024x3072xf32> to vector<1024x768xf32>
      %eq3A_23 = arith.constant 0 : i32
      %eq3A_24 = arith.cmpi eq, %sub3A_12, %eq3A_23 : i32
      %convert_element_type3A_25 = arith.extui %eq3A_24 : i1 to i32
      %cond3A_26 = arith.constant 0 : i32
      %cond3A_27 = arith.cmpi ne, %convert_element_type3A_25, %cond3A_26 : i32
      scf.if %cond3A_27 {
        %swap3A = arith.constant 0 : index
        %swap3A_65 = arith.constant 0 : index
        %swap3A_66 = arith.constant 0 : index
        %swap3A_67 = vector.load %arg10[%swap3A, %swap3A_65, %swap3A_66] : memref<4x1024x768xf32, #tpu.memory_space<vmem>>, vector<1x1024x768xf32>
        %swap3A_68 = vector.shape_cast %swap3A_67 : vector<1x1024x768xf32> to vector<1024x768xf32>
        %swap3A_69 = vector.shape_cast %slice3A : vector<1024x768xf32> to vector<1x1024x768xf32>
        tpu.vector_store %arg10[%swap3A, %swap3A_65, %swap3A_66], %swap3A_69 {strides = array<i32>} : memref<4x1024x768xf32, #tpu.memory_space<vmem>>, vector<1x1024x768xf32>,
      } else {
      }
      %gt3A = arith.constant 0 : i32
      %gt3A_28 = arith.cmpi sgt, %sub3A_12, %gt3A : i32
      %convert_element_type3A_29 = arith.extui %gt3A_28 : i1 to i32
      %cond3A_30 = arith.constant 0 : i32
      %cond3A_31 = arith.cmpi ne, %convert_element_type3A_29, %cond3A_30 : i32
      scf.if %cond3A_31 {
        %get3A_65 = arith.constant 0 : index
        %get3A_66 = arith.constant 0 : index
        %get3A_67 = arith.constant 0 : index
        %get3A_68 = vector.load %arg10[%get3A_65, %get3A_66, %get3A_67] : memref<4x1024x768xf32, #tpu.memory_space<vmem>>, vector<1x1024x768xf32>
        %get3A_69 = vector.shape_cast %get3A_68 : vector<1x1024x768xf32> to vector<1024x768xf32>
        %add3A = arith.addf %get3A_69, %slice3A : vector<1024x768xf32>
        %swap3A = arith.constant 0 : index
        %swap3A_70 = arith.constant 0 : index
        %swap3A_71 = arith.constant 0 : index
        %swap3A_72 = vector.load %arg10[%swap3A, %swap3A_70, %swap3A_71] : memref<4x1024x768xf32, #tpu.memory_space<vmem>>, vector<1x1024x768xf32>
        %swap3A_73 = vector.shape_cast %swap3A_72 : vector<1x1024x768xf32> to vector<1024x768xf32>
        %swap3A_74 = vector.shape_cast %add3A : vector<1024x768xf32> to vector<1x1024x768xf32>
        tpu.vector_store %arg10[%swap3A, %swap3A_70, %swap3A_71], %swap3A_74 {strides = array<i32>} : memref<4x1024x768xf32, #tpu.memory_space<vmem>>, vector<1x1024x768xf32>,
      } else {
      }
      %slice3A_32 = vector.extract_strided_slice %dot_general3A_22 {offsets = [0, 768], sizes = [1024, 768], strides = [1, 1]} : vector<1024x3072xf32> to vector<1024x768xf32>
      %eq3A_33 = arith.constant 0 : i32
      %eq3A_34 = arith.cmpi eq, %sub3A_12, %eq3A_33 : i32
      %convert_element_type3A_35 = arith.extui %eq3A_34 : i1 to i32
      %cond3A_36 = arith.constant 0 : i32
      %cond3A_37 = arith.cmpi ne, %convert_element_type3A_35, %cond3A_36 : i32
      scf.if %cond3A_37 {
        %swap3A = arith.constant 1 : index
        %swap3A_65 = arith.constant 0 : index
        %swap3A_66 = arith.constant 0 : index
        %swap3A_67 = vector.load %arg10[%swap3A, %swap3A_65, %swap3A_66] : memref<4x1024x768xf32, #tpu.memory_space<vmem>>, vector<1x1024x768xf32>
        %swap3A_68 = vector.shape_cast %swap3A_67 : vector<1x1024x768xf32> to vector<1024x768xf32>
        %swap3A_69 = vector.shape_cast %slice3A_32 : vector<1024x768xf32> to vector<1x1024x768xf32>
        tpu.vector_store %arg10[%swap3A, %swap3A_65, %swap3A_66], %swap3A_69 {strides = array<i32>} : memref<4x1024x768xf32, #tpu.memory_space<vmem>>, vector<1x1024x768xf32>,
      } else {
      }
      %gt3A_38 = arith.constant 0 : i32
      %gt3A_39 = arith.cmpi sgt, %sub3A_12, %gt3A_38 : i32
      %convert_element_type3A_40 = arith.extui %gt3A_39 : i1 to i32
      %cond3A_41 = arith.constant 0 : i32
      %cond3A_42 = arith.cmpi ne, %convert_element_type3A_40, %cond3A_41 : i32
      scf.if %cond3A_42 {
        %get3A_65 = arith.constant 1 : index
        %get3A_66 = arith.constant 0 : index
        %get3A_67 = arith.constant 0 : index
        %get3A_68 = vector.load %arg10[%get3A_65, %get3A_66, %get3A_67] : memref<4x1024x768xf32, #tpu.memory_space<vmem>>, vector<1x1024x768xf32>
        %get3A_69 = vector.shape_cast %get3A_68 : vector<1x1024x768xf32> to vector<1024x768xf32>
        %add3A = arith.addf %get3A_69, %slice3A_32 : vector<1024x768xf32>
        %swap3A = arith.constant 1 : index
        %swap3A_70 = arith.constant 0 : index
        %swap3A_71 = arith.constant 0 : index
        %swap3A_72 = vector.load %arg10[%swap3A, %swap3A_70, %swap3A_71] : memref<4x1024x768xf32, #tpu.memory_space<vmem>>, vector<1x1024x768xf32>
        %swap3A_73 = vector.shape_cast %swap3A_72 : vector<1x1024x768xf32> to vector<1024x768xf32>
        %swap3A_74 = vector.shape_cast %add3A : vector<1024x768xf32> to vector<1x1024x768xf32>
        tpu.vector_store %arg10[%swap3A, %swap3A_70, %swap3A_71], %swap3A_74 {strides = array<i32>} : memref<4x1024x768xf32, #tpu.memory_space<vmem>>, vector<1x1024x768xf32>,
      } else {
      }
      %slice3A_43 = vector.extract_strided_slice %dot_general3A_22 {offsets = [0, 1536], sizes = [1024, 768], strides = [1, 1]} : vector<1024x3072xf32> to vector<1024x768xf32>
      %eq3A_44 = arith.constant 0 : i32
      %eq3A_45 = arith.cmpi eq, %sub3A_12, %eq3A_44 : i32
      %convert_element_type3A_46 = arith.extui %eq3A_45 : i1 to i32
      %cond3A_47 = arith.constant 0 : i32
      %cond3A_48 = arith.cmpi ne, %convert_element_type3A_46, %cond3A_47 : i32
      scf.if %cond3A_48 {
        %swap3A = arith.constant 2 : index
        %swap3A_65 = arith.constant 0 : index
        %swap3A_66 = arith.constant 0 : index
        %swap3A_67 = vector.load %arg10[%swap3A, %swap3A_65, %swap3A_66] : memref<4x1024x768xf32, #tpu.memory_space<vmem>>, vector<1x1024x768xf32>
        %swap3A_68 = vector.shape_cast %swap3A_67 : vector<1x1024x768xf32> to vector<1024x768xf32>
        %swap3A_69 = vector.shape_cast %slice3A_43 : vector<1024x768xf32> to vector<1x1024x768xf32>
        tpu.vector_store %arg10[%swap3A, %swap3A_65, %swap3A_66], %swap3A_69 {strides = array<i32>} : memref<4x1024x768xf32, #tpu.memory_space<vmem>>, vector<1x1024x768xf32>,
      } else {
      }
      %gt3A_49 = arith.constant 0 : i32
      %gt3A_50 = arith.cmpi sgt, %sub3A_12, %gt3A_49 : i32
      %convert_element_type3A_51 = arith.extui %gt3A_50 : i1 to i32
      %cond3A_52 = arith.constant 0 : i32
      %cond3A_53 = arith.cmpi ne, %convert_element_type3A_51, %cond3A_52 : i32
      scf.if %cond3A_53 {
        %get3A_65 = arith.constant 2 : index
        %get3A_66 = arith.constant 0 : index
        %get3A_67 = arith.constant 0 : index
        %get3A_68 = vector.load %arg10[%get3A_65, %get3A_66, %get3A_67] : memref<4x1024x768xf32, #tpu.memory_space<vmem>>, vector<1x1024x768xf32>
        %get3A_69 = vector.shape_cast %get3A_68 : vector<1x1024x768xf32> to vector<1024x768xf32>
        %add3A = arith.addf %get3A_69, %slice3A_43 : vector<1024x768xf32>
        %swap3A = arith.constant 2 : index
        %swap3A_70 = arith.constant 0 : index
        %swap3A_71 = arith.constant 0 : index
        %swap3A_72 = vector.load %arg10[%swap3A, %swap3A_70, %swap3A_71] : memref<4x1024x768xf32, #tpu.memory_space<vmem>>, vector<1x1024x768xf32>
        %swap3A_73 = vector.shape_cast %swap3A_72 : vector<1x1024x768xf32> to vector<1024x768xf32>
        %swap3A_74 = vector.shape_cast %add3A : vector<1024x768xf32> to vector<1x1024x768xf32>
        tpu.vector_store %arg10[%swap3A, %swap3A_70, %swap3A_71], %swap3A_74 {strides = array<i32>} : memref<4x1024x768xf32, #tpu.memory_space<vmem>>, vector<1x1024x768xf32>,
      } else {
      }
      %slice3A_54 = vector.extract_strided_slice %dot_general3A_22 {offsets = [0, 2304], sizes = [1024, 768], strides = [1, 1]} : vector<1024x3072xf32> to vector<1024x768xf32>
      %eq3A_55 = arith.constant 0 : i32
      %eq3A_56 = arith.cmpi eq, %sub3A_12, %eq3A_55 : i32
      %convert_element_type3A_57 = arith.extui %eq3A_56 : i1 to i32
      %cond3A_58 = arith.constant 0 : i32
      %cond3A_59 = arith.cmpi ne, %convert_element_type3A_57, %cond3A_58 : i32
      scf.if %cond3A_59 {
        %swap3A = arith.constant 3 : index
        %swap3A_65 = arith.constant 0 : index
        %swap3A_66 = arith.constant 0 : index
        %swap3A_67 = vector.load %arg10[%swap3A, %swap3A_65, %swap3A_66] : memref<4x1024x768xf32, #tpu.memory_space<vmem>>, vector<1x1024x768xf32>
        %swap3A_68 = vector.shape_cast %swap3A_67 : vector<1x1024x768xf32> to vector<1024x768xf32>
        %swap3A_69 = vector.shape_cast %slice3A_54 : vector<1024x768xf32> to vector<1x1024x768xf32>
        tpu.vector_store %arg10[%swap3A, %swap3A_65, %swap3A_66], %swap3A_69 {strides = array<i32>} : memref<4x1024x768xf32, #tpu.memory_space<vmem>>, vector<1x1024x768xf32>,
      } else {
      }
      %gt3A_60 = arith.constant 0 : i32
      %gt3A_61 = arith.cmpi sgt, %sub3A_12, %gt3A_60 : i32
      %convert_element_type3A_62 = arith.extui %gt3A_61 : i1 to i32
      %cond3A_63 = arith.constant 0 : i32
      %cond3A_64 = arith.cmpi ne, %convert_element_type3A_62, %cond3A_63 : i32
      scf.if %cond3A_64 {
        %get3A_65 = arith.constant 3 : index
        %get3A_66 = arith.constant 0 : index
        %get3A_67 = arith.constant 0 : index
        %get3A_68 = vector.load %arg10[%get3A_65, %get3A_66, %get3A_67] : memref<4x1024x768xf32, #tpu.memory_space<vmem>>, vector<1x1024x768xf32>
        %get3A_69 = vector.shape_cast %get3A_68 : vector<1x1024x768xf32> to vector<1024x768xf32>
        %add3A = arith.addf %get3A_69, %slice3A_54 : vector<1024x768xf32>
        %swap3A = arith.constant 3 : index
        %swap3A_70 = arith.constant 0 : index
        %swap3A_71 = arith.constant 0 : index
        %swap3A_72 = vector.load %arg10[%swap3A, %swap3A_70, %swap3A_71] : memref<4x1024x768xf32, #tpu.memory_space<vmem>>, vector<1x1024x768xf32>
        %swap3A_73 = vector.shape_cast %swap3A_72 : vector<1x1024x768xf32> to vector<1024x768xf32>
        %swap3A_74 = vector.shape_cast %add3A : vector<1024x768xf32> to vector<1x1024x768xf32>
        tpu.vector_store %arg10[%swap3A, %swap3A_70, %swap3A_71], %swap3A_74 {strides = array<i32>} : memref<4x1024x768xf32, #tpu.memory_space<vmem>>, vector<1x1024x768xf32>,
      } else {
      }
    } else {
    }
    %ge3A_7 = arith.constant 5 : i32
    %ge3A_8 = arith.cmpi sge, %arg0, %ge3A_7 : i32
    %convert_element_type3A_9 = arith.extui %ge3A_8 : i1 to i32
    %cond3A_10 = arith.constant 0 : i32
    %cond3A_11 = arith.cmpi ne, %convert_element_type3A_9, %cond3A_10 : i32
    scf.if %cond3A_11 {
      %sub3A = arith.constant 5 : i32
      %sub3A_12 = arith.subi %arg0, %sub3A : i32
      %get3A = arith.index_cast %sub3A_12 : i32 to index
      %get3A_13 = arith.constant 0 : index
      %get3A_14 = arith.constant 0 : index
      %get3A_15 = vector.load %arg10[%get3A, %get3A_13, %get3A_14] : memref<4x1024x768xf32, #tpu.memory_space<vmem>>, vector<1x1024x768xf32>
      %get3A_16 = vector.shape_cast %get3A_15 : vector<1x1024x768xf32> to vector<1024x768xf32>
      %max3A = arith.constant 0.000000e+00 : f32
      %max3A_17 = vector.broadcast %max3A : f32 to vector<1024x768xf32>
      %max3A_18 = arith.maximumf %get3A_16, %max3A_17 : vector<1024x768xf32>
      %get3A_19 = arith.constant 0 : index
      %get3A_20 = arith.constant 0 : index
      %get3A_21 = vector.load %arg8[%get3A_19, %get3A_20] : memref<1024x768xf32, #tpu.memory_space<vmem>>, vector<1024x768xf32>
      %get3A_22 = arith.constant 0 : index
      %get3A_23 = arith.constant 0 : index
      %get3A_24 = arith.constant 0 : index
      %get3A_25 = vector.load %arg7[%get3A_22, %get3A_23, %get3A_24] : memref<1x768x768xf32, #tpu.memory_space<vmem>>, vector<1x768x768xf32>
      %get3A_26 = vector.shape_cast %get3A_25 : vector<1x768x768xf32> to vector<768x768xf32>
      %dot_general3A = arith.constant dense<0.000000e+00> : vector<1024x768xf32>
      %dot_general3A_27 = tpu.matmul %max3A_18, %get3A_26, %dot_general3A {dimension_numbers = #tpu.dot_dimension_numbers<[1], [0], [0], [1], [0, 0, 1, 1], [], []>, transpose_lhs_hint = false} : vector<1024x768xf32>, vector<768x768xf32>, vector<1024x768xf32> -> vector<1024x768xf32>
      %add3A = arith.addf %get3A_21, %dot_general3A_27 : vector<1024x768xf32>
      %swap3A = arith.constant 0 : index
      %swap3A_28 = arith.constant 0 : index
      %swap3A_29 = vector.load %arg8[%swap3A, %swap3A_28] : memref<1024x768xf32, #tpu.memory_space<vmem>>, vector<1024x768xf32>
      tpu.vector_store %arg8[%swap3A, %swap3A_28], %add3A {strides = array<i32>} : memref<1024x768xf32, #tpu.memory_space<vmem>>, vector<1024x768xf32>,
    } else {
    }
    return
  }
  func.func @transform_0(%arg0: i32) -> (i32, i32) {
    %c0_i32 = arith.constant 0 : i32
    %c0_i32_0 = arith.constant 0 : i32
    %c0_i32_1 = arith.constant 0 : i32
    return %c0_i32, %c0_i32_0 : i32, i32
  }
  func.func @transform_1(%arg0: i32) -> (i32, i32, i32) {
    %c0_i32 = arith.constant 0 : i32
    %c0_i32_0 = arith.constant 0 : i32
    %c0_i32_1 = arith.constant 0 : i32
    %c0_i32_2 = arith.constant 0 : i32
    return %c0_i32, %c0_i32_0, %c0_i32_1 : i32, i32, i32
  }
  func.func @transform_2(%arg0: i32) -> (i32, i32, i32) {
    %c0_i32 = arith.constant 0 : i32
    %c0_i32_0 = arith.constant 0 : i32
    %c0_i32_1 = arith.constant 0 : i32
    %c0_i32_2 = arith.constant 0 : i32
    return %c0_i32, %c0_i32_0, %c0_i32_1 : i32, i32, i32
  }
  func.func @transform_3(%arg0: i32) -> (i32, i32, i32) {
    %c0_i32 = arith.constant 0 : i32
    %c0_i32_0 = arith.constant 0 : i32
    %c0_i32_1 = arith.constant 0 : i32
    %c0_i32_2 = arith.constant 0 : i32
    return %c0_i32, %c0_i32_0, %c0_i32_1 : i32, i32, i32
  }
  func.func @transform_4(%arg0: i32) -> (i32, i32, i32) {
    %c0_i32 = arith.constant 0 : i32
    %c0_i32_0 = arith.constant 0 : i32
    %c0_i32_1 = arith.constant 0 : i32
    %c0_i32_2 = arith.constant 0 : i32
    return %c0_i32, %c0_i32_0, %c0_i32_1 : i32, i32, i32
  }
  func.func @transform_5(%arg0: i32) -> (i32, i32, i32) {
    %sub3A = arith.constant 1 : i32
    %sub3A_0 = arith.subi %arg0, %sub3A : i32
    %jit3A = arith.constant 0 : i32
    %jit3A_1 = arith.constant 3 : i32
    %max3A = arith.maxsi %jit3A, %sub3A_0 : i32
    %min3A = arith.minsi %jit3A_1, %max3A : i32
    %c0_i32 = arith.constant 0 : i32
    %c0_i32_2 = arith.constant 0 : i32
    %c0_i32_3 = arith.constant 0 : i32
    return %c0_i32, %min3A, %c0_i32_2 : i32, i32, i32
  }
  func.func @transform_6(%arg0: i32) -> (i32, i32, i32) {
    %sub3A = arith.constant 5 : i32
    %sub3A_0 = arith.subi %arg0, %sub3A : i32
    %jit3A = arith.constant 0 : i32
    %jit3A_1 = arith.constant 3 : i32
    %max3A = arith.maxsi %jit3A, %sub3A_0 : i32
    %min3A = arith.minsi %jit3A_1, %max3A : i32
    %c0_i32 = arith.constant 0 : i32
    %c0_i32_2 = arith.constant 0 : i32
    %c0_i32_3 = arith.constant 0 : i32
    return %c0_i32, %min3A, %c0_i32_2 : i32, i32, i32
  }
  func.func @transform_7(%arg0: i32) -> (i32, i32) {
    %c0_i32 = arith.constant 0 : i32
    %c0_i32_0 = arith.constant 0 : i32
    %c0_i32_1 = arith.constant 0 : i32
    return %c0_i32, %c0_i32_0 : i32, i32
  }
}

module attributes {stable_mosaic.version = 14 : i64} {
  func.func @_moe_kernel(%arg0: i32, %arg1: memref<1024x768xf32, #tpu.memory_space<vmem>>, %arg2: memref<1x1x768xf32, #tpu.memory_space<vmem>>, %arg3: memref<1x768x768xf32, #tpu.memory_space<vmem>>, %arg4: memref<1x768x768xf32, #tpu.memory_space<vmem>>, %arg5: memref<1x1x768xf32, #tpu.memory_space<vmem>>, %arg6: memref<1x768x8xf32, #tpu.memory_space<vmem>>, %arg7: memref<1x1x384x3072xf32, #tpu.memory_space<vmem>>, %arg8: memref<1x1x384x3072xf32, #tpu.memory_space<vmem>>, %arg9: memref<1x1x1536x768xf32, #tpu.memory_space<vmem>>, %arg10: memref<1x1x1536x768xf32, #tpu.memory_space<vmem>>, %arg11: memref<1024x768xf32, #tpu.memory_space<vmem>>, %arg12: memref<1296x768xf32, #tpu.memory_space<vmem>>, %arg13: memref<1024x1xi32, #tpu.memory_space<vmem>>, %arg14: memref<1280x768xf32, #tpu.memory_space<vmem>>, %arg15: memref<1280x1xf32, #tpu.memory_space<vmem>>) attributes {dimension_semantics = [#tpu.dimension_semantics<arbitrary>], iteration_bounds = array<i64: 9>, scalar_prefetch = 0 : i64, scratch_operands = 2 : i64, tpu.core_type = #tpu.core_type<tc>, window_params = [{pipeline_mode = #tpu.pipeline_mode<synchronous>, transform_indices = @transform_0, window_bounds = array<i64: 1024, 768>}, {transform_indices = @transform_1, window_bounds = array<i64: 1, 1, 768>}, {transform_indices = @transform_2, window_bounds = array<i64: 1, 768, 768>}, {transform_indices = @transform_3, window_bounds = array<i64: 1, 768, 768>}, {transform_indices = @transform_4, window_bounds = array<i64: 1, 1, 768>}, {transform_indices = @transform_5, window_bounds = array<i64: 1, 768, 8>}, {transform_indices = @transform_6, window_bounds = array<i64: 1, 1, 384, 3072>}, {transform_indices = @transform_7, window_bounds = array<i64: 1, 1, 384, 3072>}, {transform_indices = @transform_8, window_bounds = array<i64: 1, 1, 1536, 768>}, {transform_indices = @transform_9, window_bounds = array<i64: 1, 1, 1536, 768>}, {pipeline_mode = #tpu.pipeline_mode<synchronous>, transform_indices = @transform_10, window_bounds = array<i64: 1024, 768>}, {pipeline_mode = #tpu.pipeline_mode<synchronous>, transform_indices = @transform_11, window_bounds = array<i64: 1296, 768>}, {pipeline_mode = #tpu.pipeline_mode<synchronous>, transform_indices = @transform_12, window_bounds = array<i64: 1024, 1>}]} {
    %eq3A = arith.constant 0 : i32
    %eq3A_0 = arith.cmpi eq, %arg0, %eq3A : i32
    %convert_element_type3A = arith.extui %eq3A_0 : i1 to i32
    %cond3A = arith.constant 0 : i32
    %cond3A_1 = arith.cmpi ne, %convert_element_type3A, %cond3A : i32
    scf.if %cond3A_1 {
      %get3A = arith.constant 0 : index
      %get3A_7 = arith.constant 0 : index
      %get3A_8 = vector.load %arg1[%get3A, %get3A_7] : memref<1024x768xf32, #tpu.memory_space<vmem>>, vector<1024x768xf32>
      %get3A_9 = arith.constant 0 : index
      %get3A_10 = arith.constant 0 : index
      %get3A_11 = arith.constant 0 : index
      %get3A_12 = vector.load %arg2[%get3A_9, %get3A_10, %get3A_11] : memref<1x1x768xf32, #tpu.memory_space<vmem>>, vector<1x1x768xf32>
      %get3A_13 = vector.shape_cast %get3A_12 : vector<1x1x768xf32> to vector<1x768xf32>
      %mul3A = arith.mulf %get3A_8, %get3A_8 : vector<1024x768xf32>
      %reduce_sum3A = arith.constant dense<0.000000e+00> : vector<1024xf32>
      %reduce_sum3A_14 = vector.multi_reduction <add>, %mul3A, %reduce_sum3A [1] : vector<1024x768xf32> to vector<1024xf32>
      %broadcast_in_dim3A = vector.shape_cast %reduce_sum3A_14 : vector<1024xf32> to vector<1024x1xf32>
      %div3A = arith.constant 7.680000e+02 : f32
      %div3A_15 = vector.broadcast %div3A : f32 to vector<1024x1xf32>
      %div3A_16 = arith.divf %broadcast_in_dim3A, %div3A_15 : vector<1024x1xf32>
      %add3A = arith.constant 9.99999997E-7 : f32
      %add3A_17 = vector.broadcast %add3A : f32 to vector<1024x1xf32>
      %add3A_18 = arith.addf %div3A_16, %add3A_17 : vector<1024x1xf32>
      %rsqrt3A = math.rsqrt %add3A_18 : vector<1024x1xf32>
      %mul3A_19 = vector.broadcast %rsqrt3A : vector<1024x1xf32> to vector<1024x768xf32>
      %mul3A_20 = arith.mulf %get3A_8, %mul3A_19 : vector<1024x768xf32>
      %mul3A_21 = vector.broadcast %get3A_13 : vector<1x768xf32> to vector<1024x768xf32>
      %mul3A_22 = arith.mulf %mul3A_20, %mul3A_21 : vector<1024x768xf32>
      %get3A_23 = arith.constant 0 : index
      %get3A_24 = arith.constant 0 : index
      %get3A_25 = arith.constant 0 : index
      %get3A_26 = vector.load %arg3[%get3A_23, %get3A_24, %get3A_25] : memref<1x768x768xf32, #tpu.memory_space<vmem>>, vector<1x768x768xf32>
      %get3A_27 = vector.shape_cast %get3A_26 : vector<1x768x768xf32> to vector<768x768xf32>
      %dot_general3A = arith.constant dense<0.000000e+00> : vector<1024x768xf32>
      %dot_general3A_28 = tpu.matmul %mul3A_22, %get3A_27, %dot_general3A {dimension_numbers = #tpu.dot_dimension_numbers<[1], [0], [0], [1], [0, 0, 1, 1], [], []>, transpose_lhs_hint = false} : vector<1024x768xf32>, vector<768x768xf32>, vector<1024x768xf32> -> vector<1024x768xf32>
      %get3A_29 = arith.constant 0 : index
      %get3A_30 = arith.constant 0 : index
      %get3A_31 = arith.constant 0 : index
      %get3A_32 = vector.load %arg4[%get3A_29, %get3A_30, %get3A_31] : memref<1x768x768xf32, #tpu.memory_space<vmem>>, vector<1x768x768xf32>
      %get3A_33 = vector.shape_cast %get3A_32 : vector<1x768x768xf32> to vector<768x768xf32>
      %dot_general3A_34 = arith.constant dense<0.000000e+00> : vector<1024x768xf32>
      %dot_general3A_35 = tpu.matmul %dot_general3A_28, %get3A_33, %dot_general3A_34 {dimension_numbers = #tpu.dot_dimension_numbers<[1], [0], [0], [1], [0, 0, 1, 1], [], []>, transpose_lhs_hint = false} : vector<1024x768xf32>, vector<768x768xf32>, vector<1024x768xf32> -> vector<1024x768xf32>
      %add3A_36 = arith.addf %get3A_8, %dot_general3A_35 : vector<1024x768xf32>
      %swap3A = arith.constant 0 : index
      %swap3A_37 = arith.constant 0 : index
      %swap3A_38 = vector.load %arg11[%swap3A, %swap3A_37] : memref<1024x768xf32, #tpu.memory_space<vmem>>, vector<1024x768xf32>
      tpu.vector_store %arg11[%swap3A, %swap3A_37], %add3A_36 {strides = array<i32>} : memref<1024x768xf32, #tpu.memory_space<vmem>>, vector<1024x768xf32>,
      %get3A_39 = arith.constant 0 : index
      %get3A_40 = arith.constant 0 : index
      %get3A_41 = arith.constant 0 : index
      %get3A_42 = vector.load %arg5[%get3A_39, %get3A_40, %get3A_41] : memref<1x1x768xf32, #tpu.memory_space<vmem>>, vector<1x1x768xf32>
      %get3A_43 = vector.shape_cast %get3A_42 : vector<1x1x768xf32> to vector<1x768xf32>
      %mul3A_44 = arith.mulf %add3A_36, %add3A_36 : vector<1024x768xf32>
      %reduce_sum3A_45 = arith.constant dense<0.000000e+00> : vector<1024xf32>
      %reduce_sum3A_46 = vector.multi_reduction <add>, %mul3A_44, %reduce_sum3A_45 [1] : vector<1024x768xf32> to vector<1024xf32>
      %broadcast_in_dim3A_47 = vector.shape_cast %reduce_sum3A_46 : vector<1024xf32> to vector<1024x1xf32>
      %div3A_48 = arith.constant 7.680000e+02 : f32
      %div3A_49 = vector.broadcast %div3A_48 : f32 to vector<1024x1xf32>
      %div3A_50 = arith.divf %broadcast_in_dim3A_47, %div3A_49 : vector<1024x1xf32>
      %add3A_51 = arith.constant 9.99999997E-7 : f32
      %add3A_52 = vector.broadcast %add3A_51 : f32 to vector<1024x1xf32>
      %add3A_53 = arith.addf %div3A_50, %add3A_52 : vector<1024x1xf32>
      %rsqrt3A_54 = math.rsqrt %add3A_53 : vector<1024x1xf32>
      %mul3A_55 = vector.broadcast %rsqrt3A_54 : vector<1024x1xf32> to vector<1024x768xf32>
      %mul3A_56 = arith.mulf %add3A_36, %mul3A_55 : vector<1024x768xf32>
      %mul3A_57 = vector.broadcast %get3A_43 : vector<1x768xf32> to vector<1024x768xf32>
      %mul3A_58 = arith.mulf %mul3A_56, %mul3A_57 : vector<1024x768xf32>
      %get3A_59 = arith.constant 0 : index
      %get3A_60 = arith.constant 0 : index
      %get3A_61 = arith.constant 0 : index
      %get3A_62 = vector.load %arg6[%get3A_59, %get3A_60, %get3A_61] : memref<1x768x8xf32, #tpu.memory_space<vmem>>, vector<1x768x8xf32>
      %get3A_63 = vector.shape_cast %get3A_62 : vector<1x768x8xf32> to vector<768x8xf32>
      %dot_general3A_64 = arith.constant dense<0.000000e+00> : vector<1024x8xf32>
      %dot_general3A_65 = tpu.matmul %mul3A_58, %get3A_63, %dot_general3A_64 {dimension_numbers = #tpu.dot_dimension_numbers<[1], [0], [0], [1], [0, 0, 1, 1], [], []>, transpose_lhs_hint = false} : vector<1024x768xf32>, vector<768x8xf32>, vector<1024x8xf32> -> vector<1024x8xf32>
      %iota3A = tpu.iota {dimensions = array<i32: 1>} : vector<1024x8xi32>
      %reduce_max3A = arith.constant dense<0xFF800000> : vector<1024xf32>
      %reduce_max3A_66 = vector.multi_reduction <maximumf>, %dot_general3A_65, %reduce_max3A [1] : vector<1024x8xf32> to vector<1024xf32>
      %broadcast_in_dim3A_67 = vector.shape_cast %reduce_max3A_66 : vector<1024xf32> to vector<1024x1xf32>
      %sub3A = vector.broadcast %broadcast_in_dim3A_67 : vector<1024x1xf32> to vector<1024x8xf32>
      %sub3A_68 = arith.subf %dot_general3A_65, %sub3A : vector<1024x8xf32>
      %exp3A = math.exp %sub3A_68 : vector<1024x8xf32>
      %reduce_sum3A_69 = arith.constant dense<0.000000e+00> : vector<1024xf32>
      %reduce_sum3A_70 = vector.multi_reduction <add>, %exp3A, %reduce_sum3A_69 [1] : vector<1024x8xf32> to vector<1024xf32>
      %broadcast_in_dim3A_71 = vector.shape_cast %reduce_sum3A_70 : vector<1024xf32> to vector<1024x1xf32>
      %div3A_72 = vector.broadcast %broadcast_in_dim3A_71 : vector<1024x1xf32> to vector<1024x8xf32>
      %div3A_73 = arith.divf %exp3A, %div3A_72 : vector<1024x8xf32>
      %reduce_max3A_74 = arith.constant dense<0xFF800000> : vector<1024xf32>
      %reduce_max3A_75 = vector.multi_reduction <maximumf>, %div3A_73, %reduce_max3A_74 [1] : vector<1024x8xf32> to vector<1024xf32>
      %broadcast_in_dim3A_76 = vector.shape_cast %reduce_max3A_75 : vector<1024xf32> to vector<1024x1xf32>
      %eq3A_77 = vector.broadcast %broadcast_in_dim3A_76 : vector<1024x1xf32> to vector<1024x8xf32>
      %eq3A_78 = arith.cmpf oeq, %div3A_73, %eq3A_77 : vector<1024x8xf32>
      %jit3A = arith.constant 8 : i32
      %broadcast_in_dim3A_79 = vector.broadcast %jit3A : i32 to vector<1024x8xi32>
      %select_n3A = arith.select %eq3A_78, %iota3A, %broadcast_in_dim3A_79 : vector<1024x8xi1>, vector<1024x8xi32>
      %reduce_min3A = arith.constant dense<2147483647> : vector<1024xi32>
      %reduce_min3A_80 = vector.multi_reduction <minsi>, %select_n3A, %reduce_min3A [1] : vector<1024x8xi32> to vector<1024xi32>
      %broadcast_in_dim3A_81 = vector.shape_cast %reduce_min3A_80 : vector<1024xi32> to vector<1024x1xi32>
      %eq3A_82 = vector.broadcast %broadcast_in_dim3A_81 : vector<1024x1xi32> to vector<1024x8xi32>
      %eq3A_83 = arith.cmpi eq, %iota3A, %eq3A_82 : vector<1024x8xi32>
      %convert_element_type3A_84 = arith.extui %eq3A_83 : vector<1024x8xi1> to vector<1024x8xi32>
      %convert_element_type3A_85 = arith.sitofp %convert_element_type3A_84 : vector<1024x8xi32> to vector<1024x8xf32>
      %iota3A_86 = tpu.iota {dimensions = array<i32: 0>} : vector<1024x1024xi32>
      %iota3A_87 = tpu.iota {dimensions = array<i32: 1>} : vector<1024x1024xi32>
      %lt3A = arith.cmpi slt, %iota3A_87, %iota3A_86 : vector<1024x1024xi32>
      %convert_element_type3A_88 = arith.extui %lt3A : vector<1024x1024xi1> to vector<1024x1024xi32>
      %convert_element_type3A_89 = arith.sitofp %convert_element_type3A_88 : vector<1024x1024xi32> to vector<1024x1024xf32>
      %dot_general3A_90 = arith.constant dense<0.000000e+00> : vector<1024x8xf32>
      %dot_general3A_91 = tpu.matmul %convert_element_type3A_89, %convert_element_type3A_85, %dot_general3A_90 {dimension_numbers = #tpu.dot_dimension_numbers<[1], [0], [0], [1], [0, 0, 1, 1], [], []>, transpose_lhs_hint = false} : vector<1024x1024xf32>, vector<1024x8xf32>, vector<1024x8xf32> -> vector<1024x8xf32>
      %mul3A_92 = arith.mulf %dot_general3A_91, %convert_element_type3A_85 : vector<1024x8xf32>
      %reduce_sum3A_93 = arith.constant dense<0.000000e+00> : vector<1024xf32>
      %reduce_sum3A_94 = vector.multi_reduction <add>, %mul3A_92, %reduce_sum3A_93 [1] : vector<1024x8xf32> to vector<1024xf32>
      %broadcast_in_dim3A_95 = vector.shape_cast %reduce_sum3A_94 : vector<1024xf32> to vector<1024x1xf32>
      %convert_element_type3A_96 = arith.fptosi %broadcast_in_dim3A_95 : vector<1024x1xf32> to vector<1024x1xi32>
      %lt3A_97 = arith.constant 160 : i32
      %lt3A_98 = vector.broadcast %lt3A_97 : i32 to vector<1024x1xi32>
      %lt3A_99 = arith.cmpi slt, %convert_element_type3A_96, %lt3A_98 : vector<1024x1xi32>
      %mul3A_100 = arith.constant 160 : i32
      %mul3A_101 = vector.broadcast %mul3A_100 : i32 to vector<1024x1xi32>
      %mul3A_102 = arith.muli %broadcast_in_dim3A_81, %mul3A_101 : vector<1024x1xi32>
      %add3A_103 = arith.addi %mul3A_102, %convert_element_type3A_96 : vector<1024x1xi32>
      %jit3A_104 = arith.constant 1280 : i32
      %broadcast_in_dim3A_105 = vector.broadcast %jit3A_104 : i32 to vector<1024x1xi32>
      %select_n3A_106 = arith.select %lt3A_99, %add3A_103, %broadcast_in_dim3A_105 : vector<1024x1xi1>, vector<1024x1xi32>
      %swap3A_107 = arith.constant 0 : index
      %swap3A_108 = arith.constant 0 : index
      %swap3A_109 = vector.load %arg13[%swap3A_107, %swap3A_108] : memref<1024x1xi32, #tpu.memory_space<vmem>>, vector<1024x1xi32>
      tpu.vector_store %arg13[%swap3A_107, %swap3A_108], %select_n3A_106 {strides = array<i32>} : memref<1024x1xi32, #tpu.memory_space<vmem>>, vector<1024x1xi32>,
      %iota3A_110 = tpu.iota {dimensions = array<i32: 1>} : vector<1024x1280xi32>
      %eq3A_111 = vector.broadcast %select_n3A_106 : vector<1024x1xi32> to vector<1024x1280xi32>
      %eq3A_112 = arith.cmpi eq, %iota3A_110, %eq3A_111 : vector<1024x1280xi32>
      %convert_element_type3A_113 = arith.extui %eq3A_112 : vector<1024x1280xi1> to vector<1024x1280xi32>
      %convert_element_type3A_114 = arith.sitofp %convert_element_type3A_113 : vector<1024x1280xi32> to vector<1024x1280xf32>
      %dot_general3A_115 = arith.constant dense<0.000000e+00> : vector<1280x1xf32>
      %dot_general3A_116 = tpu.matmul %convert_element_type3A_114, %broadcast_in_dim3A_76, %dot_general3A_115 {dimension_numbers = #tpu.dot_dimension_numbers<[0], [0], [1], [1], [0, 1, 1, 1], [], []>, transpose_lhs_hint = false} : vector<1024x1280xf32>, vector<1024x1xf32>, vector<1280x1xf32> -> vector<1280x1xf32>
      %swap3A_117 = arith.constant 0 : index
      %swap3A_118 = arith.constant 0 : index
      %swap3A_119 = vector.load %arg15[%swap3A_117, %swap3A_118] : memref<1280x1xf32, #tpu.memory_space<vmem>>, vector<1280x1xf32>
      tpu.vector_store %arg15[%swap3A_117, %swap3A_118], %dot_general3A_116 {strides = array<i32>} : memref<1280x1xf32, #tpu.memory_space<vmem>>, vector<1280x1xf32>,
      %dot_general3A_120 = arith.constant dense<0.000000e+00> : vector<1280x768xf32>
      %dot_general3A_121 = tpu.matmul %convert_element_type3A_114, %mul3A_58, %dot_general3A_120 {dimension_numbers = #tpu.dot_dimension_numbers<[0], [0], [1], [1], [0, 1, 1, 1], [], []>, transpose_lhs_hint = false} : vector<1024x1280xf32>, vector<1024x768xf32>, vector<1280x768xf32> -> vector<1280x768xf32>
      %swap3A_122 = arith.constant 0 : index
      %swap3A_123 = arith.constant 0 : index
      %swap3A_124 = vector.load %arg14[%swap3A_122, %swap3A_123] : memref<1280x768xf32, #tpu.memory_space<vmem>>, vector<1280x768xf32>
      tpu.vector_store %arg14[%swap3A_122, %swap3A_123], %dot_general3A_121 {strides = array<i32>} : memref<1280x768xf32, #tpu.memory_space<vmem>>, vector<1280x768xf32>,
      %broadcast_in_dim3A_125 = arith.constant 0.000000e+00 : f32
      %broadcast_in_dim3A_126 = vector.broadcast %broadcast_in_dim3A_125 : f32 to vector<16x768xf32>
      %swap3A_127 = arith.constant 1280 : index
      %swap3A_128 = arith.constant 0 : index
      %swap3A_129 = vector.load %arg12[%swap3A_127, %swap3A_128] : memref<1296x768xf32, #tpu.memory_space<vmem>>, vector<16x768xf32>
      tpu.vector_store %arg12[%swap3A_127, %swap3A_128], %broadcast_in_dim3A_126 {strides = array<i32>} : memref<1296x768xf32, #tpu.memory_space<vmem>>, vector<16x768xf32>,
    } else {
    }
    %ge3A = arith.constant 1 : i32
    %ge3A_2 = arith.cmpi sge, %arg0, %ge3A : i32
    %le3A = arith.constant 8 : i32
    %le3A_3 = arith.cmpi sle, %arg0, %le3A : i32
    %and3A = arith.andi %ge3A_2, %le3A_3 : i1
    %convert_element_type3A_4 = arith.extui %and3A : i1 to i32
    %cond3A_5 = arith.constant 0 : i32
    %cond3A_6 = arith.cmpi ne, %convert_element_type3A_4, %cond3A_5 : i32
    scf.if %cond3A_6 {
      %sub3A = arith.constant 1 : i32
      %sub3A_7 = arith.subi %arg0, %sub3A : i32
      %mul3A = arith.constant 160 : i32
      %mul3A_8 = arith.muli %sub3A_7, %mul3A : i32
      %get3A = arith.index_cast %mul3A_8 : i32 to index
      %get3A_9 = arith.constant 0 : index
      %get3A_10 = vector.load %arg14[%get3A, %get3A_9] : memref<1280x768xf32, #tpu.memory_space<vmem>>, vector<160x768xf32>
      %slice3A = vector.extract_strided_slice %get3A_10 {offsets = [0, 0], sizes = [160, 384], strides = [1, 1]} : vector<160x768xf32> to vector<160x384xf32>
      %get3A_11 = arith.constant 0 : index
      %get3A_12 = arith.constant 0 : index
      %get3A_13 = arith.constant 0 : index
      %get3A_14 = arith.constant 0 : index
      %get3A_15 = vector.load %arg7[%get3A_11, %get3A_12, %get3A_13, %get3A_14] : memref<1x1x384x3072xf32, #tpu.memory_space<vmem>>, vector<1x1x384x3072xf32>
      %get3A_16 = vector.shape_cast %get3A_15 : vector<1x1x384x3072xf32> to vector<384x3072xf32>
      %dot_general3A = arith.constant dense<0.000000e+00> : vector<160x3072xf32>
      %dot_general3A_17 = tpu.matmul %slice3A, %get3A_16, %dot_general3A {dimension_numbers = #tpu.dot_dimension_numbers<[1], [0], [0], [1], [0, 0, 1, 1], [], []>, transpose_lhs_hint = false} : vector<160x384xf32>, vector<384x3072xf32>, vector<160x3072xf32> -> vector<160x3072xf32>
      %slice3A_18 = vector.extract_strided_slice %get3A_10 {offsets = [0, 384], sizes = [160, 384], strides = [1, 1]} : vector<160x768xf32> to vector<160x384xf32>
      %get3A_19 = arith.constant 0 : index
      %get3A_20 = arith.constant 0 : index
      %get3A_21 = arith.constant 0 : index
      %get3A_22 = arith.constant 0 : index
      %get3A_23 = vector.load %arg8[%get3A_19, %get3A_20, %get3A_21, %get3A_22] : memref<1x1x384x3072xf32, #tpu.memory_space<vmem>>, vector<1x1x384x3072xf32>
      %get3A_24 = vector.shape_cast %get3A_23 : vector<1x1x384x3072xf32> to vector<384x3072xf32>
      %dot_general3A_25 = arith.constant dense<0.000000e+00> : vector<160x3072xf32>
      %dot_general3A_26 = tpu.matmul %slice3A_18, %get3A_24, %dot_general3A_25 {dimension_numbers = #tpu.dot_dimension_numbers<[1], [0], [0], [1], [0, 0, 1, 1], [], []>, transpose_lhs_hint = false} : vector<160x384xf32>, vector<384x3072xf32>, vector<160x3072xf32> -> vector<160x3072xf32>
      %add3A = arith.addf %dot_general3A_17, %dot_general3A_26 : vector<160x3072xf32>
      %max3A = arith.constant 0.000000e+00 : f32
      %max3A_27 = vector.broadcast %max3A : f32 to vector<160x3072xf32>
      %max3A_28 = arith.maximumf %add3A, %max3A_27 : vector<160x3072xf32>
      %slice3A_29 = vector.extract_strided_slice %max3A_28 {offsets = [0, 0], sizes = [160, 1536], strides = [1, 1]} : vector<160x3072xf32> to vector<160x1536xf32>
      %get3A_30 = arith.constant 0 : index
      %get3A_31 = arith.constant 0 : index
      %get3A_32 = arith.constant 0 : index
      %get3A_33 = arith.constant 0 : index
      %get3A_34 = vector.load %arg9[%get3A_30, %get3A_31, %get3A_32, %get3A_33] : memref<1x1x1536x768xf32, #tpu.memory_space<vmem>>, vector<1x1x1536x768xf32>
      %get3A_35 = vector.shape_cast %get3A_34 : vector<1x1x1536x768xf32> to vector<1536x768xf32>
      %dot_general3A_36 = arith.constant dense<0.000000e+00> : vector<160x768xf32>
      %dot_general3A_37 = tpu.matmul %slice3A_29, %get3A_35, %dot_general3A_36 {dimension_numbers = #tpu.dot_dimension_numbers<[1], [0], [0], [1], [0, 0, 1, 1], [], []>, transpose_lhs_hint = false} : vector<160x1536xf32>, vector<1536x768xf32>, vector<160x768xf32> -> vector<160x768xf32>
      %slice3A_38 = vector.extract_strided_slice %max3A_28 {offsets = [0, 1536], sizes = [160, 1536], strides = [1, 1]} : vector<160x3072xf32> to vector<160x1536xf32>
      %get3A_39 = arith.constant 0 : index
      %get3A_40 = arith.constant 0 : index
      %get3A_41 = arith.constant 0 : index
      %get3A_42 = arith.constant 0 : index
      %get3A_43 = vector.load %arg10[%get3A_39, %get3A_40, %get3A_41, %get3A_42] : memref<1x1x1536x768xf32, #tpu.memory_space<vmem>>, vector<1x1x1536x768xf32>
      %get3A_44 = vector.shape_cast %get3A_43 : vector<1x1x1536x768xf32> to vector<1536x768xf32>
      %dot_general3A_45 = arith.constant dense<0.000000e+00> : vector<160x768xf32>
      %dot_general3A_46 = tpu.matmul %slice3A_38, %get3A_44, %dot_general3A_45 {dimension_numbers = #tpu.dot_dimension_numbers<[1], [0], [0], [1], [0, 0, 1, 1], [], []>, transpose_lhs_hint = false} : vector<160x1536xf32>, vector<1536x768xf32>, vector<160x768xf32> -> vector<160x768xf32>
      %add3A_47 = arith.addf %dot_general3A_37, %dot_general3A_46 : vector<160x768xf32>
      %mul3A_48 = arith.constant 160 : i32
      %mul3A_49 = arith.muli %sub3A_7, %mul3A_48 : i32
      %get3A_50 = arith.index_cast %mul3A_49 : i32 to index
      %get3A_51 = arith.constant 0 : index
      %get3A_52 = vector.load %arg15[%get3A_50, %get3A_51] : memref<1280x1xf32, #tpu.memory_space<vmem>>, vector<160x1xf32>
      %mul3A_53 = vector.broadcast %get3A_52 : vector<160x1xf32> to vector<160x768xf32>
      %mul3A_54 = arith.mulf %add3A_47, %mul3A_53 : vector<160x768xf32>
      %mul3A_55 = arith.constant 160 : i32
      %mul3A_56 = arith.muli %sub3A_7, %mul3A_55 : i32
      %swap3A = arith.index_cast %mul3A_56 : i32 to index
      %swap3A_57 = arith.constant 0 : index
      %swap3A_58 = vector.load %arg12[%swap3A, %swap3A_57] : memref<1296x768xf32, #tpu.memory_space<vmem>>, vector<160x768xf32>
      tpu.vector_store %arg12[%swap3A, %swap3A_57], %mul3A_54 {strides = array<i32>} : memref<1296x768xf32, #tpu.memory_space<vmem>>, vector<160x768xf32>,
    } else {
    }
    return
  }
  func.func @transform_0(%arg0: i32) -> (i32, i32) {
    %c0_i32 = arith.constant 0 : i32
    %c0_i32_0 = arith.constant 0 : i32
    %c0_i32_1 = arith.constant 0 : i32
    return %c0_i32, %c0_i32_0 : i32, i32
  }
  func.func @transform_1(%arg0: i32) -> (i32, i32, i32) {
    %c1_i32 = arith.constant 1 : i32
    %c0_i32 = arith.constant 0 : i32
    %c0_i32_0 = arith.constant 0 : i32
    %c0_i32_1 = arith.constant 0 : i32
    return %c1_i32, %c0_i32, %c0_i32_0 : i32, i32, i32
  }
  func.func @transform_2(%arg0: i32) -> (i32, i32, i32) {
    %c1_i32 = arith.constant 1 : i32
    %c0_i32 = arith.constant 0 : i32
    %c0_i32_0 = arith.constant 0 : i32
    %c0_i32_1 = arith.constant 0 : i32
    return %c1_i32, %c0_i32, %c0_i32_0 : i32, i32, i32
  }
  func.func @transform_3(%arg0: i32) -> (i32, i32, i32) {
    %c1_i32 = arith.constant 1 : i32
    %c0_i32 = arith.constant 0 : i32
    %c0_i32_0 = arith.constant 0 : i32
    %c0_i32_1 = arith.constant 0 : i32
    return %c1_i32, %c0_i32, %c0_i32_0 : i32, i32, i32
  }
  func.func @transform_4(%arg0: i32) -> (i32, i32, i32) {
    %c1_i32 = arith.constant 1 : i32
    %c0_i32 = arith.constant 0 : i32
    %c0_i32_0 = arith.constant 0 : i32
    %c0_i32_1 = arith.constant 0 : i32
    return %c1_i32, %c0_i32, %c0_i32_0 : i32, i32, i32
  }
  func.func @transform_5(%arg0: i32) -> (i32, i32, i32) {
    %c0_i32 = arith.constant 0 : i32
    %c0_i32_0 = arith.constant 0 : i32
    %c0_i32_1 = arith.constant 0 : i32
    %c0_i32_2 = arith.constant 0 : i32
    return %c0_i32, %c0_i32_0, %c0_i32_1 : i32, i32, i32
  }
  func.func @transform_6(%arg0: i32) -> (i32, i32, i32, i32) {
    %sub3A = arith.constant 1 : i32
    %sub3A_0 = arith.subi %arg0, %sub3A : i32
    %jit3A = arith.constant 0 : i32
    %jit3A_1 = arith.constant 7 : i32
    %max3A = arith.maxsi %jit3A, %sub3A_0 : i32
    %min3A = arith.minsi %jit3A_1, %max3A : i32
    %c0_i32 = arith.constant 0 : i32
    %c0_i32_2 = arith.constant 0 : i32
    %c0_i32_3 = arith.constant 0 : i32
    %c0_i32_4 = arith.constant 0 : i32
    return %c0_i32, %min3A, %c0_i32_2, %c0_i32_3 : i32, i32, i32, i32
  }
  func.func @transform_7(%arg0: i32) -> (i32, i32, i32, i32) {
    %sub3A = arith.constant 1 : i32
    %sub3A_0 = arith.subi %arg0, %sub3A : i32
    %jit3A = arith.constant 0 : i32
    %jit3A_1 = arith.constant 7 : i32
    %max3A = arith.maxsi %jit3A, %sub3A_0 : i32
    %min3A = arith.minsi %jit3A_1, %max3A : i32
    %c0_i32 = arith.constant 0 : i32
    %c1_i32 = arith.constant 1 : i32
    %c0_i32_2 = arith.constant 0 : i32
    %c0_i32_3 = arith.constant 0 : i32
    return %c0_i32, %min3A, %c1_i32, %c0_i32_2 : i32, i32, i32, i32
  }
  func.func @transform_8(%arg0: i32) -> (i32, i32, i32, i32) {
    %sub3A = arith.constant 1 : i32
    %sub3A_0 = arith.subi %arg0, %sub3A : i32
    %jit3A = arith.constant 0 : i32
    %jit3A_1 = arith.constant 7 : i32
    %max3A = arith.maxsi %jit3A, %sub3A_0 : i32
    %min3A = arith.minsi %jit3A_1, %max3A : i32
    %c0_i32 = arith.constant 0 : i32
    %c0_i32_2 = arith.constant 0 : i32
    %c0_i32_3 = arith.constant 0 : i32
    %c0_i32_4 = arith.constant 0 : i32
    return %c0_i32, %min3A, %c0_i32_2, %c0_i32_3 : i32, i32, i32, i32
  }
  func.func @transform_9(%arg0: i32) -> (i32, i32, i32, i32) {
    %sub3A = arith.constant 1 : i32
    %sub3A_0 = arith.subi %arg0, %sub3A : i32
    %jit3A = arith.constant 0 : i32
    %jit3A_1 = arith.constant 7 : i32
    %max3A = arith.maxsi %jit3A, %sub3A_0 : i32
    %min3A = arith.minsi %jit3A_1, %max3A : i32
    %c0_i32 = arith.constant 0 : i32
    %c1_i32 = arith.constant 1 : i32
    %c0_i32_2 = arith.constant 0 : i32
    %c0_i32_3 = arith.constant 0 : i32
    return %c0_i32, %min3A, %c1_i32, %c0_i32_2 : i32, i32, i32, i32
  }
  func.func @transform_10(%arg0: i32) -> (i32, i32) {
    %c0_i32 = arith.constant 0 : i32
    %c0_i32_0 = arith.constant 0 : i32
    %c0_i32_1 = arith.constant 0 : i32
    return %c0_i32, %c0_i32_0 : i32, i32
  }
  func.func @transform_11(%arg0: i32) -> (i32, i32) {
    %c0_i32 = arith.constant 0 : i32
    %c0_i32_0 = arith.constant 0 : i32
    %c0_i32_1 = arith.constant 0 : i32
    return %c0_i32, %c0_i32_0 : i32, i32
  }
  func.func @transform_12(%arg0: i32) -> (i32, i32) {
    %c0_i32 = arith.constant 0 : i32
    %c0_i32_0 = arith.constant 0 : i32
    %c0_i32_1 = arith.constant 0 : i32
    return %c0_i32, %c0_i32_0 : i32, i32
  }
}

module attributes {stable_mosaic.version = 14 : i64} {
  func.func @_proj_kernel(%arg0: i32, %arg1: memref<256x3072xf32, #tpu.memory_space<vmem>>, %arg2: memref<3072x768xf32, #tpu.memory_space<vmem>>, %arg3: memref<1x768xf32, #tpu.memory_space<vmem>>, %arg4: memref<256x768xf32, #tpu.memory_space<vmem>>) attributes {dimension_semantics = [#tpu.dimension_semantics<arbitrary>], iteration_bounds = array<i64: 4>, scalar_prefetch = 0 : i64, scratch_operands = 0 : i64, tpu.core_type = #tpu.core_type<tc>, window_params = [{transform_indices = @transform_0, window_bounds = array<i64: 256, 3072>}, {pipeline_mode = #tpu.pipeline_mode<synchronous>, transform_indices = @transform_1, window_bounds = array<i64: 3072, 768>}, {pipeline_mode = #tpu.pipeline_mode<synchronous>, transform_indices = @transform_2, window_bounds = array<i64: 1, 768>}, {transform_indices = @transform_3, window_bounds = array<i64: 256, 768>}]} {
    %get3A = arith.constant 0 : index
    %get3A_0 = arith.constant 0 : index
    %get3A_1 = vector.load %arg1[%get3A, %get3A_0] : memref<256x3072xf32, #tpu.memory_space<vmem>>, vector<256x3072xf32>
    %get3A_2 = arith.constant 0 : index
    %get3A_3 = arith.constant 0 : index
    %get3A_4 = vector.load %arg2[%get3A_2, %get3A_3] : memref<3072x768xf32, #tpu.memory_space<vmem>>, vector<3072x768xf32>
    %dot_general3A = arith.constant dense<0.000000e+00> : vector<256x768xf32>
    %dot_general3A_5 = tpu.matmul %get3A_1, %get3A_4, %dot_general3A {dimension_numbers = #tpu.dot_dimension_numbers<[1], [0], [0], [1], [0, 0, 1, 1], [], []>, transpose_lhs_hint = false} : vector<256x3072xf32>, vector<3072x768xf32>, vector<256x768xf32> -> vector<256x768xf32>
    %get3A_6 = arith.constant 0 : index
    %get3A_7 = arith.constant 0 : index
    %get3A_8 = vector.load %arg3[%get3A_6, %get3A_7] : memref<1x768xf32, #tpu.memory_space<vmem>>, vector<1x768xf32>
    %add3A = vector.broadcast %get3A_8 : vector<1x768xf32> to vector<256x768xf32>
    %add3A_9 = arith.addf %dot_general3A_5, %add3A : vector<256x768xf32>
    %swap3A = arith.constant 0 : index
    %swap3A_10 = arith.constant 0 : index
    %swap3A_11 = vector.load %arg4[%swap3A, %swap3A_10] : memref<256x768xf32, #tpu.memory_space<vmem>>, vector<256x768xf32>
    tpu.vector_store %arg4[%swap3A, %swap3A_10], %add3A_9 {strides = array<i32>} : memref<256x768xf32, #tpu.memory_space<vmem>>, vector<256x768xf32>,
    return
  }
  func.func @transform_0(%arg0: i32) -> (i32, i32) {
    %c0_i32 = arith.constant 0 : i32
    %c0_i32_0 = arith.constant 0 : i32
    return %arg0, %c0_i32 : i32, i32
  }
  func.func @transform_1(%arg0: i32) -> (i32, i32) {
    %c0_i32 = arith.constant 0 : i32
    %c0_i32_0 = arith.constant 0 : i32
    %c0_i32_1 = arith.constant 0 : i32
    return %c0_i32, %c0_i32_0 : i32, i32
  }
  func.func @transform_2(%arg0: i32) -> (i32, i32) {
    %c0_i32 = arith.constant 0 : i32
    %c0_i32_0 = arith.constant 0 : i32
    %c0_i32_1 = arith.constant 0 : i32
    return %c0_i32, %c0_i32_0 : i32, i32
  }
  func.func @transform_3(%arg0: i32) -> (i32, i32) {
    %c0_i32 = arith.constant 0 : i32
    %c0_i32_0 = arith.constant 0 : i32
    return %arg0, %c0_i32 : i32, i32
  }
}

module attributes {stable_mosaic.version = 14 : i64} {
  func.func @_dense_kernel(%arg0: i32, %arg1: memref<1024x768xf32, #tpu.memory_space<vmem>>, %arg2: memref<1024x768xf32, #tpu.memory_space<vmem>>, %arg3: memref<1x1x768xf32, #tpu.memory_space<vmem>>, %arg4: memref<1x768x768xf32, #tpu.memory_space<vmem>>, %arg5: memref<1x768x768xf32, #tpu.memory_space<vmem>>, %arg6: memref<1x1x768xf32, #tpu.memory_space<vmem>>, %arg7: memref<1x192x3072xf32, #tpu.memory_space<vmem>>, %arg8: memref<1x768x768xf32, #tpu.memory_space<vmem>>, %arg9: memref<1024x768xf32, #tpu.memory_space<vmem>>, %arg10: memref<4x1024x192xf32, #tpu.memory_space<vmem>>, %arg11: memref<4x1024x768xf32, #tpu.memory_space<vmem>>) attributes {dimension_semantics = [#tpu.dimension_semantics<arbitrary>], iteration_bounds = array<i64: 9>, scalar_prefetch = 0 : i64, scratch_operands = 2 : i64, tpu.core_type = #tpu.core_type<tc>, window_params = [{pipeline_mode = #tpu.pipeline_mode<synchronous>, transform_indices = @transform_0, window_bounds = array<i64: 1024, 768>}, {pipeline_mode = #tpu.pipeline_mode<synchronous>, transform_indices = @transform_1, window_bounds = array<i64: 1024, 768>}, {transform_indices = @transform_2, window_bounds = array<i64: 1, 1, 768>}, {transform_indices = @transform_3, window_bounds = array<i64: 1, 768, 768>}, {transform_indices = @transform_4, window_bounds = array<i64: 1, 768, 768>}, {transform_indices = @transform_5, window_bounds = array<i64: 1, 1, 768>}, {transform_indices = @transform_6, window_bounds = array<i64: 1, 192, 3072>}, {transform_indices = @transform_7, window_bounds = array<i64: 1, 768, 768>}, {pipeline_mode = #tpu.pipeline_mode<synchronous>, transform_indices = @transform_8, window_bounds = array<i64: 1024, 768>}]} {
    %eq3A = arith.constant 0 : i32
    %eq3A_0 = arith.cmpi eq, %arg0, %eq3A : i32
    %convert_element_type3A = arith.extui %eq3A_0 : i1 to i32
    %cond3A = arith.constant 0 : i32
    %cond3A_1 = arith.cmpi ne, %convert_element_type3A, %cond3A : i32
    scf.if %cond3A_1 {
      %get3A = arith.constant 0 : index
      %get3A_12 = arith.constant 0 : index
      %get3A_13 = vector.load %arg1[%get3A, %get3A_12] : memref<1024x768xf32, #tpu.memory_space<vmem>>, vector<1024x768xf32>
      %get3A_14 = arith.constant 0 : index
      %get3A_15 = arith.constant 0 : index
      %get3A_16 = vector.load %arg2[%get3A_14, %get3A_15] : memref<1024x768xf32, #tpu.memory_space<vmem>>, vector<1024x768xf32>
      %add3A = arith.addf %get3A_13, %get3A_16 : vector<1024x768xf32>
      %get3A_17 = arith.constant 0 : index
      %get3A_18 = arith.constant 0 : index
      %get3A_19 = arith.constant 0 : index
      %get3A_20 = vector.load %arg3[%get3A_17, %get3A_18, %get3A_19] : memref<1x1x768xf32, #tpu.memory_space<vmem>>, vector<1x1x768xf32>
      %get3A_21 = vector.shape_cast %get3A_20 : vector<1x1x768xf32> to vector<1x768xf32>
      %mul3A = arith.mulf %add3A, %add3A : vector<1024x768xf32>
      %reduce_sum3A = arith.constant dense<0.000000e+00> : vector<1024xf32>
      %reduce_sum3A_22 = vector.multi_reduction <add>, %mul3A, %reduce_sum3A [1] : vector<1024x768xf32> to vector<1024xf32>
      %broadcast_in_dim3A = vector.shape_cast %reduce_sum3A_22 : vector<1024xf32> to vector<1024x1xf32>
      %div3A = arith.constant 7.680000e+02 : f32
      %div3A_23 = vector.broadcast %div3A : f32 to vector<1024x1xf32>
      %div3A_24 = arith.divf %broadcast_in_dim3A, %div3A_23 : vector<1024x1xf32>
      %add3A_25 = arith.constant 9.99999997E-7 : f32
      %add3A_26 = vector.broadcast %add3A_25 : f32 to vector<1024x1xf32>
      %add3A_27 = arith.addf %div3A_24, %add3A_26 : vector<1024x1xf32>
      %rsqrt3A = math.rsqrt %add3A_27 : vector<1024x1xf32>
      %mul3A_28 = vector.broadcast %rsqrt3A : vector<1024x1xf32> to vector<1024x768xf32>
      %mul3A_29 = arith.mulf %add3A, %mul3A_28 : vector<1024x768xf32>
      %mul3A_30 = vector.broadcast %get3A_21 : vector<1x768xf32> to vector<1024x768xf32>
      %mul3A_31 = arith.mulf %mul3A_29, %mul3A_30 : vector<1024x768xf32>
      %get3A_32 = arith.constant 0 : index
      %get3A_33 = arith.constant 0 : index
      %get3A_34 = arith.constant 0 : index
      %get3A_35 = vector.load %arg4[%get3A_32, %get3A_33, %get3A_34] : memref<1x768x768xf32, #tpu.memory_space<vmem>>, vector<1x768x768xf32>
      %get3A_36 = vector.shape_cast %get3A_35 : vector<1x768x768xf32> to vector<768x768xf32>
      %dot_general3A = arith.constant dense<0.000000e+00> : vector<1024x768xf32>
      %dot_general3A_37 = tpu.matmul %mul3A_31, %get3A_36, %dot_general3A {dimension_numbers = #tpu.dot_dimension_numbers<[1], [0], [0], [1], [0, 0, 1, 1], [], []>, transpose_lhs_hint = false} : vector<1024x768xf32>, vector<768x768xf32>, vector<1024x768xf32> -> vector<1024x768xf32>
      %get3A_38 = arith.constant 0 : index
      %get3A_39 = arith.constant 0 : index
      %get3A_40 = arith.constant 0 : index
      %get3A_41 = vector.load %arg5[%get3A_38, %get3A_39, %get3A_40] : memref<1x768x768xf32, #tpu.memory_space<vmem>>, vector<1x768x768xf32>
      %get3A_42 = vector.shape_cast %get3A_41 : vector<1x768x768xf32> to vector<768x768xf32>
      %dot_general3A_43 = arith.constant dense<0.000000e+00> : vector<1024x768xf32>
      %dot_general3A_44 = tpu.matmul %dot_general3A_37, %get3A_42, %dot_general3A_43 {dimension_numbers = #tpu.dot_dimension_numbers<[1], [0], [0], [1], [0, 0, 1, 1], [], []>, transpose_lhs_hint = false} : vector<1024x768xf32>, vector<768x768xf32>, vector<1024x768xf32> -> vector<1024x768xf32>
      %add3A_45 = arith.addf %add3A, %dot_general3A_44 : vector<1024x768xf32>
      %swap3A = arith.constant 0 : index
      %swap3A_46 = arith.constant 0 : index
      %swap3A_47 = vector.load %arg9[%swap3A, %swap3A_46] : memref<1024x768xf32, #tpu.memory_space<vmem>>, vector<1024x768xf32>
      tpu.vector_store %arg9[%swap3A, %swap3A_46], %add3A_45 {strides = array<i32>} : memref<1024x768xf32, #tpu.memory_space<vmem>>, vector<1024x768xf32>,
      %get3A_48 = arith.constant 0 : index
      %get3A_49 = arith.constant 0 : index
      %get3A_50 = arith.constant 0 : index
      %get3A_51 = vector.load %arg6[%get3A_48, %get3A_49, %get3A_50] : memref<1x1x768xf32, #tpu.memory_space<vmem>>, vector<1x1x768xf32>
      %get3A_52 = vector.shape_cast %get3A_51 : vector<1x1x768xf32> to vector<1x768xf32>
      %mul3A_53 = arith.mulf %add3A_45, %add3A_45 : vector<1024x768xf32>
      %reduce_sum3A_54 = arith.constant dense<0.000000e+00> : vector<1024xf32>
      %reduce_sum3A_55 = vector.multi_reduction <add>, %mul3A_53, %reduce_sum3A_54 [1] : vector<1024x768xf32> to vector<1024xf32>
      %broadcast_in_dim3A_56 = vector.shape_cast %reduce_sum3A_55 : vector<1024xf32> to vector<1024x1xf32>
      %div3A_57 = arith.constant 7.680000e+02 : f32
      %div3A_58 = vector.broadcast %div3A_57 : f32 to vector<1024x1xf32>
      %div3A_59 = arith.divf %broadcast_in_dim3A_56, %div3A_58 : vector<1024x1xf32>
      %add3A_60 = arith.constant 9.99999997E-7 : f32
      %add3A_61 = vector.broadcast %add3A_60 : f32 to vector<1024x1xf32>
      %add3A_62 = arith.addf %div3A_59, %add3A_61 : vector<1024x1xf32>
      %rsqrt3A_63 = math.rsqrt %add3A_62 : vector<1024x1xf32>
      %mul3A_64 = vector.broadcast %rsqrt3A_63 : vector<1024x1xf32> to vector<1024x768xf32>
      %mul3A_65 = arith.mulf %add3A_45, %mul3A_64 : vector<1024x768xf32>
      %mul3A_66 = vector.broadcast %get3A_52 : vector<1x768xf32> to vector<1024x768xf32>
      %mul3A_67 = arith.mulf %mul3A_65, %mul3A_66 : vector<1024x768xf32>
      %slice3A = vector.extract_strided_slice %mul3A_67 {offsets = [0, 0], sizes = [1024, 192], strides = [1, 1]} : vector<1024x768xf32> to vector<1024x192xf32>
      %swap3A_68 = arith.constant 0 : index
      %swap3A_69 = arith.constant 0 : index
      %swap3A_70 = arith.constant 0 : index
      %swap3A_71 = vector.load %arg10[%swap3A_68, %swap3A_69, %swap3A_70] : memref<4x1024x192xf32, #tpu.memory_space<vmem>>, vector<1x1024x192xf32>
      %swap3A_72 = vector.shape_cast %swap3A_71 : vector<1x1024x192xf32> to vector<1024x192xf32>
      %swap3A_73 = vector.shape_cast %slice3A : vector<1024x192xf32> to vector<1x1024x192xf32>
      tpu.vector_store %arg10[%swap3A_68, %swap3A_69, %swap3A_70], %swap3A_73 {strides = array<i32>} : memref<4x1024x192xf32, #tpu.memory_space<vmem>>, vector<1x1024x192xf32>,
      %slice3A_74 = vector.extract_strided_slice %mul3A_67 {offsets = [0, 192], sizes = [1024, 192], strides = [1, 1]} : vector<1024x768xf32> to vector<1024x192xf32>
      %swap3A_75 = arith.constant 1 : index
      %swap3A_76 = arith.constant 0 : index
      %swap3A_77 = arith.constant 0 : index
      %swap3A_78 = vector.load %arg10[%swap3A_75, %swap3A_76, %swap3A_77] : memref<4x1024x192xf32, #tpu.memory_space<vmem>>, vector<1x1024x192xf32>
      %swap3A_79 = vector.shape_cast %swap3A_78 : vector<1x1024x192xf32> to vector<1024x192xf32>
      %swap3A_80 = vector.shape_cast %slice3A_74 : vector<1024x192xf32> to vector<1x1024x192xf32>
      tpu.vector_store %arg10[%swap3A_75, %swap3A_76, %swap3A_77], %swap3A_80 {strides = array<i32>} : memref<4x1024x192xf32, #tpu.memory_space<vmem>>, vector<1x1024x192xf32>,
      %slice3A_81 = vector.extract_strided_slice %mul3A_67 {offsets = [0, 384], sizes = [1024, 192], strides = [1, 1]} : vector<1024x768xf32> to vector<1024x192xf32>
      %swap3A_82 = arith.constant 2 : index
      %swap3A_83 = arith.constant 0 : index
      %swap3A_84 = arith.constant 0 : index
      %swap3A_85 = vector.load %arg10[%swap3A_82, %swap3A_83, %swap3A_84] : memref<4x1024x192xf32, #tpu.memory_space<vmem>>, vector<1x1024x192xf32>
      %swap3A_86 = vector.shape_cast %swap3A_85 : vector<1x1024x192xf32> to vector<1024x192xf32>
      %swap3A_87 = vector.shape_cast %slice3A_81 : vector<1024x192xf32> to vector<1x1024x192xf32>
      tpu.vector_store %arg10[%swap3A_82, %swap3A_83, %swap3A_84], %swap3A_87 {strides = array<i32>} : memref<4x1024x192xf32, #tpu.memory_space<vmem>>, vector<1x1024x192xf32>,
      %slice3A_88 = vector.extract_strided_slice %mul3A_67 {offsets = [0, 576], sizes = [1024, 192], strides = [1, 1]} : vector<1024x768xf32> to vector<1024x192xf32>
      %swap3A_89 = arith.constant 3 : index
      %swap3A_90 = arith.constant 0 : index
      %swap3A_91 = arith.constant 0 : index
      %swap3A_92 = vector.load %arg10[%swap3A_89, %swap3A_90, %swap3A_91] : memref<4x1024x192xf32, #tpu.memory_space<vmem>>, vector<1x1024x192xf32>
      %swap3A_93 = vector.shape_cast %swap3A_92 : vector<1x1024x192xf32> to vector<1024x192xf32>
      %swap3A_94 = vector.shape_cast %slice3A_88 : vector<1024x192xf32> to vector<1x1024x192xf32>
      tpu.vector_store %arg10[%swap3A_89, %swap3A_90, %swap3A_91], %swap3A_94 {strides = array<i32>} : memref<4x1024x192xf32, #tpu.memory_space<vmem>>, vector<1x1024x192xf32>,
    } else {
    }
    %ge3A = arith.constant 1 : i32
    %ge3A_2 = arith.cmpi sge, %arg0, %ge3A : i32
    %le3A = arith.constant 4 : i32
    %le3A_3 = arith.cmpi sle, %arg0, %le3A : i32
    %and3A = arith.andi %ge3A_2, %le3A_3 : i1
    %convert_element_type3A_4 = arith.extui %and3A : i1 to i32
    %cond3A_5 = arith.constant 0 : i32
    %cond3A_6 = arith.cmpi ne, %convert_element_type3A_4, %cond3A_5 : i32
    scf.if %cond3A_6 {
      %sub3A = arith.constant 1 : i32
      %sub3A_12 = arith.subi %arg0, %sub3A : i32
      %get3A = arith.index_cast %sub3A_12 : i32 to index
      %get3A_13 = arith.constant 0 : index
      %get3A_14 = arith.constant 0 : index
      %get3A_15 = vector.load %arg10[%get3A, %get3A_13, %get3A_14] : memref<4x1024x192xf32, #tpu.memory_space<vmem>>, vector<1x1024x192xf32>
      %get3A_16 = vector.shape_cast %get3A_15 : vector<1x1024x192xf32> to vector<1024x192xf32>
      %get3A_17 = arith.constant 0 : index
      %get3A_18 = arith.constant 0 : index
      %get3A_19 = arith.constant 0 : index
      %get3A_20 = vector.load %arg7[%get3A_17, %get3A_18, %get3A_19] : memref<1x192x3072xf32, #tpu.memory_space<vmem>>, vector<1x192x3072xf32>
      %get3A_21 = vector.shape_cast %get3A_20 : vector<1x192x3072xf32> to vector<192x3072xf32>
      %dot_general3A = arith.constant dense<0.000000e+00> : vector<1024x3072xf32>
      %dot_general3A_22 = tpu.matmul %get3A_16, %get3A_21, %dot_general3A {dimension_numbers = #tpu.dot_dimension_numbers<[1], [0], [0], [1], [0, 0, 1, 1], [], []>, transpose_lhs_hint = false} : vector<1024x192xf32>, vector<192x3072xf32>, vector<1024x3072xf32> -> vector<1024x3072xf32>
      %slice3A = vector.extract_strided_slice %dot_general3A_22 {offsets = [0, 0], sizes = [1024, 768], strides = [1, 1]} : vector<1024x3072xf32> to vector<1024x768xf32>
      %eq3A_23 = arith.constant 0 : i32
      %eq3A_24 = arith.cmpi eq, %sub3A_12, %eq3A_23 : i32
      %convert_element_type3A_25 = arith.extui %eq3A_24 : i1 to i32
      %cond3A_26 = arith.constant 0 : i32
      %cond3A_27 = arith.cmpi ne, %convert_element_type3A_25, %cond3A_26 : i32
      scf.if %cond3A_27 {
        %swap3A = arith.constant 0 : index
        %swap3A_65 = arith.constant 0 : index
        %swap3A_66 = arith.constant 0 : index
        %swap3A_67 = vector.load %arg11[%swap3A, %swap3A_65, %swap3A_66] : memref<4x1024x768xf32, #tpu.memory_space<vmem>>, vector<1x1024x768xf32>
        %swap3A_68 = vector.shape_cast %swap3A_67 : vector<1x1024x768xf32> to vector<1024x768xf32>
        %swap3A_69 = vector.shape_cast %slice3A : vector<1024x768xf32> to vector<1x1024x768xf32>
        tpu.vector_store %arg11[%swap3A, %swap3A_65, %swap3A_66], %swap3A_69 {strides = array<i32>} : memref<4x1024x768xf32, #tpu.memory_space<vmem>>, vector<1x1024x768xf32>,
      } else {
      }
      %gt3A = arith.constant 0 : i32
      %gt3A_28 = arith.cmpi sgt, %sub3A_12, %gt3A : i32
      %convert_element_type3A_29 = arith.extui %gt3A_28 : i1 to i32
      %cond3A_30 = arith.constant 0 : i32
      %cond3A_31 = arith.cmpi ne, %convert_element_type3A_29, %cond3A_30 : i32
      scf.if %cond3A_31 {
        %get3A_65 = arith.constant 0 : index
        %get3A_66 = arith.constant 0 : index
        %get3A_67 = arith.constant 0 : index
        %get3A_68 = vector.load %arg11[%get3A_65, %get3A_66, %get3A_67] : memref<4x1024x768xf32, #tpu.memory_space<vmem>>, vector<1x1024x768xf32>
        %get3A_69 = vector.shape_cast %get3A_68 : vector<1x1024x768xf32> to vector<1024x768xf32>
        %add3A = arith.addf %get3A_69, %slice3A : vector<1024x768xf32>
        %swap3A = arith.constant 0 : index
        %swap3A_70 = arith.constant 0 : index
        %swap3A_71 = arith.constant 0 : index
        %swap3A_72 = vector.load %arg11[%swap3A, %swap3A_70, %swap3A_71] : memref<4x1024x768xf32, #tpu.memory_space<vmem>>, vector<1x1024x768xf32>
        %swap3A_73 = vector.shape_cast %swap3A_72 : vector<1x1024x768xf32> to vector<1024x768xf32>
        %swap3A_74 = vector.shape_cast %add3A : vector<1024x768xf32> to vector<1x1024x768xf32>
        tpu.vector_store %arg11[%swap3A, %swap3A_70, %swap3A_71], %swap3A_74 {strides = array<i32>} : memref<4x1024x768xf32, #tpu.memory_space<vmem>>, vector<1x1024x768xf32>,
      } else {
      }
      %slice3A_32 = vector.extract_strided_slice %dot_general3A_22 {offsets = [0, 768], sizes = [1024, 768], strides = [1, 1]} : vector<1024x3072xf32> to vector<1024x768xf32>
      %eq3A_33 = arith.constant 0 : i32
      %eq3A_34 = arith.cmpi eq, %sub3A_12, %eq3A_33 : i32
      %convert_element_type3A_35 = arith.extui %eq3A_34 : i1 to i32
      %cond3A_36 = arith.constant 0 : i32
      %cond3A_37 = arith.cmpi ne, %convert_element_type3A_35, %cond3A_36 : i32
      scf.if %cond3A_37 {
        %swap3A = arith.constant 1 : index
        %swap3A_65 = arith.constant 0 : index
        %swap3A_66 = arith.constant 0 : index
        %swap3A_67 = vector.load %arg11[%swap3A, %swap3A_65, %swap3A_66] : memref<4x1024x768xf32, #tpu.memory_space<vmem>>, vector<1x1024x768xf32>
        %swap3A_68 = vector.shape_cast %swap3A_67 : vector<1x1024x768xf32> to vector<1024x768xf32>
        %swap3A_69 = vector.shape_cast %slice3A_32 : vector<1024x768xf32> to vector<1x1024x768xf32>
        tpu.vector_store %arg11[%swap3A, %swap3A_65, %swap3A_66], %swap3A_69 {strides = array<i32>} : memref<4x1024x768xf32, #tpu.memory_space<vmem>>, vector<1x1024x768xf32>,
      } else {
      }
      %gt3A_38 = arith.constant 0 : i32
      %gt3A_39 = arith.cmpi sgt, %sub3A_12, %gt3A_38 : i32
      %convert_element_type3A_40 = arith.extui %gt3A_39 : i1 to i32
      %cond3A_41 = arith.constant 0 : i32
      %cond3A_42 = arith.cmpi ne, %convert_element_type3A_40, %cond3A_41 : i32
      scf.if %cond3A_42 {
        %get3A_65 = arith.constant 1 : index
        %get3A_66 = arith.constant 0 : index
        %get3A_67 = arith.constant 0 : index
        %get3A_68 = vector.load %arg11[%get3A_65, %get3A_66, %get3A_67] : memref<4x1024x768xf32, #tpu.memory_space<vmem>>, vector<1x1024x768xf32>
        %get3A_69 = vector.shape_cast %get3A_68 : vector<1x1024x768xf32> to vector<1024x768xf32>
        %add3A = arith.addf %get3A_69, %slice3A_32 : vector<1024x768xf32>
        %swap3A = arith.constant 1 : index
        %swap3A_70 = arith.constant 0 : index
        %swap3A_71 = arith.constant 0 : index
        %swap3A_72 = vector.load %arg11[%swap3A, %swap3A_70, %swap3A_71] : memref<4x1024x768xf32, #tpu.memory_space<vmem>>, vector<1x1024x768xf32>
        %swap3A_73 = vector.shape_cast %swap3A_72 : vector<1x1024x768xf32> to vector<1024x768xf32>
        %swap3A_74 = vector.shape_cast %add3A : vector<1024x768xf32> to vector<1x1024x768xf32>
        tpu.vector_store %arg11[%swap3A, %swap3A_70, %swap3A_71], %swap3A_74 {strides = array<i32>} : memref<4x1024x768xf32, #tpu.memory_space<vmem>>, vector<1x1024x768xf32>,
      } else {
      }
      %slice3A_43 = vector.extract_strided_slice %dot_general3A_22 {offsets = [0, 1536], sizes = [1024, 768], strides = [1, 1]} : vector<1024x3072xf32> to vector<1024x768xf32>
      %eq3A_44 = arith.constant 0 : i32
      %eq3A_45 = arith.cmpi eq, %sub3A_12, %eq3A_44 : i32
      %convert_element_type3A_46 = arith.extui %eq3A_45 : i1 to i32
      %cond3A_47 = arith.constant 0 : i32
      %cond3A_48 = arith.cmpi ne, %convert_element_type3A_46, %cond3A_47 : i32
      scf.if %cond3A_48 {
        %swap3A = arith.constant 2 : index
        %swap3A_65 = arith.constant 0 : index
        %swap3A_66 = arith.constant 0 : index
        %swap3A_67 = vector.load %arg11[%swap3A, %swap3A_65, %swap3A_66] : memref<4x1024x768xf32, #tpu.memory_space<vmem>>, vector<1x1024x768xf32>
        %swap3A_68 = vector.shape_cast %swap3A_67 : vector<1x1024x768xf32> to vector<1024x768xf32>
        %swap3A_69 = vector.shape_cast %slice3A_43 : vector<1024x768xf32> to vector<1x1024x768xf32>
        tpu.vector_store %arg11[%swap3A, %swap3A_65, %swap3A_66], %swap3A_69 {strides = array<i32>} : memref<4x1024x768xf32, #tpu.memory_space<vmem>>, vector<1x1024x768xf32>,
      } else {
      }
      %gt3A_49 = arith.constant 0 : i32
      %gt3A_50 = arith.cmpi sgt, %sub3A_12, %gt3A_49 : i32
      %convert_element_type3A_51 = arith.extui %gt3A_50 : i1 to i32
      %cond3A_52 = arith.constant 0 : i32
      %cond3A_53 = arith.cmpi ne, %convert_element_type3A_51, %cond3A_52 : i32
      scf.if %cond3A_53 {
        %get3A_65 = arith.constant 2 : index
        %get3A_66 = arith.constant 0 : index
        %get3A_67 = arith.constant 0 : index
        %get3A_68 = vector.load %arg11[%get3A_65, %get3A_66, %get3A_67] : memref<4x1024x768xf32, #tpu.memory_space<vmem>>, vector<1x1024x768xf32>
        %get3A_69 = vector.shape_cast %get3A_68 : vector<1x1024x768xf32> to vector<1024x768xf32>
        %add3A = arith.addf %get3A_69, %slice3A_43 : vector<1024x768xf32>
        %swap3A = arith.constant 2 : index
        %swap3A_70 = arith.constant 0 : index
        %swap3A_71 = arith.constant 0 : index
        %swap3A_72 = vector.load %arg11[%swap3A, %swap3A_70, %swap3A_71] : memref<4x1024x768xf32, #tpu.memory_space<vmem>>, vector<1x1024x768xf32>
        %swap3A_73 = vector.shape_cast %swap3A_72 : vector<1x1024x768xf32> to vector<1024x768xf32>
        %swap3A_74 = vector.shape_cast %add3A : vector<1024x768xf32> to vector<1x1024x768xf32>
        tpu.vector_store %arg11[%swap3A, %swap3A_70, %swap3A_71], %swap3A_74 {strides = array<i32>} : memref<4x1024x768xf32, #tpu.memory_space<vmem>>, vector<1x1024x768xf32>,
      } else {
      }
      %slice3A_54 = vector.extract_strided_slice %dot_general3A_22 {offsets = [0, 2304], sizes = [1024, 768], strides = [1, 1]} : vector<1024x3072xf32> to vector<1024x768xf32>
      %eq3A_55 = arith.constant 0 : i32
      %eq3A_56 = arith.cmpi eq, %sub3A_12, %eq3A_55 : i32
      %convert_element_type3A_57 = arith.extui %eq3A_56 : i1 to i32
      %cond3A_58 = arith.constant 0 : i32
      %cond3A_59 = arith.cmpi ne, %convert_element_type3A_57, %cond3A_58 : i32
      scf.if %cond3A_59 {
        %swap3A = arith.constant 3 : index
        %swap3A_65 = arith.constant 0 : index
        %swap3A_66 = arith.constant 0 : index
        %swap3A_67 = vector.load %arg11[%swap3A, %swap3A_65, %swap3A_66] : memref<4x1024x768xf32, #tpu.memory_space<vmem>>, vector<1x1024x768xf32>
        %swap3A_68 = vector.shape_cast %swap3A_67 : vector<1x1024x768xf32> to vector<1024x768xf32>
        %swap3A_69 = vector.shape_cast %slice3A_54 : vector<1024x768xf32> to vector<1x1024x768xf32>
        tpu.vector_store %arg11[%swap3A, %swap3A_65, %swap3A_66], %swap3A_69 {strides = array<i32>} : memref<4x1024x768xf32, #tpu.memory_space<vmem>>, vector<1x1024x768xf32>,
      } else {
      }
      %gt3A_60 = arith.constant 0 : i32
      %gt3A_61 = arith.cmpi sgt, %sub3A_12, %gt3A_60 : i32
      %convert_element_type3A_62 = arith.extui %gt3A_61 : i1 to i32
      %cond3A_63 = arith.constant 0 : i32
      %cond3A_64 = arith.cmpi ne, %convert_element_type3A_62, %cond3A_63 : i32
      scf.if %cond3A_64 {
        %get3A_65 = arith.constant 3 : index
        %get3A_66 = arith.constant 0 : index
        %get3A_67 = arith.constant 0 : index
        %get3A_68 = vector.load %arg11[%get3A_65, %get3A_66, %get3A_67] : memref<4x1024x768xf32, #tpu.memory_space<vmem>>, vector<1x1024x768xf32>
        %get3A_69 = vector.shape_cast %get3A_68 : vector<1x1024x768xf32> to vector<1024x768xf32>
        %add3A = arith.addf %get3A_69, %slice3A_54 : vector<1024x768xf32>
        %swap3A = arith.constant 3 : index
        %swap3A_70 = arith.constant 0 : index
        %swap3A_71 = arith.constant 0 : index
        %swap3A_72 = vector.load %arg11[%swap3A, %swap3A_70, %swap3A_71] : memref<4x1024x768xf32, #tpu.memory_space<vmem>>, vector<1x1024x768xf32>
        %swap3A_73 = vector.shape_cast %swap3A_72 : vector<1x1024x768xf32> to vector<1024x768xf32>
        %swap3A_74 = vector.shape_cast %add3A : vector<1024x768xf32> to vector<1x1024x768xf32>
        tpu.vector_store %arg11[%swap3A, %swap3A_70, %swap3A_71], %swap3A_74 {strides = array<i32>} : memref<4x1024x768xf32, #tpu.memory_space<vmem>>, vector<1x1024x768xf32>,
      } else {
      }
    } else {
    }
    %ge3A_7 = arith.constant 5 : i32
    %ge3A_8 = arith.cmpi sge, %arg0, %ge3A_7 : i32
    %convert_element_type3A_9 = arith.extui %ge3A_8 : i1 to i32
    %cond3A_10 = arith.constant 0 : i32
    %cond3A_11 = arith.cmpi ne, %convert_element_type3A_9, %cond3A_10 : i32
    scf.if %cond3A_11 {
      %sub3A = arith.constant 5 : i32
      %sub3A_12 = arith.subi %arg0, %sub3A : i32
      %get3A = arith.index_cast %sub3A_12 : i32 to index
      %get3A_13 = arith.constant 0 : index
      %get3A_14 = arith.constant 0 : index
      %get3A_15 = vector.load %arg11[%get3A, %get3A_13, %get3A_14] : memref<4x1024x768xf32, #tpu.memory_space<vmem>>, vector<1x1024x768xf32>
      %get3A_16 = vector.shape_cast %get3A_15 : vector<1x1024x768xf32> to vector<1024x768xf32>
      %max3A = arith.constant 0.000000e+00 : f32
      %max3A_17 = vector.broadcast %max3A : f32 to vector<1024x768xf32>
      %max3A_18 = arith.maximumf %get3A_16, %max3A_17 : vector<1024x768xf32>
      %get3A_19 = arith.constant 0 : index
      %get3A_20 = arith.constant 0 : index
      %get3A_21 = vector.load %arg9[%get3A_19, %get3A_20] : memref<1024x768xf32, #tpu.memory_space<vmem>>, vector<1024x768xf32>
      %get3A_22 = arith.constant 0 : index
      %get3A_23 = arith.constant 0 : index
      %get3A_24 = arith.constant 0 : index
      %get3A_25 = vector.load %arg8[%get3A_22, %get3A_23, %get3A_24] : memref<1x768x768xf32, #tpu.memory_space<vmem>>, vector<1x768x768xf32>
      %get3A_26 = vector.shape_cast %get3A_25 : vector<1x768x768xf32> to vector<768x768xf32>
      %dot_general3A = arith.constant dense<0.000000e+00> : vector<1024x768xf32>
      %dot_general3A_27 = tpu.matmul %max3A_18, %get3A_26, %dot_general3A {dimension_numbers = #tpu.dot_dimension_numbers<[1], [0], [0], [1], [0, 0, 1, 1], [], []>, transpose_lhs_hint = false} : vector<1024x768xf32>, vector<768x768xf32>, vector<1024x768xf32> -> vector<1024x768xf32>
      %add3A = arith.addf %get3A_21, %dot_general3A_27 : vector<1024x768xf32>
      %swap3A = arith.constant 0 : index
      %swap3A_28 = arith.constant 0 : index
      %swap3A_29 = vector.load %arg9[%swap3A, %swap3A_28] : memref<1024x768xf32, #tpu.memory_space<vmem>>, vector<1024x768xf32>
      tpu.vector_store %arg9[%swap3A, %swap3A_28], %add3A {strides = array<i32>} : memref<1024x768xf32, #tpu.memory_space<vmem>>, vector<1024x768xf32>,
    } else {
    }
    return
  }
  func.func @transform_0(%arg0: i32) -> (i32, i32) {
    %c0_i32 = arith.constant 0 : i32
    %c0_i32_0 = arith.constant 0 : i32
    %c0_i32_1 = arith.constant 0 : i32
    return %c0_i32, %c0_i32_0 : i32, i32
  }
  func.func @transform_1(%arg0: i32) -> (i32, i32) {
    %c0_i32 = arith.constant 0 : i32
    %c0_i32_0 = arith.constant 0 : i32
    %c0_i32_1 = arith.constant 0 : i32
    return %c0_i32, %c0_i32_0 : i32, i32
  }
  func.func @transform_2(%arg0: i32) -> (i32, i32, i32) {
    %c2_i32 = arith.constant 2 : i32
    %c0_i32 = arith.constant 0 : i32
    %c0_i32_0 = arith.constant 0 : i32
    %c0_i32_1 = arith.constant 0 : i32
    return %c2_i32, %c0_i32, %c0_i32_0 : i32, i32, i32
  }
  func.func @transform_3(%arg0: i32) -> (i32, i32, i32) {
    %c2_i32 = arith.constant 2 : i32
    %c0_i32 = arith.constant 0 : i32
    %c0_i32_0 = arith.constant 0 : i32
    %c0_i32_1 = arith.constant 0 : i32
    return %c2_i32, %c0_i32, %c0_i32_0 : i32, i32, i32
  }
  func.func @transform_4(%arg0: i32) -> (i32, i32, i32) {
    %c2_i32 = arith.constant 2 : i32
    %c0_i32 = arith.constant 0 : i32
    %c0_i32_0 = arith.constant 0 : i32
    %c0_i32_1 = arith.constant 0 : i32
    return %c2_i32, %c0_i32, %c0_i32_0 : i32, i32, i32
  }
  func.func @transform_5(%arg0: i32) -> (i32, i32, i32) {
    %c2_i32 = arith.constant 2 : i32
    %c0_i32 = arith.constant 0 : i32
    %c0_i32_0 = arith.constant 0 : i32
    %c0_i32_1 = arith.constant 0 : i32
    return %c2_i32, %c0_i32, %c0_i32_0 : i32, i32, i32
  }
  func.func @transform_6(%arg0: i32) -> (i32, i32, i32) {
    %sub3A = arith.constant 1 : i32
    %sub3A_0 = arith.subi %arg0, %sub3A : i32
    %jit3A = arith.constant 0 : i32
    %jit3A_1 = arith.constant 3 : i32
    %max3A = arith.maxsi %jit3A, %sub3A_0 : i32
    %min3A = arith.minsi %jit3A_1, %max3A : i32
    %c1_i32 = arith.constant 1 : i32
    %c0_i32 = arith.constant 0 : i32
    %c0_i32_2 = arith.constant 0 : i32
    return %c1_i32, %min3A, %c0_i32 : i32, i32, i32
  }
  func.func @transform_7(%arg0: i32) -> (i32, i32, i32) {
    %sub3A = arith.constant 5 : i32
    %sub3A_0 = arith.subi %arg0, %sub3A : i32
    %jit3A = arith.constant 0 : i32
    %jit3A_1 = arith.constant 3 : i32
    %max3A = arith.maxsi %jit3A, %sub3A_0 : i32
    %min3A = arith.minsi %jit3A_1, %max3A : i32
    %c1_i32 = arith.constant 1 : i32
    %c0_i32 = arith.constant 0 : i32
    %c0_i32_2 = arith.constant 0 : i32
    return %c1_i32, %min3A, %c0_i32 : i32, i32, i32
  }
  func.func @transform_8(%arg0: i32) -> (i32, i32) {
    %c0_i32 = arith.constant 0 : i32
    %c0_i32_0 = arith.constant 0 : i32
    %c0_i32_1 = arith.constant 0 : i32
    return %c0_i32, %c0_i32_0 : i32, i32
  }
}

module attributes {stable_mosaic.version = 14 : i64} {
  func.func @_moe_kernel(%arg0: i32, %arg1: memref<1024x768xf32, #tpu.memory_space<vmem>>, %arg2: memref<1x1x768xf32, #tpu.memory_space<vmem>>, %arg3: memref<1x768x768xf32, #tpu.memory_space<vmem>>, %arg4: memref<1x768x768xf32, #tpu.memory_space<vmem>>, %arg5: memref<1x1x768xf32, #tpu.memory_space<vmem>>, %arg6: memref<1x768x8xf32, #tpu.memory_space<vmem>>, %arg7: memref<1x1x384x3072xf32, #tpu.memory_space<vmem>>, %arg8: memref<1x1x384x3072xf32, #tpu.memory_space<vmem>>, %arg9: memref<1x1x1536x768xf32, #tpu.memory_space<vmem>>, %arg10: memref<1x1x1536x768xf32, #tpu.memory_space<vmem>>, %arg11: memref<1024x768xf32, #tpu.memory_space<vmem>>, %arg12: memref<1296x768xf32, #tpu.memory_space<vmem>>, %arg13: memref<1024x1xi32, #tpu.memory_space<vmem>>, %arg14: memref<1280x768xf32, #tpu.memory_space<vmem>>, %arg15: memref<1280x1xf32, #tpu.memory_space<vmem>>) attributes {dimension_semantics = [#tpu.dimension_semantics<arbitrary>], iteration_bounds = array<i64: 9>, scalar_prefetch = 0 : i64, scratch_operands = 2 : i64, tpu.core_type = #tpu.core_type<tc>, window_params = [{pipeline_mode = #tpu.pipeline_mode<synchronous>, transform_indices = @transform_0, window_bounds = array<i64: 1024, 768>}, {transform_indices = @transform_1, window_bounds = array<i64: 1, 1, 768>}, {transform_indices = @transform_2, window_bounds = array<i64: 1, 768, 768>}, {transform_indices = @transform_3, window_bounds = array<i64: 1, 768, 768>}, {transform_indices = @transform_4, window_bounds = array<i64: 1, 1, 768>}, {transform_indices = @transform_5, window_bounds = array<i64: 1, 768, 8>}, {transform_indices = @transform_6, window_bounds = array<i64: 1, 1, 384, 3072>}, {transform_indices = @transform_7, window_bounds = array<i64: 1, 1, 384, 3072>}, {transform_indices = @transform_8, window_bounds = array<i64: 1, 1, 1536, 768>}, {transform_indices = @transform_9, window_bounds = array<i64: 1, 1, 1536, 768>}, {pipeline_mode = #tpu.pipeline_mode<synchronous>, transform_indices = @transform_10, window_bounds = array<i64: 1024, 768>}, {pipeline_mode = #tpu.pipeline_mode<synchronous>, transform_indices = @transform_11, window_bounds = array<i64: 1296, 768>}, {pipeline_mode = #tpu.pipeline_mode<synchronous>, transform_indices = @transform_12, window_bounds = array<i64: 1024, 1>}]} {
    %eq3A = arith.constant 0 : i32
    %eq3A_0 = arith.cmpi eq, %arg0, %eq3A : i32
    %convert_element_type3A = arith.extui %eq3A_0 : i1 to i32
    %cond3A = arith.constant 0 : i32
    %cond3A_1 = arith.cmpi ne, %convert_element_type3A, %cond3A : i32
    scf.if %cond3A_1 {
      %get3A = arith.constant 0 : index
      %get3A_7 = arith.constant 0 : index
      %get3A_8 = vector.load %arg1[%get3A, %get3A_7] : memref<1024x768xf32, #tpu.memory_space<vmem>>, vector<1024x768xf32>
      %get3A_9 = arith.constant 0 : index
      %get3A_10 = arith.constant 0 : index
      %get3A_11 = arith.constant 0 : index
      %get3A_12 = vector.load %arg2[%get3A_9, %get3A_10, %get3A_11] : memref<1x1x768xf32, #tpu.memory_space<vmem>>, vector<1x1x768xf32>
      %get3A_13 = vector.shape_cast %get3A_12 : vector<1x1x768xf32> to vector<1x768xf32>
      %mul3A = arith.mulf %get3A_8, %get3A_8 : vector<1024x768xf32>
      %reduce_sum3A = arith.constant dense<0.000000e+00> : vector<1024xf32>
      %reduce_sum3A_14 = vector.multi_reduction <add>, %mul3A, %reduce_sum3A [1] : vector<1024x768xf32> to vector<1024xf32>
      %broadcast_in_dim3A = vector.shape_cast %reduce_sum3A_14 : vector<1024xf32> to vector<1024x1xf32>
      %div3A = arith.constant 7.680000e+02 : f32
      %div3A_15 = vector.broadcast %div3A : f32 to vector<1024x1xf32>
      %div3A_16 = arith.divf %broadcast_in_dim3A, %div3A_15 : vector<1024x1xf32>
      %add3A = arith.constant 9.99999997E-7 : f32
      %add3A_17 = vector.broadcast %add3A : f32 to vector<1024x1xf32>
      %add3A_18 = arith.addf %div3A_16, %add3A_17 : vector<1024x1xf32>
      %rsqrt3A = math.rsqrt %add3A_18 : vector<1024x1xf32>
      %mul3A_19 = vector.broadcast %rsqrt3A : vector<1024x1xf32> to vector<1024x768xf32>
      %mul3A_20 = arith.mulf %get3A_8, %mul3A_19 : vector<1024x768xf32>
      %mul3A_21 = vector.broadcast %get3A_13 : vector<1x768xf32> to vector<1024x768xf32>
      %mul3A_22 = arith.mulf %mul3A_20, %mul3A_21 : vector<1024x768xf32>
      %get3A_23 = arith.constant 0 : index
      %get3A_24 = arith.constant 0 : index
      %get3A_25 = arith.constant 0 : index
      %get3A_26 = vector.load %arg3[%get3A_23, %get3A_24, %get3A_25] : memref<1x768x768xf32, #tpu.memory_space<vmem>>, vector<1x768x768xf32>
      %get3A_27 = vector.shape_cast %get3A_26 : vector<1x768x768xf32> to vector<768x768xf32>
      %dot_general3A = arith.constant dense<0.000000e+00> : vector<1024x768xf32>
      %dot_general3A_28 = tpu.matmul %mul3A_22, %get3A_27, %dot_general3A {dimension_numbers = #tpu.dot_dimension_numbers<[1], [0], [0], [1], [0, 0, 1, 1], [], []>, transpose_lhs_hint = false} : vector<1024x768xf32>, vector<768x768xf32>, vector<1024x768xf32> -> vector<1024x768xf32>
      %get3A_29 = arith.constant 0 : index
      %get3A_30 = arith.constant 0 : index
      %get3A_31 = arith.constant 0 : index
      %get3A_32 = vector.load %arg4[%get3A_29, %get3A_30, %get3A_31] : memref<1x768x768xf32, #tpu.memory_space<vmem>>, vector<1x768x768xf32>
      %get3A_33 = vector.shape_cast %get3A_32 : vector<1x768x768xf32> to vector<768x768xf32>
      %dot_general3A_34 = arith.constant dense<0.000000e+00> : vector<1024x768xf32>
      %dot_general3A_35 = tpu.matmul %dot_general3A_28, %get3A_33, %dot_general3A_34 {dimension_numbers = #tpu.dot_dimension_numbers<[1], [0], [0], [1], [0, 0, 1, 1], [], []>, transpose_lhs_hint = false} : vector<1024x768xf32>, vector<768x768xf32>, vector<1024x768xf32> -> vector<1024x768xf32>
      %add3A_36 = arith.addf %get3A_8, %dot_general3A_35 : vector<1024x768xf32>
      %swap3A = arith.constant 0 : index
      %swap3A_37 = arith.constant 0 : index
      %swap3A_38 = vector.load %arg11[%swap3A, %swap3A_37] : memref<1024x768xf32, #tpu.memory_space<vmem>>, vector<1024x768xf32>
      tpu.vector_store %arg11[%swap3A, %swap3A_37], %add3A_36 {strides = array<i32>} : memref<1024x768xf32, #tpu.memory_space<vmem>>, vector<1024x768xf32>,
      %get3A_39 = arith.constant 0 : index
      %get3A_40 = arith.constant 0 : index
      %get3A_41 = arith.constant 0 : index
      %get3A_42 = vector.load %arg5[%get3A_39, %get3A_40, %get3A_41] : memref<1x1x768xf32, #tpu.memory_space<vmem>>, vector<1x1x768xf32>
      %get3A_43 = vector.shape_cast %get3A_42 : vector<1x1x768xf32> to vector<1x768xf32>
      %mul3A_44 = arith.mulf %add3A_36, %add3A_36 : vector<1024x768xf32>
      %reduce_sum3A_45 = arith.constant dense<0.000000e+00> : vector<1024xf32>
      %reduce_sum3A_46 = vector.multi_reduction <add>, %mul3A_44, %reduce_sum3A_45 [1] : vector<1024x768xf32> to vector<1024xf32>
      %broadcast_in_dim3A_47 = vector.shape_cast %reduce_sum3A_46 : vector<1024xf32> to vector<1024x1xf32>
      %div3A_48 = arith.constant 7.680000e+02 : f32
      %div3A_49 = vector.broadcast %div3A_48 : f32 to vector<1024x1xf32>
      %div3A_50 = arith.divf %broadcast_in_dim3A_47, %div3A_49 : vector<1024x1xf32>
      %add3A_51 = arith.constant 9.99999997E-7 : f32
      %add3A_52 = vector.broadcast %add3A_51 : f32 to vector<1024x1xf32>
      %add3A_53 = arith.addf %div3A_50, %add3A_52 : vector<1024x1xf32>
      %rsqrt3A_54 = math.rsqrt %add3A_53 : vector<1024x1xf32>
      %mul3A_55 = vector.broadcast %rsqrt3A_54 : vector<1024x1xf32> to vector<1024x768xf32>
      %mul3A_56 = arith.mulf %add3A_36, %mul3A_55 : vector<1024x768xf32>
      %mul3A_57 = vector.broadcast %get3A_43 : vector<1x768xf32> to vector<1024x768xf32>
      %mul3A_58 = arith.mulf %mul3A_56, %mul3A_57 : vector<1024x768xf32>
      %get3A_59 = arith.constant 0 : index
      %get3A_60 = arith.constant 0 : index
      %get3A_61 = arith.constant 0 : index
      %get3A_62 = vector.load %arg6[%get3A_59, %get3A_60, %get3A_61] : memref<1x768x8xf32, #tpu.memory_space<vmem>>, vector<1x768x8xf32>
      %get3A_63 = vector.shape_cast %get3A_62 : vector<1x768x8xf32> to vector<768x8xf32>
      %dot_general3A_64 = arith.constant dense<0.000000e+00> : vector<1024x8xf32>
      %dot_general3A_65 = tpu.matmul %mul3A_58, %get3A_63, %dot_general3A_64 {dimension_numbers = #tpu.dot_dimension_numbers<[1], [0], [0], [1], [0, 0, 1, 1], [], []>, transpose_lhs_hint = false} : vector<1024x768xf32>, vector<768x8xf32>, vector<1024x8xf32> -> vector<1024x8xf32>
      %iota3A = tpu.iota {dimensions = array<i32: 1>} : vector<1024x8xi32>
      %reduce_max3A = arith.constant dense<0xFF800000> : vector<1024xf32>
      %reduce_max3A_66 = vector.multi_reduction <maximumf>, %dot_general3A_65, %reduce_max3A [1] : vector<1024x8xf32> to vector<1024xf32>
      %broadcast_in_dim3A_67 = vector.shape_cast %reduce_max3A_66 : vector<1024xf32> to vector<1024x1xf32>
      %sub3A = vector.broadcast %broadcast_in_dim3A_67 : vector<1024x1xf32> to vector<1024x8xf32>
      %sub3A_68 = arith.subf %dot_general3A_65, %sub3A : vector<1024x8xf32>
      %exp3A = math.exp %sub3A_68 : vector<1024x8xf32>
      %reduce_sum3A_69 = arith.constant dense<0.000000e+00> : vector<1024xf32>
      %reduce_sum3A_70 = vector.multi_reduction <add>, %exp3A, %reduce_sum3A_69 [1] : vector<1024x8xf32> to vector<1024xf32>
      %broadcast_in_dim3A_71 = vector.shape_cast %reduce_sum3A_70 : vector<1024xf32> to vector<1024x1xf32>
      %div3A_72 = vector.broadcast %broadcast_in_dim3A_71 : vector<1024x1xf32> to vector<1024x8xf32>
      %div3A_73 = arith.divf %exp3A, %div3A_72 : vector<1024x8xf32>
      %reduce_max3A_74 = arith.constant dense<0xFF800000> : vector<1024xf32>
      %reduce_max3A_75 = vector.multi_reduction <maximumf>, %div3A_73, %reduce_max3A_74 [1] : vector<1024x8xf32> to vector<1024xf32>
      %broadcast_in_dim3A_76 = vector.shape_cast %reduce_max3A_75 : vector<1024xf32> to vector<1024x1xf32>
      %eq3A_77 = vector.broadcast %broadcast_in_dim3A_76 : vector<1024x1xf32> to vector<1024x8xf32>
      %eq3A_78 = arith.cmpf oeq, %div3A_73, %eq3A_77 : vector<1024x8xf32>
      %jit3A = arith.constant 8 : i32
      %broadcast_in_dim3A_79 = vector.broadcast %jit3A : i32 to vector<1024x8xi32>
      %select_n3A = arith.select %eq3A_78, %iota3A, %broadcast_in_dim3A_79 : vector<1024x8xi1>, vector<1024x8xi32>
      %reduce_min3A = arith.constant dense<2147483647> : vector<1024xi32>
      %reduce_min3A_80 = vector.multi_reduction <minsi>, %select_n3A, %reduce_min3A [1] : vector<1024x8xi32> to vector<1024xi32>
      %broadcast_in_dim3A_81 = vector.shape_cast %reduce_min3A_80 : vector<1024xi32> to vector<1024x1xi32>
      %eq3A_82 = vector.broadcast %broadcast_in_dim3A_81 : vector<1024x1xi32> to vector<1024x8xi32>
      %eq3A_83 = arith.cmpi eq, %iota3A, %eq3A_82 : vector<1024x8xi32>
      %convert_element_type3A_84 = arith.extui %eq3A_83 : vector<1024x8xi1> to vector<1024x8xi32>
      %convert_element_type3A_85 = arith.sitofp %convert_element_type3A_84 : vector<1024x8xi32> to vector<1024x8xf32>
      %iota3A_86 = tpu.iota {dimensions = array<i32: 0>} : vector<1024x1024xi32>
      %iota3A_87 = tpu.iota {dimensions = array<i32: 1>} : vector<1024x1024xi32>
      %lt3A = arith.cmpi slt, %iota3A_87, %iota3A_86 : vector<1024x1024xi32>
      %convert_element_type3A_88 = arith.extui %lt3A : vector<1024x1024xi1> to vector<1024x1024xi32>
      %convert_element_type3A_89 = arith.sitofp %convert_element_type3A_88 : vector<1024x1024xi32> to vector<1024x1024xf32>
      %dot_general3A_90 = arith.constant dense<0.000000e+00> : vector<1024x8xf32>
      %dot_general3A_91 = tpu.matmul %convert_element_type3A_89, %convert_element_type3A_85, %dot_general3A_90 {dimension_numbers = #tpu.dot_dimension_numbers<[1], [0], [0], [1], [0, 0, 1, 1], [], []>, transpose_lhs_hint = false} : vector<1024x1024xf32>, vector<1024x8xf32>, vector<1024x8xf32> -> vector<1024x8xf32>
      %mul3A_92 = arith.mulf %dot_general3A_91, %convert_element_type3A_85 : vector<1024x8xf32>
      %reduce_sum3A_93 = arith.constant dense<0.000000e+00> : vector<1024xf32>
      %reduce_sum3A_94 = vector.multi_reduction <add>, %mul3A_92, %reduce_sum3A_93 [1] : vector<1024x8xf32> to vector<1024xf32>
      %broadcast_in_dim3A_95 = vector.shape_cast %reduce_sum3A_94 : vector<1024xf32> to vector<1024x1xf32>
      %convert_element_type3A_96 = arith.fptosi %broadcast_in_dim3A_95 : vector<1024x1xf32> to vector<1024x1xi32>
      %lt3A_97 = arith.constant 160 : i32
      %lt3A_98 = vector.broadcast %lt3A_97 : i32 to vector<1024x1xi32>
      %lt3A_99 = arith.cmpi slt, %convert_element_type3A_96, %lt3A_98 : vector<1024x1xi32>
      %mul3A_100 = arith.constant 160 : i32
      %mul3A_101 = vector.broadcast %mul3A_100 : i32 to vector<1024x1xi32>
      %mul3A_102 = arith.muli %broadcast_in_dim3A_81, %mul3A_101 : vector<1024x1xi32>
      %add3A_103 = arith.addi %mul3A_102, %convert_element_type3A_96 : vector<1024x1xi32>
      %jit3A_104 = arith.constant 1280 : i32
      %broadcast_in_dim3A_105 = vector.broadcast %jit3A_104 : i32 to vector<1024x1xi32>
      %select_n3A_106 = arith.select %lt3A_99, %add3A_103, %broadcast_in_dim3A_105 : vector<1024x1xi1>, vector<1024x1xi32>
      %swap3A_107 = arith.constant 0 : index
      %swap3A_108 = arith.constant 0 : index
      %swap3A_109 = vector.load %arg13[%swap3A_107, %swap3A_108] : memref<1024x1xi32, #tpu.memory_space<vmem>>, vector<1024x1xi32>
      tpu.vector_store %arg13[%swap3A_107, %swap3A_108], %select_n3A_106 {strides = array<i32>} : memref<1024x1xi32, #tpu.memory_space<vmem>>, vector<1024x1xi32>,
      %iota3A_110 = tpu.iota {dimensions = array<i32: 1>} : vector<1024x1280xi32>
      %eq3A_111 = vector.broadcast %select_n3A_106 : vector<1024x1xi32> to vector<1024x1280xi32>
      %eq3A_112 = arith.cmpi eq, %iota3A_110, %eq3A_111 : vector<1024x1280xi32>
      %convert_element_type3A_113 = arith.extui %eq3A_112 : vector<1024x1280xi1> to vector<1024x1280xi32>
      %convert_element_type3A_114 = arith.sitofp %convert_element_type3A_113 : vector<1024x1280xi32> to vector<1024x1280xf32>
      %dot_general3A_115 = arith.constant dense<0.000000e+00> : vector<1280x1xf32>
      %dot_general3A_116 = tpu.matmul %convert_element_type3A_114, %broadcast_in_dim3A_76, %dot_general3A_115 {dimension_numbers = #tpu.dot_dimension_numbers<[0], [0], [1], [1], [0, 1, 1, 1], [], []>, transpose_lhs_hint = false} : vector<1024x1280xf32>, vector<1024x1xf32>, vector<1280x1xf32> -> vector<1280x1xf32>
      %swap3A_117 = arith.constant 0 : index
      %swap3A_118 = arith.constant 0 : index
      %swap3A_119 = vector.load %arg15[%swap3A_117, %swap3A_118] : memref<1280x1xf32, #tpu.memory_space<vmem>>, vector<1280x1xf32>
      tpu.vector_store %arg15[%swap3A_117, %swap3A_118], %dot_general3A_116 {strides = array<i32>} : memref<1280x1xf32, #tpu.memory_space<vmem>>, vector<1280x1xf32>,
      %dot_general3A_120 = arith.constant dense<0.000000e+00> : vector<1280x768xf32>
      %dot_general3A_121 = tpu.matmul %convert_element_type3A_114, %mul3A_58, %dot_general3A_120 {dimension_numbers = #tpu.dot_dimension_numbers<[0], [0], [1], [1], [0, 1, 1, 1], [], []>, transpose_lhs_hint = false} : vector<1024x1280xf32>, vector<1024x768xf32>, vector<1280x768xf32> -> vector<1280x768xf32>
      %swap3A_122 = arith.constant 0 : index
      %swap3A_123 = arith.constant 0 : index
      %swap3A_124 = vector.load %arg14[%swap3A_122, %swap3A_123] : memref<1280x768xf32, #tpu.memory_space<vmem>>, vector<1280x768xf32>
      tpu.vector_store %arg14[%swap3A_122, %swap3A_123], %dot_general3A_121 {strides = array<i32>} : memref<1280x768xf32, #tpu.memory_space<vmem>>, vector<1280x768xf32>,
      %broadcast_in_dim3A_125 = arith.constant 0.000000e+00 : f32
      %broadcast_in_dim3A_126 = vector.broadcast %broadcast_in_dim3A_125 : f32 to vector<16x768xf32>
      %swap3A_127 = arith.constant 1280 : index
      %swap3A_128 = arith.constant 0 : index
      %swap3A_129 = vector.load %arg12[%swap3A_127, %swap3A_128] : memref<1296x768xf32, #tpu.memory_space<vmem>>, vector<16x768xf32>
      tpu.vector_store %arg12[%swap3A_127, %swap3A_128], %broadcast_in_dim3A_126 {strides = array<i32>} : memref<1296x768xf32, #tpu.memory_space<vmem>>, vector<16x768xf32>,
    } else {
    }
    %ge3A = arith.constant 1 : i32
    %ge3A_2 = arith.cmpi sge, %arg0, %ge3A : i32
    %le3A = arith.constant 8 : i32
    %le3A_3 = arith.cmpi sle, %arg0, %le3A : i32
    %and3A = arith.andi %ge3A_2, %le3A_3 : i1
    %convert_element_type3A_4 = arith.extui %and3A : i1 to i32
    %cond3A_5 = arith.constant 0 : i32
    %cond3A_6 = arith.cmpi ne, %convert_element_type3A_4, %cond3A_5 : i32
    scf.if %cond3A_6 {
      %sub3A = arith.constant 1 : i32
      %sub3A_7 = arith.subi %arg0, %sub3A : i32
      %mul3A = arith.constant 160 : i32
      %mul3A_8 = arith.muli %sub3A_7, %mul3A : i32
      %get3A = arith.index_cast %mul3A_8 : i32 to index
      %get3A_9 = arith.constant 0 : index
      %get3A_10 = vector.load %arg14[%get3A, %get3A_9] : memref<1280x768xf32, #tpu.memory_space<vmem>>, vector<160x768xf32>
      %slice3A = vector.extract_strided_slice %get3A_10 {offsets = [0, 0], sizes = [160, 384], strides = [1, 1]} : vector<160x768xf32> to vector<160x384xf32>
      %get3A_11 = arith.constant 0 : index
      %get3A_12 = arith.constant 0 : index
      %get3A_13 = arith.constant 0 : index
      %get3A_14 = arith.constant 0 : index
      %get3A_15 = vector.load %arg7[%get3A_11, %get3A_12, %get3A_13, %get3A_14] : memref<1x1x384x3072xf32, #tpu.memory_space<vmem>>, vector<1x1x384x3072xf32>
      %get3A_16 = vector.shape_cast %get3A_15 : vector<1x1x384x3072xf32> to vector<384x3072xf32>
      %dot_general3A = arith.constant dense<0.000000e+00> : vector<160x3072xf32>
      %dot_general3A_17 = tpu.matmul %slice3A, %get3A_16, %dot_general3A {dimension_numbers = #tpu.dot_dimension_numbers<[1], [0], [0], [1], [0, 0, 1, 1], [], []>, transpose_lhs_hint = false} : vector<160x384xf32>, vector<384x3072xf32>, vector<160x3072xf32> -> vector<160x3072xf32>
      %slice3A_18 = vector.extract_strided_slice %get3A_10 {offsets = [0, 384], sizes = [160, 384], strides = [1, 1]} : vector<160x768xf32> to vector<160x384xf32>
      %get3A_19 = arith.constant 0 : index
      %get3A_20 = arith.constant 0 : index
      %get3A_21 = arith.constant 0 : index
      %get3A_22 = arith.constant 0 : index
      %get3A_23 = vector.load %arg8[%get3A_19, %get3A_20, %get3A_21, %get3A_22] : memref<1x1x384x3072xf32, #tpu.memory_space<vmem>>, vector<1x1x384x3072xf32>
      %get3A_24 = vector.shape_cast %get3A_23 : vector<1x1x384x3072xf32> to vector<384x3072xf32>
      %dot_general3A_25 = arith.constant dense<0.000000e+00> : vector<160x3072xf32>
      %dot_general3A_26 = tpu.matmul %slice3A_18, %get3A_24, %dot_general3A_25 {dimension_numbers = #tpu.dot_dimension_numbers<[1], [0], [0], [1], [0, 0, 1, 1], [], []>, transpose_lhs_hint = false} : vector<160x384xf32>, vector<384x3072xf32>, vector<160x3072xf32> -> vector<160x3072xf32>
      %add3A = arith.addf %dot_general3A_17, %dot_general3A_26 : vector<160x3072xf32>
      %max3A = arith.constant 0.000000e+00 : f32
      %max3A_27 = vector.broadcast %max3A : f32 to vector<160x3072xf32>
      %max3A_28 = arith.maximumf %add3A, %max3A_27 : vector<160x3072xf32>
      %slice3A_29 = vector.extract_strided_slice %max3A_28 {offsets = [0, 0], sizes = [160, 1536], strides = [1, 1]} : vector<160x3072xf32> to vector<160x1536xf32>
      %get3A_30 = arith.constant 0 : index
      %get3A_31 = arith.constant 0 : index
      %get3A_32 = arith.constant 0 : index
      %get3A_33 = arith.constant 0 : index
      %get3A_34 = vector.load %arg9[%get3A_30, %get3A_31, %get3A_32, %get3A_33] : memref<1x1x1536x768xf32, #tpu.memory_space<vmem>>, vector<1x1x1536x768xf32>
      %get3A_35 = vector.shape_cast %get3A_34 : vector<1x1x1536x768xf32> to vector<1536x768xf32>
      %dot_general3A_36 = arith.constant dense<0.000000e+00> : vector<160x768xf32>
      %dot_general3A_37 = tpu.matmul %slice3A_29, %get3A_35, %dot_general3A_36 {dimension_numbers = #tpu.dot_dimension_numbers<[1], [0], [0], [1], [0, 0, 1, 1], [], []>, transpose_lhs_hint = false} : vector<160x1536xf32>, vector<1536x768xf32>, vector<160x768xf32> -> vector<160x768xf32>
      %slice3A_38 = vector.extract_strided_slice %max3A_28 {offsets = [0, 1536], sizes = [160, 1536], strides = [1, 1]} : vector<160x3072xf32> to vector<160x1536xf32>
      %get3A_39 = arith.constant 0 : index
      %get3A_40 = arith.constant 0 : index
      %get3A_41 = arith.constant 0 : index
      %get3A_42 = arith.constant 0 : index
      %get3A_43 = vector.load %arg10[%get3A_39, %get3A_40, %get3A_41, %get3A_42] : memref<1x1x1536x768xf32, #tpu.memory_space<vmem>>, vector<1x1x1536x768xf32>
      %get3A_44 = vector.shape_cast %get3A_43 : vector<1x1x1536x768xf32> to vector<1536x768xf32>
      %dot_general3A_45 = arith.constant dense<0.000000e+00> : vector<160x768xf32>
      %dot_general3A_46 = tpu.matmul %slice3A_38, %get3A_44, %dot_general3A_45 {dimension_numbers = #tpu.dot_dimension_numbers<[1], [0], [0], [1], [0, 0, 1, 1], [], []>, transpose_lhs_hint = false} : vector<160x1536xf32>, vector<1536x768xf32>, vector<160x768xf32> -> vector<160x768xf32>
      %add3A_47 = arith.addf %dot_general3A_37, %dot_general3A_46 : vector<160x768xf32>
      %mul3A_48 = arith.constant 160 : i32
      %mul3A_49 = arith.muli %sub3A_7, %mul3A_48 : i32
      %get3A_50 = arith.index_cast %mul3A_49 : i32 to index
      %get3A_51 = arith.constant 0 : index
      %get3A_52 = vector.load %arg15[%get3A_50, %get3A_51] : memref<1280x1xf32, #tpu.memory_space<vmem>>, vector<160x1xf32>
      %mul3A_53 = vector.broadcast %get3A_52 : vector<160x1xf32> to vector<160x768xf32>
      %mul3A_54 = arith.mulf %add3A_47, %mul3A_53 : vector<160x768xf32>
      %mul3A_55 = arith.constant 160 : i32
      %mul3A_56 = arith.muli %sub3A_7, %mul3A_55 : i32
      %swap3A = arith.index_cast %mul3A_56 : i32 to index
      %swap3A_57 = arith.constant 0 : index
      %swap3A_58 = vector.load %arg12[%swap3A, %swap3A_57] : memref<1296x768xf32, #tpu.memory_space<vmem>>, vector<160x768xf32>
      tpu.vector_store %arg12[%swap3A, %swap3A_57], %mul3A_54 {strides = array<i32>} : memref<1296x768xf32, #tpu.memory_space<vmem>>, vector<160x768xf32>,
    } else {
    }
    return
  }
  func.func @transform_0(%arg0: i32) -> (i32, i32) {
    %c0_i32 = arith.constant 0 : i32
    %c0_i32_0 = arith.constant 0 : i32
    %c0_i32_1 = arith.constant 0 : i32
    return %c0_i32, %c0_i32_0 : i32, i32
  }
  func.func @transform_1(%arg0: i32) -> (i32, i32, i32) {
    %c3_i32 = arith.constant 3 : i32
    %c0_i32 = arith.constant 0 : i32
    %c0_i32_0 = arith.constant 0 : i32
    %c0_i32_1 = arith.constant 0 : i32
    return %c3_i32, %c0_i32, %c0_i32_0 : i32, i32, i32
  }
  func.func @transform_2(%arg0: i32) -> (i32, i32, i32) {
    %c3_i32 = arith.constant 3 : i32
    %c0_i32 = arith.constant 0 : i32
    %c0_i32_0 = arith.constant 0 : i32
    %c0_i32_1 = arith.constant 0 : i32
    return %c3_i32, %c0_i32, %c0_i32_0 : i32, i32, i32
  }
  func.func @transform_3(%arg0: i32) -> (i32, i32, i32) {
    %c3_i32 = arith.constant 3 : i32
    %c0_i32 = arith.constant 0 : i32
    %c0_i32_0 = arith.constant 0 : i32
    %c0_i32_1 = arith.constant 0 : i32
    return %c3_i32, %c0_i32, %c0_i32_0 : i32, i32, i32
  }
  func.func @transform_4(%arg0: i32) -> (i32, i32, i32) {
    %c3_i32 = arith.constant 3 : i32
    %c0_i32 = arith.constant 0 : i32
    %c0_i32_0 = arith.constant 0 : i32
    %c0_i32_1 = arith.constant 0 : i32
    return %c3_i32, %c0_i32, %c0_i32_0 : i32, i32, i32
  }
  func.func @transform_5(%arg0: i32) -> (i32, i32, i32) {
    %c1_i32 = arith.constant 1 : i32
    %c0_i32 = arith.constant 0 : i32
    %c0_i32_0 = arith.constant 0 : i32
    %c0_i32_1 = arith.constant 0 : i32
    return %c1_i32, %c0_i32, %c0_i32_0 : i32, i32, i32
  }
  func.func @transform_6(%arg0: i32) -> (i32, i32, i32, i32) {
    %sub3A = arith.constant 1 : i32
    %sub3A_0 = arith.subi %arg0, %sub3A : i32
    %jit3A = arith.constant 0 : i32
    %jit3A_1 = arith.constant 7 : i32
    %max3A = arith.maxsi %jit3A, %sub3A_0 : i32
    %min3A = arith.minsi %jit3A_1, %max3A : i32
    %c1_i32 = arith.constant 1 : i32
    %c0_i32 = arith.constant 0 : i32
    %c0_i32_2 = arith.constant 0 : i32
    %c0_i32_3 = arith.constant 0 : i32
    return %c1_i32, %min3A, %c0_i32, %c0_i32_2 : i32, i32, i32, i32
  }
  func.func @transform_7(%arg0: i32) -> (i32, i32, i32, i32) {
    %sub3A = arith.constant 1 : i32
    %sub3A_0 = arith.subi %arg0, %sub3A : i32
    %jit3A = arith.constant 0 : i32
    %jit3A_1 = arith.constant 7 : i32
    %max3A = arith.maxsi %jit3A, %sub3A_0 : i32
    %min3A = arith.minsi %jit3A_1, %max3A : i32
    %c1_i32 = arith.constant 1 : i32
    %c1_i32_2 = arith.constant 1 : i32
    %c0_i32 = arith.constant 0 : i32
    %c0_i32_3 = arith.constant 0 : i32
    return %c1_i32, %min3A, %c1_i32_2, %c0_i32 : i32, i32, i32, i32
  }
  func.func @transform_8(%arg0: i32) -> (i32, i32, i32, i32) {
    %sub3A = arith.constant 1 : i32
    %sub3A_0 = arith.subi %arg0, %sub3A : i32
    %jit3A = arith.constant 0 : i32
    %jit3A_1 = arith.constant 7 : i32
    %max3A = arith.maxsi %jit3A, %sub3A_0 : i32
    %min3A = arith.minsi %jit3A_1, %max3A : i32
    %c1_i32 = arith.constant 1 : i32
    %c0_i32 = arith.constant 0 : i32
    %c0_i32_2 = arith.constant 0 : i32
    %c0_i32_3 = arith.constant 0 : i32
    return %c1_i32, %min3A, %c0_i32, %c0_i32_2 : i32, i32, i32, i32
  }
  func.func @transform_9(%arg0: i32) -> (i32, i32, i32, i32) {
    %sub3A = arith.constant 1 : i32
    %sub3A_0 = arith.subi %arg0, %sub3A : i32
    %jit3A = arith.constant 0 : i32
    %jit3A_1 = arith.constant 7 : i32
    %max3A = arith.maxsi %jit3A, %sub3A_0 : i32
    %min3A = arith.minsi %jit3A_1, %max3A : i32
    %c1_i32 = arith.constant 1 : i32
    %c1_i32_2 = arith.constant 1 : i32
    %c0_i32 = arith.constant 0 : i32
    %c0_i32_3 = arith.constant 0 : i32
    return %c1_i32, %min3A, %c1_i32_2, %c0_i32 : i32, i32, i32, i32
  }
  func.func @transform_10(%arg0: i32) -> (i32, i32) {
    %c0_i32 = arith.constant 0 : i32
    %c0_i32_0 = arith.constant 0 : i32
    %c0_i32_1 = arith.constant 0 : i32
    return %c0_i32, %c0_i32_0 : i32, i32
  }
  func.func @transform_11(%arg0: i32) -> (i32, i32) {
    %c0_i32 = arith.constant 0 : i32
    %c0_i32_0 = arith.constant 0 : i32
    %c0_i32_1 = arith.constant 0 : i32
    return %c0_i32, %c0_i32_0 : i32, i32
  }
  func.func @transform_12(%arg0: i32) -> (i32, i32) {
    %c0_i32 = arith.constant 0 : i32
    %c0_i32_0 = arith.constant 0 : i32
    %c0_i32_1 = arith.constant 0 : i32
    return %c0_i32, %c0_i32_0 : i32, i32
  }
}

module attributes {stable_mosaic.version = 14 : i64} {
  func.func @_dense_kernel(%arg0: i32, %arg1: memref<1024x768xf32, #tpu.memory_space<vmem>>, %arg2: memref<1024x768xf32, #tpu.memory_space<vmem>>, %arg3: memref<1x1x768xf32, #tpu.memory_space<vmem>>, %arg4: memref<1x768x768xf32, #tpu.memory_space<vmem>>, %arg5: memref<1x768x768xf32, #tpu.memory_space<vmem>>, %arg6: memref<1x1x768xf32, #tpu.memory_space<vmem>>, %arg7: memref<1x192x3072xf32, #tpu.memory_space<vmem>>, %arg8: memref<1x768x768xf32, #tpu.memory_space<vmem>>, %arg9: memref<1024x768xf32, #tpu.memory_space<vmem>>, %arg10: memref<4x1024x192xf32, #tpu.memory_space<vmem>>, %arg11: memref<4x1024x768xf32, #tpu.memory_space<vmem>>) attributes {dimension_semantics = [#tpu.dimension_semantics<arbitrary>], iteration_bounds = array<i64: 9>, scalar_prefetch = 0 : i64, scratch_operands = 2 : i64, tpu.core_type = #tpu.core_type<tc>, window_params = [{pipeline_mode = #tpu.pipeline_mode<synchronous>, transform_indices = @transform_0, window_bounds = array<i64: 1024, 768>}, {pipeline_mode = #tpu.pipeline_mode<synchronous>, transform_indices = @transform_1, window_bounds = array<i64: 1024, 768>}, {transform_indices = @transform_2, window_bounds = array<i64: 1, 1, 768>}, {transform_indices = @transform_3, window_bounds = array<i64: 1, 768, 768>}, {transform_indices = @transform_4, window_bounds = array<i64: 1, 768, 768>}, {transform_indices = @transform_5, window_bounds = array<i64: 1, 1, 768>}, {transform_indices = @transform_6, window_bounds = array<i64: 1, 192, 3072>}, {transform_indices = @transform_7, window_bounds = array<i64: 1, 768, 768>}, {pipeline_mode = #tpu.pipeline_mode<synchronous>, transform_indices = @transform_8, window_bounds = array<i64: 1024, 768>}]} {
    %eq3A = arith.constant 0 : i32
    %eq3A_0 = arith.cmpi eq, %arg0, %eq3A : i32
    %convert_element_type3A = arith.extui %eq3A_0 : i1 to i32
    %cond3A = arith.constant 0 : i32
    %cond3A_1 = arith.cmpi ne, %convert_element_type3A, %cond3A : i32
    scf.if %cond3A_1 {
      %get3A = arith.constant 0 : index
      %get3A_12 = arith.constant 0 : index
      %get3A_13 = vector.load %arg1[%get3A, %get3A_12] : memref<1024x768xf32, #tpu.memory_space<vmem>>, vector<1024x768xf32>
      %get3A_14 = arith.constant 0 : index
      %get3A_15 = arith.constant 0 : index
      %get3A_16 = vector.load %arg2[%get3A_14, %get3A_15] : memref<1024x768xf32, #tpu.memory_space<vmem>>, vector<1024x768xf32>
      %add3A = arith.addf %get3A_13, %get3A_16 : vector<1024x768xf32>
      %get3A_17 = arith.constant 0 : index
      %get3A_18 = arith.constant 0 : index
      %get3A_19 = arith.constant 0 : index
      %get3A_20 = vector.load %arg3[%get3A_17, %get3A_18, %get3A_19] : memref<1x1x768xf32, #tpu.memory_space<vmem>>, vector<1x1x768xf32>
      %get3A_21 = vector.shape_cast %get3A_20 : vector<1x1x768xf32> to vector<1x768xf32>
      %mul3A = arith.mulf %add3A, %add3A : vector<1024x768xf32>
      %reduce_sum3A = arith.constant dense<0.000000e+00> : vector<1024xf32>
      %reduce_sum3A_22 = vector.multi_reduction <add>, %mul3A, %reduce_sum3A [1] : vector<1024x768xf32> to vector<1024xf32>
      %broadcast_in_dim3A = vector.shape_cast %reduce_sum3A_22 : vector<1024xf32> to vector<1024x1xf32>
      %div3A = arith.constant 7.680000e+02 : f32
      %div3A_23 = vector.broadcast %div3A : f32 to vector<1024x1xf32>
      %div3A_24 = arith.divf %broadcast_in_dim3A, %div3A_23 : vector<1024x1xf32>
      %add3A_25 = arith.constant 9.99999997E-7 : f32
      %add3A_26 = vector.broadcast %add3A_25 : f32 to vector<1024x1xf32>
      %add3A_27 = arith.addf %div3A_24, %add3A_26 : vector<1024x1xf32>
      %rsqrt3A = math.rsqrt %add3A_27 : vector<1024x1xf32>
      %mul3A_28 = vector.broadcast %rsqrt3A : vector<1024x1xf32> to vector<1024x768xf32>
      %mul3A_29 = arith.mulf %add3A, %mul3A_28 : vector<1024x768xf32>
      %mul3A_30 = vector.broadcast %get3A_21 : vector<1x768xf32> to vector<1024x768xf32>
      %mul3A_31 = arith.mulf %mul3A_29, %mul3A_30 : vector<1024x768xf32>
      %get3A_32 = arith.constant 0 : index
      %get3A_33 = arith.constant 0 : index
      %get3A_34 = arith.constant 0 : index
      %get3A_35 = vector.load %arg4[%get3A_32, %get3A_33, %get3A_34] : memref<1x768x768xf32, #tpu.memory_space<vmem>>, vector<1x768x768xf32>
      %get3A_36 = vector.shape_cast %get3A_35 : vector<1x768x768xf32> to vector<768x768xf32>
      %dot_general3A = arith.constant dense<0.000000e+00> : vector<1024x768xf32>
      %dot_general3A_37 = tpu.matmul %mul3A_31, %get3A_36, %dot_general3A {dimension_numbers = #tpu.dot_dimension_numbers<[1], [0], [0], [1], [0, 0, 1, 1], [], []>, transpose_lhs_hint = false} : vector<1024x768xf32>, vector<768x768xf32>, vector<1024x768xf32> -> vector<1024x768xf32>
      %get3A_38 = arith.constant 0 : index
      %get3A_39 = arith.constant 0 : index
      %get3A_40 = arith.constant 0 : index
      %get3A_41 = vector.load %arg5[%get3A_38, %get3A_39, %get3A_40] : memref<1x768x768xf32, #tpu.memory_space<vmem>>, vector<1x768x768xf32>
      %get3A_42 = vector.shape_cast %get3A_41 : vector<1x768x768xf32> to vector<768x768xf32>
      %dot_general3A_43 = arith.constant dense<0.000000e+00> : vector<1024x768xf32>
      %dot_general3A_44 = tpu.matmul %dot_general3A_37, %get3A_42, %dot_general3A_43 {dimension_numbers = #tpu.dot_dimension_numbers<[1], [0], [0], [1], [0, 0, 1, 1], [], []>, transpose_lhs_hint = false} : vector<1024x768xf32>, vector<768x768xf32>, vector<1024x768xf32> -> vector<1024x768xf32>
      %add3A_45 = arith.addf %add3A, %dot_general3A_44 : vector<1024x768xf32>
      %swap3A = arith.constant 0 : index
      %swap3A_46 = arith.constant 0 : index
      %swap3A_47 = vector.load %arg9[%swap3A, %swap3A_46] : memref<1024x768xf32, #tpu.memory_space<vmem>>, vector<1024x768xf32>
      tpu.vector_store %arg9[%swap3A, %swap3A_46], %add3A_45 {strides = array<i32>} : memref<1024x768xf32, #tpu.memory_space<vmem>>, vector<1024x768xf32>,
      %get3A_48 = arith.constant 0 : index
      %get3A_49 = arith.constant 0 : index
      %get3A_50 = arith.constant 0 : index
      %get3A_51 = vector.load %arg6[%get3A_48, %get3A_49, %get3A_50] : memref<1x1x768xf32, #tpu.memory_space<vmem>>, vector<1x1x768xf32>
      %get3A_52 = vector.shape_cast %get3A_51 : vector<1x1x768xf32> to vector<1x768xf32>
      %mul3A_53 = arith.mulf %add3A_45, %add3A_45 : vector<1024x768xf32>
      %reduce_sum3A_54 = arith.constant dense<0.000000e+00> : vector<1024xf32>
      %reduce_sum3A_55 = vector.multi_reduction <add>, %mul3A_53, %reduce_sum3A_54 [1] : vector<1024x768xf32> to vector<1024xf32>
      %broadcast_in_dim3A_56 = vector.shape_cast %reduce_sum3A_55 : vector<1024xf32> to vector<1024x1xf32>
      %div3A_57 = arith.constant 7.680000e+02 : f32
      %div3A_58 = vector.broadcast %div3A_57 : f32 to vector<1024x1xf32>
      %div3A_59 = arith.divf %broadcast_in_dim3A_56, %div3A_58 : vector<1024x1xf32>
      %add3A_60 = arith.constant 9.99999997E-7 : f32
      %add3A_61 = vector.broadcast %add3A_60 : f32 to vector<1024x1xf32>
      %add3A_62 = arith.addf %div3A_59, %add3A_61 : vector<1024x1xf32>
      %rsqrt3A_63 = math.rsqrt %add3A_62 : vector<1024x1xf32>
      %mul3A_64 = vector.broadcast %rsqrt3A_63 : vector<1024x1xf32> to vector<1024x768xf32>
      %mul3A_65 = arith.mulf %add3A_45, %mul3A_64 : vector<1024x768xf32>
      %mul3A_66 = vector.broadcast %get3A_52 : vector<1x768xf32> to vector<1024x768xf32>
      %mul3A_67 = arith.mulf %mul3A_65, %mul3A_66 : vector<1024x768xf32>
      %slice3A = vector.extract_strided_slice %mul3A_67 {offsets = [0, 0], sizes = [1024, 192], strides = [1, 1]} : vector<1024x768xf32> to vector<1024x192xf32>
      %swap3A_68 = arith.constant 0 : index
      %swap3A_69 = arith.constant 0 : index
      %swap3A_70 = arith.constant 0 : index
      %swap3A_71 = vector.load %arg10[%swap3A_68, %swap3A_69, %swap3A_70] : memref<4x1024x192xf32, #tpu.memory_space<vmem>>, vector<1x1024x192xf32>
      %swap3A_72 = vector.shape_cast %swap3A_71 : vector<1x1024x192xf32> to vector<1024x192xf32>
      %swap3A_73 = vector.shape_cast %slice3A : vector<1024x192xf32> to vector<1x1024x192xf32>
      tpu.vector_store %arg10[%swap3A_68, %swap3A_69, %swap3A_70], %swap3A_73 {strides = array<i32>} : memref<4x1024x192xf32, #tpu.memory_space<vmem>>, vector<1x1024x192xf32>,
      %slice3A_74 = vector.extract_strided_slice %mul3A_67 {offsets = [0, 192], sizes = [1024, 192], strides = [1, 1]} : vector<1024x768xf32> to vector<1024x192xf32>
      %swap3A_75 = arith.constant 1 : index
      %swap3A_76 = arith.constant 0 : index
      %swap3A_77 = arith.constant 0 : index
      %swap3A_78 = vector.load %arg10[%swap3A_75, %swap3A_76, %swap3A_77] : memref<4x1024x192xf32, #tpu.memory_space<vmem>>, vector<1x1024x192xf32>
      %swap3A_79 = vector.shape_cast %swap3A_78 : vector<1x1024x192xf32> to vector<1024x192xf32>
      %swap3A_80 = vector.shape_cast %slice3A_74 : vector<1024x192xf32> to vector<1x1024x192xf32>
      tpu.vector_store %arg10[%swap3A_75, %swap3A_76, %swap3A_77], %swap3A_80 {strides = array<i32>} : memref<4x1024x192xf32, #tpu.memory_space<vmem>>, vector<1x1024x192xf32>,
      %slice3A_81 = vector.extract_strided_slice %mul3A_67 {offsets = [0, 384], sizes = [1024, 192], strides = [1, 1]} : vector<1024x768xf32> to vector<1024x192xf32>
      %swap3A_82 = arith.constant 2 : index
      %swap3A_83 = arith.constant 0 : index
      %swap3A_84 = arith.constant 0 : index
      %swap3A_85 = vector.load %arg10[%swap3A_82, %swap3A_83, %swap3A_84] : memref<4x1024x192xf32, #tpu.memory_space<vmem>>, vector<1x1024x192xf32>
      %swap3A_86 = vector.shape_cast %swap3A_85 : vector<1x1024x192xf32> to vector<1024x192xf32>
      %swap3A_87 = vector.shape_cast %slice3A_81 : vector<1024x192xf32> to vector<1x1024x192xf32>
      tpu.vector_store %arg10[%swap3A_82, %swap3A_83, %swap3A_84], %swap3A_87 {strides = array<i32>} : memref<4x1024x192xf32, #tpu.memory_space<vmem>>, vector<1x1024x192xf32>,
      %slice3A_88 = vector.extract_strided_slice %mul3A_67 {offsets = [0, 576], sizes = [1024, 192], strides = [1, 1]} : vector<1024x768xf32> to vector<1024x192xf32>
      %swap3A_89 = arith.constant 3 : index
      %swap3A_90 = arith.constant 0 : index
      %swap3A_91 = arith.constant 0 : index
      %swap3A_92 = vector.load %arg10[%swap3A_89, %swap3A_90, %swap3A_91] : memref<4x1024x192xf32, #tpu.memory_space<vmem>>, vector<1x1024x192xf32>
      %swap3A_93 = vector.shape_cast %swap3A_92 : vector<1x1024x192xf32> to vector<1024x192xf32>
      %swap3A_94 = vector.shape_cast %slice3A_88 : vector<1024x192xf32> to vector<1x1024x192xf32>
      tpu.vector_store %arg10[%swap3A_89, %swap3A_90, %swap3A_91], %swap3A_94 {strides = array<i32>} : memref<4x1024x192xf32, #tpu.memory_space<vmem>>, vector<1x1024x192xf32>,
    } else {
    }
    %ge3A = arith.constant 1 : i32
    %ge3A_2 = arith.cmpi sge, %arg0, %ge3A : i32
    %le3A = arith.constant 4 : i32
    %le3A_3 = arith.cmpi sle, %arg0, %le3A : i32
    %and3A = arith.andi %ge3A_2, %le3A_3 : i1
    %convert_element_type3A_4 = arith.extui %and3A : i1 to i32
    %cond3A_5 = arith.constant 0 : i32
    %cond3A_6 = arith.cmpi ne, %convert_element_type3A_4, %cond3A_5 : i32
    scf.if %cond3A_6 {
      %sub3A = arith.constant 1 : i32
      %sub3A_12 = arith.subi %arg0, %sub3A : i32
      %get3A = arith.index_cast %sub3A_12 : i32 to index
      %get3A_13 = arith.constant 0 : index
      %get3A_14 = arith.constant 0 : index
      %get3A_15 = vector.load %arg10[%get3A, %get3A_13, %get3A_14] : memref<4x1024x192xf32, #tpu.memory_space<vmem>>, vector<1x1024x192xf32>
      %get3A_16 = vector.shape_cast %get3A_15 : vector<1x1024x192xf32> to vector<1024x192xf32>
      %get3A_17 = arith.constant 0 : index
      %get3A_18 = arith.constant 0 : index
      %get3A_19 = arith.constant 0 : index
      %get3A_20 = vector.load %arg7[%get3A_17, %get3A_18, %get3A_19] : memref<1x192x3072xf32, #tpu.memory_space<vmem>>, vector<1x192x3072xf32>
      %get3A_21 = vector.shape_cast %get3A_20 : vector<1x192x3072xf32> to vector<192x3072xf32>
      %dot_general3A = arith.constant dense<0.000000e+00> : vector<1024x3072xf32>
      %dot_general3A_22 = tpu.matmul %get3A_16, %get3A_21, %dot_general3A {dimension_numbers = #tpu.dot_dimension_numbers<[1], [0], [0], [1], [0, 0, 1, 1], [], []>, transpose_lhs_hint = false} : vector<1024x192xf32>, vector<192x3072xf32>, vector<1024x3072xf32> -> vector<1024x3072xf32>
      %slice3A = vector.extract_strided_slice %dot_general3A_22 {offsets = [0, 0], sizes = [1024, 768], strides = [1, 1]} : vector<1024x3072xf32> to vector<1024x768xf32>
      %eq3A_23 = arith.constant 0 : i32
      %eq3A_24 = arith.cmpi eq, %sub3A_12, %eq3A_23 : i32
      %convert_element_type3A_25 = arith.extui %eq3A_24 : i1 to i32
      %cond3A_26 = arith.constant 0 : i32
      %cond3A_27 = arith.cmpi ne, %convert_element_type3A_25, %cond3A_26 : i32
      scf.if %cond3A_27 {
        %swap3A = arith.constant 0 : index
        %swap3A_65 = arith.constant 0 : index
        %swap3A_66 = arith.constant 0 : index
        %swap3A_67 = vector.load %arg11[%swap3A, %swap3A_65, %swap3A_66] : memref<4x1024x768xf32, #tpu.memory_space<vmem>>, vector<1x1024x768xf32>
        %swap3A_68 = vector.shape_cast %swap3A_67 : vector<1x1024x768xf32> to vector<1024x768xf32>
        %swap3A_69 = vector.shape_cast %slice3A : vector<1024x768xf32> to vector<1x1024x768xf32>
        tpu.vector_store %arg11[%swap3A, %swap3A_65, %swap3A_66], %swap3A_69 {strides = array<i32>} : memref<4x1024x768xf32, #tpu.memory_space<vmem>>, vector<1x1024x768xf32>,
      } else {
      }
      %gt3A = arith.constant 0 : i32
      %gt3A_28 = arith.cmpi sgt, %sub3A_12, %gt3A : i32
      %convert_element_type3A_29 = arith.extui %gt3A_28 : i1 to i32
      %cond3A_30 = arith.constant 0 : i32
      %cond3A_31 = arith.cmpi ne, %convert_element_type3A_29, %cond3A_30 : i32
      scf.if %cond3A_31 {
        %get3A_65 = arith.constant 0 : index
        %get3A_66 = arith.constant 0 : index
        %get3A_67 = arith.constant 0 : index
        %get3A_68 = vector.load %arg11[%get3A_65, %get3A_66, %get3A_67] : memref<4x1024x768xf32, #tpu.memory_space<vmem>>, vector<1x1024x768xf32>
        %get3A_69 = vector.shape_cast %get3A_68 : vector<1x1024x768xf32> to vector<1024x768xf32>
        %add3A = arith.addf %get3A_69, %slice3A : vector<1024x768xf32>
        %swap3A = arith.constant 0 : index
        %swap3A_70 = arith.constant 0 : index
        %swap3A_71 = arith.constant 0 : index
        %swap3A_72 = vector.load %arg11[%swap3A, %swap3A_70, %swap3A_71] : memref<4x1024x768xf32, #tpu.memory_space<vmem>>, vector<1x1024x768xf32>
        %swap3A_73 = vector.shape_cast %swap3A_72 : vector<1x1024x768xf32> to vector<1024x768xf32>
        %swap3A_74 = vector.shape_cast %add3A : vector<1024x768xf32> to vector<1x1024x768xf32>
        tpu.vector_store %arg11[%swap3A, %swap3A_70, %swap3A_71], %swap3A_74 {strides = array<i32>} : memref<4x1024x768xf32, #tpu.memory_space<vmem>>, vector<1x1024x768xf32>,
      } else {
      }
      %slice3A_32 = vector.extract_strided_slice %dot_general3A_22 {offsets = [0, 768], sizes = [1024, 768], strides = [1, 1]} : vector<1024x3072xf32> to vector<1024x768xf32>
      %eq3A_33 = arith.constant 0 : i32
      %eq3A_34 = arith.cmpi eq, %sub3A_12, %eq3A_33 : i32
      %convert_element_type3A_35 = arith.extui %eq3A_34 : i1 to i32
      %cond3A_36 = arith.constant 0 : i32
      %cond3A_37 = arith.cmpi ne, %convert_element_type3A_35, %cond3A_36 : i32
      scf.if %cond3A_37 {
        %swap3A = arith.constant 1 : index
        %swap3A_65 = arith.constant 0 : index
        %swap3A_66 = arith.constant 0 : index
        %swap3A_67 = vector.load %arg11[%swap3A, %swap3A_65, %swap3A_66] : memref<4x1024x768xf32, #tpu.memory_space<vmem>>, vector<1x1024x768xf32>
        %swap3A_68 = vector.shape_cast %swap3A_67 : vector<1x1024x768xf32> to vector<1024x768xf32>
        %swap3A_69 = vector.shape_cast %slice3A_32 : vector<1024x768xf32> to vector<1x1024x768xf32>
        tpu.vector_store %arg11[%swap3A, %swap3A_65, %swap3A_66], %swap3A_69 {strides = array<i32>} : memref<4x1024x768xf32, #tpu.memory_space<vmem>>, vector<1x1024x768xf32>,
      } else {
      }
      %gt3A_38 = arith.constant 0 : i32
      %gt3A_39 = arith.cmpi sgt, %sub3A_12, %gt3A_38 : i32
      %convert_element_type3A_40 = arith.extui %gt3A_39 : i1 to i32
      %cond3A_41 = arith.constant 0 : i32
      %cond3A_42 = arith.cmpi ne, %convert_element_type3A_40, %cond3A_41 : i32
      scf.if %cond3A_42 {
        %get3A_65 = arith.constant 1 : index
        %get3A_66 = arith.constant 0 : index
        %get3A_67 = arith.constant 0 : index
        %get3A_68 = vector.load %arg11[%get3A_65, %get3A_66, %get3A_67] : memref<4x1024x768xf32, #tpu.memory_space<vmem>>, vector<1x1024x768xf32>
        %get3A_69 = vector.shape_cast %get3A_68 : vector<1x1024x768xf32> to vector<1024x768xf32>
        %add3A = arith.addf %get3A_69, %slice3A_32 : vector<1024x768xf32>
        %swap3A = arith.constant 1 : index
        %swap3A_70 = arith.constant 0 : index
        %swap3A_71 = arith.constant 0 : index
        %swap3A_72 = vector.load %arg11[%swap3A, %swap3A_70, %swap3A_71] : memref<4x1024x768xf32, #tpu.memory_space<vmem>>, vector<1x1024x768xf32>
        %swap3A_73 = vector.shape_cast %swap3A_72 : vector<1x1024x768xf32> to vector<1024x768xf32>
        %swap3A_74 = vector.shape_cast %add3A : vector<1024x768xf32> to vector<1x1024x768xf32>
        tpu.vector_store %arg11[%swap3A, %swap3A_70, %swap3A_71], %swap3A_74 {strides = array<i32>} : memref<4x1024x768xf32, #tpu.memory_space<vmem>>, vector<1x1024x768xf32>,
      } else {
      }
      %slice3A_43 = vector.extract_strided_slice %dot_general3A_22 {offsets = [0, 1536], sizes = [1024, 768], strides = [1, 1]} : vector<1024x3072xf32> to vector<1024x768xf32>
      %eq3A_44 = arith.constant 0 : i32
      %eq3A_45 = arith.cmpi eq, %sub3A_12, %eq3A_44 : i32
      %convert_element_type3A_46 = arith.extui %eq3A_45 : i1 to i32
      %cond3A_47 = arith.constant 0 : i32
      %cond3A_48 = arith.cmpi ne, %convert_element_type3A_46, %cond3A_47 : i32
      scf.if %cond3A_48 {
        %swap3A = arith.constant 2 : index
        %swap3A_65 = arith.constant 0 : index
        %swap3A_66 = arith.constant 0 : index
        %swap3A_67 = vector.load %arg11[%swap3A, %swap3A_65, %swap3A_66] : memref<4x1024x768xf32, #tpu.memory_space<vmem>>, vector<1x1024x768xf32>
        %swap3A_68 = vector.shape_cast %swap3A_67 : vector<1x1024x768xf32> to vector<1024x768xf32>
        %swap3A_69 = vector.shape_cast %slice3A_43 : vector<1024x768xf32> to vector<1x1024x768xf32>
        tpu.vector_store %arg11[%swap3A, %swap3A_65, %swap3A_66], %swap3A_69 {strides = array<i32>} : memref<4x1024x768xf32, #tpu.memory_space<vmem>>, vector<1x1024x768xf32>,
      } else {
      }
      %gt3A_49 = arith.constant 0 : i32
      %gt3A_50 = arith.cmpi sgt, %sub3A_12, %gt3A_49 : i32
      %convert_element_type3A_51 = arith.extui %gt3A_50 : i1 to i32
      %cond3A_52 = arith.constant 0 : i32
      %cond3A_53 = arith.cmpi ne, %convert_element_type3A_51, %cond3A_52 : i32
      scf.if %cond3A_53 {
        %get3A_65 = arith.constant 2 : index
        %get3A_66 = arith.constant 0 : index
        %get3A_67 = arith.constant 0 : index
        %get3A_68 = vector.load %arg11[%get3A_65, %get3A_66, %get3A_67] : memref<4x1024x768xf32, #tpu.memory_space<vmem>>, vector<1x1024x768xf32>
        %get3A_69 = vector.shape_cast %get3A_68 : vector<1x1024x768xf32> to vector<1024x768xf32>
        %add3A = arith.addf %get3A_69, %slice3A_43 : vector<1024x768xf32>
        %swap3A = arith.constant 2 : index
        %swap3A_70 = arith.constant 0 : index
        %swap3A_71 = arith.constant 0 : index
        %swap3A_72 = vector.load %arg11[%swap3A, %swap3A_70, %swap3A_71] : memref<4x1024x768xf32, #tpu.memory_space<vmem>>, vector<1x1024x768xf32>
        %swap3A_73 = vector.shape_cast %swap3A_72 : vector<1x1024x768xf32> to vector<1024x768xf32>
        %swap3A_74 = vector.shape_cast %add3A : vector<1024x768xf32> to vector<1x1024x768xf32>
        tpu.vector_store %arg11[%swap3A, %swap3A_70, %swap3A_71], %swap3A_74 {strides = array<i32>} : memref<4x1024x768xf32, #tpu.memory_space<vmem>>, vector<1x1024x768xf32>,
      } else {
      }
      %slice3A_54 = vector.extract_strided_slice %dot_general3A_22 {offsets = [0, 2304], sizes = [1024, 768], strides = [1, 1]} : vector<1024x3072xf32> to vector<1024x768xf32>
      %eq3A_55 = arith.constant 0 : i32
      %eq3A_56 = arith.cmpi eq, %sub3A_12, %eq3A_55 : i32
      %convert_element_type3A_57 = arith.extui %eq3A_56 : i1 to i32
      %cond3A_58 = arith.constant 0 : i32
      %cond3A_59 = arith.cmpi ne, %convert_element_type3A_57, %cond3A_58 : i32
      scf.if %cond3A_59 {
        %swap3A = arith.constant 3 : index
        %swap3A_65 = arith.constant 0 : index
        %swap3A_66 = arith.constant 0 : index
        %swap3A_67 = vector.load %arg11[%swap3A, %swap3A_65, %swap3A_66] : memref<4x1024x768xf32, #tpu.memory_space<vmem>>, vector<1x1024x768xf32>
        %swap3A_68 = vector.shape_cast %swap3A_67 : vector<1x1024x768xf32> to vector<1024x768xf32>
        %swap3A_69 = vector.shape_cast %slice3A_54 : vector<1024x768xf32> to vector<1x1024x768xf32>
        tpu.vector_store %arg11[%swap3A, %swap3A_65, %swap3A_66], %swap3A_69 {strides = array<i32>} : memref<4x1024x768xf32, #tpu.memory_space<vmem>>, vector<1x1024x768xf32>,
      } else {
      }
      %gt3A_60 = arith.constant 0 : i32
      %gt3A_61 = arith.cmpi sgt, %sub3A_12, %gt3A_60 : i32
      %convert_element_type3A_62 = arith.extui %gt3A_61 : i1 to i32
      %cond3A_63 = arith.constant 0 : i32
      %cond3A_64 = arith.cmpi ne, %convert_element_type3A_62, %cond3A_63 : i32
      scf.if %cond3A_64 {
        %get3A_65 = arith.constant 3 : index
        %get3A_66 = arith.constant 0 : index
        %get3A_67 = arith.constant 0 : index
        %get3A_68 = vector.load %arg11[%get3A_65, %get3A_66, %get3A_67] : memref<4x1024x768xf32, #tpu.memory_space<vmem>>, vector<1x1024x768xf32>
        %get3A_69 = vector.shape_cast %get3A_68 : vector<1x1024x768xf32> to vector<1024x768xf32>
        %add3A = arith.addf %get3A_69, %slice3A_54 : vector<1024x768xf32>
        %swap3A = arith.constant 3 : index
        %swap3A_70 = arith.constant 0 : index
        %swap3A_71 = arith.constant 0 : index
        %swap3A_72 = vector.load %arg11[%swap3A, %swap3A_70, %swap3A_71] : memref<4x1024x768xf32, #tpu.memory_space<vmem>>, vector<1x1024x768xf32>
        %swap3A_73 = vector.shape_cast %swap3A_72 : vector<1x1024x768xf32> to vector<1024x768xf32>
        %swap3A_74 = vector.shape_cast %add3A : vector<1024x768xf32> to vector<1x1024x768xf32>
        tpu.vector_store %arg11[%swap3A, %swap3A_70, %swap3A_71], %swap3A_74 {strides = array<i32>} : memref<4x1024x768xf32, #tpu.memory_space<vmem>>, vector<1x1024x768xf32>,
      } else {
      }
    } else {
    }
    %ge3A_7 = arith.constant 5 : i32
    %ge3A_8 = arith.cmpi sge, %arg0, %ge3A_7 : i32
    %convert_element_type3A_9 = arith.extui %ge3A_8 : i1 to i32
    %cond3A_10 = arith.constant 0 : i32
    %cond3A_11 = arith.cmpi ne, %convert_element_type3A_9, %cond3A_10 : i32
    scf.if %cond3A_11 {
      %sub3A = arith.constant 5 : i32
      %sub3A_12 = arith.subi %arg0, %sub3A : i32
      %get3A = arith.index_cast %sub3A_12 : i32 to index
      %get3A_13 = arith.constant 0 : index
      %get3A_14 = arith.constant 0 : index
      %get3A_15 = vector.load %arg11[%get3A, %get3A_13, %get3A_14] : memref<4x1024x768xf32, #tpu.memory_space<vmem>>, vector<1x1024x768xf32>
      %get3A_16 = vector.shape_cast %get3A_15 : vector<1x1024x768xf32> to vector<1024x768xf32>
      %max3A = arith.constant 0.000000e+00 : f32
      %max3A_17 = vector.broadcast %max3A : f32 to vector<1024x768xf32>
      %max3A_18 = arith.maximumf %get3A_16, %max3A_17 : vector<1024x768xf32>
      %get3A_19 = arith.constant 0 : index
      %get3A_20 = arith.constant 0 : index
      %get3A_21 = vector.load %arg9[%get3A_19, %get3A_20] : memref<1024x768xf32, #tpu.memory_space<vmem>>, vector<1024x768xf32>
      %get3A_22 = arith.constant 0 : index
      %get3A_23 = arith.constant 0 : index
      %get3A_24 = arith.constant 0 : index
      %get3A_25 = vector.load %arg8[%get3A_22, %get3A_23, %get3A_24] : memref<1x768x768xf32, #tpu.memory_space<vmem>>, vector<1x768x768xf32>
      %get3A_26 = vector.shape_cast %get3A_25 : vector<1x768x768xf32> to vector<768x768xf32>
      %dot_general3A = arith.constant dense<0.000000e+00> : vector<1024x768xf32>
      %dot_general3A_27 = tpu.matmul %max3A_18, %get3A_26, %dot_general3A {dimension_numbers = #tpu.dot_dimension_numbers<[1], [0], [0], [1], [0, 0, 1, 1], [], []>, transpose_lhs_hint = false} : vector<1024x768xf32>, vector<768x768xf32>, vector<1024x768xf32> -> vector<1024x768xf32>
      %add3A = arith.addf %get3A_21, %dot_general3A_27 : vector<1024x768xf32>
      %swap3A = arith.constant 0 : index
      %swap3A_28 = arith.constant 0 : index
      %swap3A_29 = vector.load %arg9[%swap3A, %swap3A_28] : memref<1024x768xf32, #tpu.memory_space<vmem>>, vector<1024x768xf32>
      tpu.vector_store %arg9[%swap3A, %swap3A_28], %add3A {strides = array<i32>} : memref<1024x768xf32, #tpu.memory_space<vmem>>, vector<1024x768xf32>,
    } else {
    }
    return
  }
  func.func @transform_0(%arg0: i32) -> (i32, i32) {
    %c0_i32 = arith.constant 0 : i32
    %c0_i32_0 = arith.constant 0 : i32
    %c0_i32_1 = arith.constant 0 : i32
    return %c0_i32, %c0_i32_0 : i32, i32
  }
  func.func @transform_1(%arg0: i32) -> (i32, i32) {
    %c0_i32 = arith.constant 0 : i32
    %c0_i32_0 = arith.constant 0 : i32
    %c0_i32_1 = arith.constant 0 : i32
    return %c0_i32, %c0_i32_0 : i32, i32
  }
  func.func @transform_2(%arg0: i32) -> (i32, i32, i32) {
    %c4_i32 = arith.constant 4 : i32
    %c0_i32 = arith.constant 0 : i32
    %c0_i32_0 = arith.constant 0 : i32
    %c0_i32_1 = arith.constant 0 : i32
    return %c4_i32, %c0_i32, %c0_i32_0 : i32, i32, i32
  }
  func.func @transform_3(%arg0: i32) -> (i32, i32, i32) {
    %c4_i32 = arith.constant 4 : i32
    %c0_i32 = arith.constant 0 : i32
    %c0_i32_0 = arith.constant 0 : i32
    %c0_i32_1 = arith.constant 0 : i32
    return %c4_i32, %c0_i32, %c0_i32_0 : i32, i32, i32
  }
  func.func @transform_4(%arg0: i32) -> (i32, i32, i32) {
    %c4_i32 = arith.constant 4 : i32
    %c0_i32 = arith.constant 0 : i32
    %c0_i32_0 = arith.constant 0 : i32
    %c0_i32_1 = arith.constant 0 : i32
    return %c4_i32, %c0_i32, %c0_i32_0 : i32, i32, i32
  }
  func.func @transform_5(%arg0: i32) -> (i32, i32, i32) {
    %c4_i32 = arith.constant 4 : i32
    %c0_i32 = arith.constant 0 : i32
    %c0_i32_0 = arith.constant 0 : i32
    %c0_i32_1 = arith.constant 0 : i32
    return %c4_i32, %c0_i32, %c0_i32_0 : i32, i32, i32
  }
  func.func @transform_6(%arg0: i32) -> (i32, i32, i32) {
    %sub3A = arith.constant 1 : i32
    %sub3A_0 = arith.subi %arg0, %sub3A : i32
    %jit3A = arith.constant 0 : i32
    %jit3A_1 = arith.constant 3 : i32
    %max3A = arith.maxsi %jit3A, %sub3A_0 : i32
    %min3A = arith.minsi %jit3A_1, %max3A : i32
    %c2_i32 = arith.constant 2 : i32
    %c0_i32 = arith.constant 0 : i32
    %c0_i32_2 = arith.constant 0 : i32
    return %c2_i32, %min3A, %c0_i32 : i32, i32, i32
  }
  func.func @transform_7(%arg0: i32) -> (i32, i32, i32) {
    %sub3A = arith.constant 5 : i32
    %sub3A_0 = arith.subi %arg0, %sub3A : i32
    %jit3A = arith.constant 0 : i32
    %jit3A_1 = arith.constant 3 : i32
    %max3A = arith.maxsi %jit3A, %sub3A_0 : i32
    %min3A = arith.minsi %jit3A_1, %max3A : i32
    %c2_i32 = arith.constant 2 : i32
    %c0_i32 = arith.constant 0 : i32
    %c0_i32_2 = arith.constant 0 : i32
    return %c2_i32, %min3A, %c0_i32 : i32, i32, i32
  }
  func.func @transform_8(%arg0: i32) -> (i32, i32) {
    %c0_i32 = arith.constant 0 : i32
    %c0_i32_0 = arith.constant 0 : i32
    %c0_i32_1 = arith.constant 0 : i32
    return %c0_i32, %c0_i32_0 : i32, i32
  }
}

module attributes {stable_mosaic.version = 14 : i64} {
  func.func @_moe_kernel(%arg0: i32, %arg1: memref<1024x768xf32, #tpu.memory_space<vmem>>, %arg2: memref<1x1x768xf32, #tpu.memory_space<vmem>>, %arg3: memref<1x768x768xf32, #tpu.memory_space<vmem>>, %arg4: memref<1x768x768xf32, #tpu.memory_space<vmem>>, %arg5: memref<1x1x768xf32, #tpu.memory_space<vmem>>, %arg6: memref<1x768x8xf32, #tpu.memory_space<vmem>>, %arg7: memref<1x1x384x3072xf32, #tpu.memory_space<vmem>>, %arg8: memref<1x1x384x3072xf32, #tpu.memory_space<vmem>>, %arg9: memref<1x1x1536x768xf32, #tpu.memory_space<vmem>>, %arg10: memref<1x1x1536x768xf32, #tpu.memory_space<vmem>>, %arg11: memref<1024x768xf32, #tpu.memory_space<vmem>>, %arg12: memref<1296x768xf32, #tpu.memory_space<vmem>>, %arg13: memref<1024x1xi32, #tpu.memory_space<vmem>>, %arg14: memref<1280x768xf32, #tpu.memory_space<vmem>>, %arg15: memref<1280x1xf32, #tpu.memory_space<vmem>>) attributes {dimension_semantics = [#tpu.dimension_semantics<arbitrary>], iteration_bounds = array<i64: 9>, scalar_prefetch = 0 : i64, scratch_operands = 2 : i64, tpu.core_type = #tpu.core_type<tc>, window_params = [{pipeline_mode = #tpu.pipeline_mode<synchronous>, transform_indices = @transform_0, window_bounds = array<i64: 1024, 768>}, {transform_indices = @transform_1, window_bounds = array<i64: 1, 1, 768>}, {transform_indices = @transform_2, window_bounds = array<i64: 1, 768, 768>}, {transform_indices = @transform_3, window_bounds = array<i64: 1, 768, 768>}, {transform_indices = @transform_4, window_bounds = array<i64: 1, 1, 768>}, {transform_indices = @transform_5, window_bounds = array<i64: 1, 768, 8>}, {transform_indices = @transform_6, window_bounds = array<i64: 1, 1, 384, 3072>}, {transform_indices = @transform_7, window_bounds = array<i64: 1, 1, 384, 3072>}, {transform_indices = @transform_8, window_bounds = array<i64: 1, 1, 1536, 768>}, {transform_indices = @transform_9, window_bounds = array<i64: 1, 1, 1536, 768>}, {pipeline_mode = #tpu.pipeline_mode<synchronous>, transform_indices = @transform_10, window_bounds = array<i64: 1024, 768>}, {pipeline_mode = #tpu.pipeline_mode<synchronous>, transform_indices = @transform_11, window_bounds = array<i64: 1296, 768>}, {pipeline_mode = #tpu.pipeline_mode<synchronous>, transform_indices = @transform_12, window_bounds = array<i64: 1024, 1>}]} {
    %eq3A = arith.constant 0 : i32
    %eq3A_0 = arith.cmpi eq, %arg0, %eq3A : i32
    %convert_element_type3A = arith.extui %eq3A_0 : i1 to i32
    %cond3A = arith.constant 0 : i32
    %cond3A_1 = arith.cmpi ne, %convert_element_type3A, %cond3A : i32
    scf.if %cond3A_1 {
      %get3A = arith.constant 0 : index
      %get3A_7 = arith.constant 0 : index
      %get3A_8 = vector.load %arg1[%get3A, %get3A_7] : memref<1024x768xf32, #tpu.memory_space<vmem>>, vector<1024x768xf32>
      %get3A_9 = arith.constant 0 : index
      %get3A_10 = arith.constant 0 : index
      %get3A_11 = arith.constant 0 : index
      %get3A_12 = vector.load %arg2[%get3A_9, %get3A_10, %get3A_11] : memref<1x1x768xf32, #tpu.memory_space<vmem>>, vector<1x1x768xf32>
      %get3A_13 = vector.shape_cast %get3A_12 : vector<1x1x768xf32> to vector<1x768xf32>
      %mul3A = arith.mulf %get3A_8, %get3A_8 : vector<1024x768xf32>
      %reduce_sum3A = arith.constant dense<0.000000e+00> : vector<1024xf32>
      %reduce_sum3A_14 = vector.multi_reduction <add>, %mul3A, %reduce_sum3A [1] : vector<1024x768xf32> to vector<1024xf32>
      %broadcast_in_dim3A = vector.shape_cast %reduce_sum3A_14 : vector<1024xf32> to vector<1024x1xf32>
      %div3A = arith.constant 7.680000e+02 : f32
      %div3A_15 = vector.broadcast %div3A : f32 to vector<1024x1xf32>
      %div3A_16 = arith.divf %broadcast_in_dim3A, %div3A_15 : vector<1024x1xf32>
      %add3A = arith.constant 9.99999997E-7 : f32
      %add3A_17 = vector.broadcast %add3A : f32 to vector<1024x1xf32>
      %add3A_18 = arith.addf %div3A_16, %add3A_17 : vector<1024x1xf32>
      %rsqrt3A = math.rsqrt %add3A_18 : vector<1024x1xf32>
      %mul3A_19 = vector.broadcast %rsqrt3A : vector<1024x1xf32> to vector<1024x768xf32>
      %mul3A_20 = arith.mulf %get3A_8, %mul3A_19 : vector<1024x768xf32>
      %mul3A_21 = vector.broadcast %get3A_13 : vector<1x768xf32> to vector<1024x768xf32>
      %mul3A_22 = arith.mulf %mul3A_20, %mul3A_21 : vector<1024x768xf32>
      %get3A_23 = arith.constant 0 : index
      %get3A_24 = arith.constant 0 : index
      %get3A_25 = arith.constant 0 : index
      %get3A_26 = vector.load %arg3[%get3A_23, %get3A_24, %get3A_25] : memref<1x768x768xf32, #tpu.memory_space<vmem>>, vector<1x768x768xf32>
      %get3A_27 = vector.shape_cast %get3A_26 : vector<1x768x768xf32> to vector<768x768xf32>
      %dot_general3A = arith.constant dense<0.000000e+00> : vector<1024x768xf32>
      %dot_general3A_28 = tpu.matmul %mul3A_22, %get3A_27, %dot_general3A {dimension_numbers = #tpu.dot_dimension_numbers<[1], [0], [0], [1], [0, 0, 1, 1], [], []>, transpose_lhs_hint = false} : vector<1024x768xf32>, vector<768x768xf32>, vector<1024x768xf32> -> vector<1024x768xf32>
      %get3A_29 = arith.constant 0 : index
      %get3A_30 = arith.constant 0 : index
      %get3A_31 = arith.constant 0 : index
      %get3A_32 = vector.load %arg4[%get3A_29, %get3A_30, %get3A_31] : memref<1x768x768xf32, #tpu.memory_space<vmem>>, vector<1x768x768xf32>
      %get3A_33 = vector.shape_cast %get3A_32 : vector<1x768x768xf32> to vector<768x768xf32>
      %dot_general3A_34 = arith.constant dense<0.000000e+00> : vector<1024x768xf32>
      %dot_general3A_35 = tpu.matmul %dot_general3A_28, %get3A_33, %dot_general3A_34 {dimension_numbers = #tpu.dot_dimension_numbers<[1], [0], [0], [1], [0, 0, 1, 1], [], []>, transpose_lhs_hint = false} : vector<1024x768xf32>, vector<768x768xf32>, vector<1024x768xf32> -> vector<1024x768xf32>
      %add3A_36 = arith.addf %get3A_8, %dot_general3A_35 : vector<1024x768xf32>
      %swap3A = arith.constant 0 : index
      %swap3A_37 = arith.constant 0 : index
      %swap3A_38 = vector.load %arg11[%swap3A, %swap3A_37] : memref<1024x768xf32, #tpu.memory_space<vmem>>, vector<1024x768xf32>
      tpu.vector_store %arg11[%swap3A, %swap3A_37], %add3A_36 {strides = array<i32>} : memref<1024x768xf32, #tpu.memory_space<vmem>>, vector<1024x768xf32>,
      %get3A_39 = arith.constant 0 : index
      %get3A_40 = arith.constant 0 : index
      %get3A_41 = arith.constant 0 : index
      %get3A_42 = vector.load %arg5[%get3A_39, %get3A_40, %get3A_41] : memref<1x1x768xf32, #tpu.memory_space<vmem>>, vector<1x1x768xf32>
      %get3A_43 = vector.shape_cast %get3A_42 : vector<1x1x768xf32> to vector<1x768xf32>
      %mul3A_44 = arith.mulf %add3A_36, %add3A_36 : vector<1024x768xf32>
      %reduce_sum3A_45 = arith.constant dense<0.000000e+00> : vector<1024xf32>
      %reduce_sum3A_46 = vector.multi_reduction <add>, %mul3A_44, %reduce_sum3A_45 [1] : vector<1024x768xf32> to vector<1024xf32>
      %broadcast_in_dim3A_47 = vector.shape_cast %reduce_sum3A_46 : vector<1024xf32> to vector<1024x1xf32>
      %div3A_48 = arith.constant 7.680000e+02 : f32
      %div3A_49 = vector.broadcast %div3A_48 : f32 to vector<1024x1xf32>
      %div3A_50 = arith.divf %broadcast_in_dim3A_47, %div3A_49 : vector<1024x1xf32>
      %add3A_51 = arith.constant 9.99999997E-7 : f32
      %add3A_52 = vector.broadcast %add3A_51 : f32 to vector<1024x1xf32>
      %add3A_53 = arith.addf %div3A_50, %add3A_52 : vector<1024x1xf32>
      %rsqrt3A_54 = math.rsqrt %add3A_53 : vector<1024x1xf32>
      %mul3A_55 = vector.broadcast %rsqrt3A_54 : vector<1024x1xf32> to vector<1024x768xf32>
      %mul3A_56 = arith.mulf %add3A_36, %mul3A_55 : vector<1024x768xf32>
      %mul3A_57 = vector.broadcast %get3A_43 : vector<1x768xf32> to vector<1024x768xf32>
      %mul3A_58 = arith.mulf %mul3A_56, %mul3A_57 : vector<1024x768xf32>
      %get3A_59 = arith.constant 0 : index
      %get3A_60 = arith.constant 0 : index
      %get3A_61 = arith.constant 0 : index
      %get3A_62 = vector.load %arg6[%get3A_59, %get3A_60, %get3A_61] : memref<1x768x8xf32, #tpu.memory_space<vmem>>, vector<1x768x8xf32>
      %get3A_63 = vector.shape_cast %get3A_62 : vector<1x768x8xf32> to vector<768x8xf32>
      %dot_general3A_64 = arith.constant dense<0.000000e+00> : vector<1024x8xf32>
      %dot_general3A_65 = tpu.matmul %mul3A_58, %get3A_63, %dot_general3A_64 {dimension_numbers = #tpu.dot_dimension_numbers<[1], [0], [0], [1], [0, 0, 1, 1], [], []>, transpose_lhs_hint = false} : vector<1024x768xf32>, vector<768x8xf32>, vector<1024x8xf32> -> vector<1024x8xf32>
      %iota3A = tpu.iota {dimensions = array<i32: 1>} : vector<1024x8xi32>
      %reduce_max3A = arith.constant dense<0xFF800000> : vector<1024xf32>
      %reduce_max3A_66 = vector.multi_reduction <maximumf>, %dot_general3A_65, %reduce_max3A [1] : vector<1024x8xf32> to vector<1024xf32>
      %broadcast_in_dim3A_67 = vector.shape_cast %reduce_max3A_66 : vector<1024xf32> to vector<1024x1xf32>
      %sub3A = vector.broadcast %broadcast_in_dim3A_67 : vector<1024x1xf32> to vector<1024x8xf32>
      %sub3A_68 = arith.subf %dot_general3A_65, %sub3A : vector<1024x8xf32>
      %exp3A = math.exp %sub3A_68 : vector<1024x8xf32>
      %reduce_sum3A_69 = arith.constant dense<0.000000e+00> : vector<1024xf32>
      %reduce_sum3A_70 = vector.multi_reduction <add>, %exp3A, %reduce_sum3A_69 [1] : vector<1024x8xf32> to vector<1024xf32>
      %broadcast_in_dim3A_71 = vector.shape_cast %reduce_sum3A_70 : vector<1024xf32> to vector<1024x1xf32>
      %div3A_72 = vector.broadcast %broadcast_in_dim3A_71 : vector<1024x1xf32> to vector<1024x8xf32>
      %div3A_73 = arith.divf %exp3A, %div3A_72 : vector<1024x8xf32>
      %reduce_max3A_74 = arith.constant dense<0xFF800000> : vector<1024xf32>
      %reduce_max3A_75 = vector.multi_reduction <maximumf>, %div3A_73, %reduce_max3A_74 [1] : vector<1024x8xf32> to vector<1024xf32>
      %broadcast_in_dim3A_76 = vector.shape_cast %reduce_max3A_75 : vector<1024xf32> to vector<1024x1xf32>
      %eq3A_77 = vector.broadcast %broadcast_in_dim3A_76 : vector<1024x1xf32> to vector<1024x8xf32>
      %eq3A_78 = arith.cmpf oeq, %div3A_73, %eq3A_77 : vector<1024x8xf32>
      %jit3A = arith.constant 8 : i32
      %broadcast_in_dim3A_79 = vector.broadcast %jit3A : i32 to vector<1024x8xi32>
      %select_n3A = arith.select %eq3A_78, %iota3A, %broadcast_in_dim3A_79 : vector<1024x8xi1>, vector<1024x8xi32>
      %reduce_min3A = arith.constant dense<2147483647> : vector<1024xi32>
      %reduce_min3A_80 = vector.multi_reduction <minsi>, %select_n3A, %reduce_min3A [1] : vector<1024x8xi32> to vector<1024xi32>
      %broadcast_in_dim3A_81 = vector.shape_cast %reduce_min3A_80 : vector<1024xi32> to vector<1024x1xi32>
      %eq3A_82 = vector.broadcast %broadcast_in_dim3A_81 : vector<1024x1xi32> to vector<1024x8xi32>
      %eq3A_83 = arith.cmpi eq, %iota3A, %eq3A_82 : vector<1024x8xi32>
      %convert_element_type3A_84 = arith.extui %eq3A_83 : vector<1024x8xi1> to vector<1024x8xi32>
      %convert_element_type3A_85 = arith.sitofp %convert_element_type3A_84 : vector<1024x8xi32> to vector<1024x8xf32>
      %iota3A_86 = tpu.iota {dimensions = array<i32: 0>} : vector<1024x1024xi32>
      %iota3A_87 = tpu.iota {dimensions = array<i32: 1>} : vector<1024x1024xi32>
      %lt3A = arith.cmpi slt, %iota3A_87, %iota3A_86 : vector<1024x1024xi32>
      %convert_element_type3A_88 = arith.extui %lt3A : vector<1024x1024xi1> to vector<1024x1024xi32>
      %convert_element_type3A_89 = arith.sitofp %convert_element_type3A_88 : vector<1024x1024xi32> to vector<1024x1024xf32>
      %dot_general3A_90 = arith.constant dense<0.000000e+00> : vector<1024x8xf32>
      %dot_general3A_91 = tpu.matmul %convert_element_type3A_89, %convert_element_type3A_85, %dot_general3A_90 {dimension_numbers = #tpu.dot_dimension_numbers<[1], [0], [0], [1], [0, 0, 1, 1], [], []>, transpose_lhs_hint = false} : vector<1024x1024xf32>, vector<1024x8xf32>, vector<1024x8xf32> -> vector<1024x8xf32>
      %mul3A_92 = arith.mulf %dot_general3A_91, %convert_element_type3A_85 : vector<1024x8xf32>
      %reduce_sum3A_93 = arith.constant dense<0.000000e+00> : vector<1024xf32>
      %reduce_sum3A_94 = vector.multi_reduction <add>, %mul3A_92, %reduce_sum3A_93 [1] : vector<1024x8xf32> to vector<1024xf32>
      %broadcast_in_dim3A_95 = vector.shape_cast %reduce_sum3A_94 : vector<1024xf32> to vector<1024x1xf32>
      %convert_element_type3A_96 = arith.fptosi %broadcast_in_dim3A_95 : vector<1024x1xf32> to vector<1024x1xi32>
      %lt3A_97 = arith.constant 160 : i32
      %lt3A_98 = vector.broadcast %lt3A_97 : i32 to vector<1024x1xi32>
      %lt3A_99 = arith.cmpi slt, %convert_element_type3A_96, %lt3A_98 : vector<1024x1xi32>
      %mul3A_100 = arith.constant 160 : i32
      %mul3A_101 = vector.broadcast %mul3A_100 : i32 to vector<1024x1xi32>
      %mul3A_102 = arith.muli %broadcast_in_dim3A_81, %mul3A_101 : vector<1024x1xi32>
      %add3A_103 = arith.addi %mul3A_102, %convert_element_type3A_96 : vector<1024x1xi32>
      %jit3A_104 = arith.constant 1280 : i32
      %broadcast_in_dim3A_105 = vector.broadcast %jit3A_104 : i32 to vector<1024x1xi32>
      %select_n3A_106 = arith.select %lt3A_99, %add3A_103, %broadcast_in_dim3A_105 : vector<1024x1xi1>, vector<1024x1xi32>
      %swap3A_107 = arith.constant 0 : index
      %swap3A_108 = arith.constant 0 : index
      %swap3A_109 = vector.load %arg13[%swap3A_107, %swap3A_108] : memref<1024x1xi32, #tpu.memory_space<vmem>>, vector<1024x1xi32>
      tpu.vector_store %arg13[%swap3A_107, %swap3A_108], %select_n3A_106 {strides = array<i32>} : memref<1024x1xi32, #tpu.memory_space<vmem>>, vector<1024x1xi32>,
      %iota3A_110 = tpu.iota {dimensions = array<i32: 1>} : vector<1024x1280xi32>
      %eq3A_111 = vector.broadcast %select_n3A_106 : vector<1024x1xi32> to vector<1024x1280xi32>
      %eq3A_112 = arith.cmpi eq, %iota3A_110, %eq3A_111 : vector<1024x1280xi32>
      %convert_element_type3A_113 = arith.extui %eq3A_112 : vector<1024x1280xi1> to vector<1024x1280xi32>
      %convert_element_type3A_114 = arith.sitofp %convert_element_type3A_113 : vector<1024x1280xi32> to vector<1024x1280xf32>
      %dot_general3A_115 = arith.constant dense<0.000000e+00> : vector<1280x1xf32>
      %dot_general3A_116 = tpu.matmul %convert_element_type3A_114, %broadcast_in_dim3A_76, %dot_general3A_115 {dimension_numbers = #tpu.dot_dimension_numbers<[0], [0], [1], [1], [0, 1, 1, 1], [], []>, transpose_lhs_hint = false} : vector<1024x1280xf32>, vector<1024x1xf32>, vector<1280x1xf32> -> vector<1280x1xf32>
      %swap3A_117 = arith.constant 0 : index
      %swap3A_118 = arith.constant 0 : index
      %swap3A_119 = vector.load %arg15[%swap3A_117, %swap3A_118] : memref<1280x1xf32, #tpu.memory_space<vmem>>, vector<1280x1xf32>
      tpu.vector_store %arg15[%swap3A_117, %swap3A_118], %dot_general3A_116 {strides = array<i32>} : memref<1280x1xf32, #tpu.memory_space<vmem>>, vector<1280x1xf32>,
      %dot_general3A_120 = arith.constant dense<0.000000e+00> : vector<1280x768xf32>
      %dot_general3A_121 = tpu.matmul %convert_element_type3A_114, %mul3A_58, %dot_general3A_120 {dimension_numbers = #tpu.dot_dimension_numbers<[0], [0], [1], [1], [0, 1, 1, 1], [], []>, transpose_lhs_hint = false} : vector<1024x1280xf32>, vector<1024x768xf32>, vector<1280x768xf32> -> vector<1280x768xf32>
      %swap3A_122 = arith.constant 0 : index
      %swap3A_123 = arith.constant 0 : index
      %swap3A_124 = vector.load %arg14[%swap3A_122, %swap3A_123] : memref<1280x768xf32, #tpu.memory_space<vmem>>, vector<1280x768xf32>
      tpu.vector_store %arg14[%swap3A_122, %swap3A_123], %dot_general3A_121 {strides = array<i32>} : memref<1280x768xf32, #tpu.memory_space<vmem>>, vector<1280x768xf32>,
      %broadcast_in_dim3A_125 = arith.constant 0.000000e+00 : f32
      %broadcast_in_dim3A_126 = vector.broadcast %broadcast_in_dim3A_125 : f32 to vector<16x768xf32>
      %swap3A_127 = arith.constant 1280 : index
      %swap3A_128 = arith.constant 0 : index
      %swap3A_129 = vector.load %arg12[%swap3A_127, %swap3A_128] : memref<1296x768xf32, #tpu.memory_space<vmem>>, vector<16x768xf32>
      tpu.vector_store %arg12[%swap3A_127, %swap3A_128], %broadcast_in_dim3A_126 {strides = array<i32>} : memref<1296x768xf32, #tpu.memory_space<vmem>>, vector<16x768xf32>,
    } else {
    }
    %ge3A = arith.constant 1 : i32
    %ge3A_2 = arith.cmpi sge, %arg0, %ge3A : i32
    %le3A = arith.constant 8 : i32
    %le3A_3 = arith.cmpi sle, %arg0, %le3A : i32
    %and3A = arith.andi %ge3A_2, %le3A_3 : i1
    %convert_element_type3A_4 = arith.extui %and3A : i1 to i32
    %cond3A_5 = arith.constant 0 : i32
    %cond3A_6 = arith.cmpi ne, %convert_element_type3A_4, %cond3A_5 : i32
    scf.if %cond3A_6 {
      %sub3A = arith.constant 1 : i32
      %sub3A_7 = arith.subi %arg0, %sub3A : i32
      %mul3A = arith.constant 160 : i32
      %mul3A_8 = arith.muli %sub3A_7, %mul3A : i32
      %get3A = arith.index_cast %mul3A_8 : i32 to index
      %get3A_9 = arith.constant 0 : index
      %get3A_10 = vector.load %arg14[%get3A, %get3A_9] : memref<1280x768xf32, #tpu.memory_space<vmem>>, vector<160x768xf32>
      %slice3A = vector.extract_strided_slice %get3A_10 {offsets = [0, 0], sizes = [160, 384], strides = [1, 1]} : vector<160x768xf32> to vector<160x384xf32>
      %get3A_11 = arith.constant 0 : index
      %get3A_12 = arith.constant 0 : index
      %get3A_13 = arith.constant 0 : index
      %get3A_14 = arith.constant 0 : index
      %get3A_15 = vector.load %arg7[%get3A_11, %get3A_12, %get3A_13, %get3A_14] : memref<1x1x384x3072xf32, #tpu.memory_space<vmem>>, vector<1x1x384x3072xf32>
      %get3A_16 = vector.shape_cast %get3A_15 : vector<1x1x384x3072xf32> to vector<384x3072xf32>
      %dot_general3A = arith.constant dense<0.000000e+00> : vector<160x3072xf32>
      %dot_general3A_17 = tpu.matmul %slice3A, %get3A_16, %dot_general3A {dimension_numbers = #tpu.dot_dimension_numbers<[1], [0], [0], [1], [0, 0, 1, 1], [], []>, transpose_lhs_hint = false} : vector<160x384xf32>, vector<384x3072xf32>, vector<160x3072xf32> -> vector<160x3072xf32>
      %slice3A_18 = vector.extract_strided_slice %get3A_10 {offsets = [0, 384], sizes = [160, 384], strides = [1, 1]} : vector<160x768xf32> to vector<160x384xf32>
      %get3A_19 = arith.constant 0 : index
      %get3A_20 = arith.constant 0 : index
      %get3A_21 = arith.constant 0 : index
      %get3A_22 = arith.constant 0 : index
      %get3A_23 = vector.load %arg8[%get3A_19, %get3A_20, %get3A_21, %get3A_22] : memref<1x1x384x3072xf32, #tpu.memory_space<vmem>>, vector<1x1x384x3072xf32>
      %get3A_24 = vector.shape_cast %get3A_23 : vector<1x1x384x3072xf32> to vector<384x3072xf32>
      %dot_general3A_25 = arith.constant dense<0.000000e+00> : vector<160x3072xf32>
      %dot_general3A_26 = tpu.matmul %slice3A_18, %get3A_24, %dot_general3A_25 {dimension_numbers = #tpu.dot_dimension_numbers<[1], [0], [0], [1], [0, 0, 1, 1], [], []>, transpose_lhs_hint = false} : vector<160x384xf32>, vector<384x3072xf32>, vector<160x3072xf32> -> vector<160x3072xf32>
      %add3A = arith.addf %dot_general3A_17, %dot_general3A_26 : vector<160x3072xf32>
      %max3A = arith.constant 0.000000e+00 : f32
      %max3A_27 = vector.broadcast %max3A : f32 to vector<160x3072xf32>
      %max3A_28 = arith.maximumf %add3A, %max3A_27 : vector<160x3072xf32>
      %slice3A_29 = vector.extract_strided_slice %max3A_28 {offsets = [0, 0], sizes = [160, 1536], strides = [1, 1]} : vector<160x3072xf32> to vector<160x1536xf32>
      %get3A_30 = arith.constant 0 : index
      %get3A_31 = arith.constant 0 : index
      %get3A_32 = arith.constant 0 : index
      %get3A_33 = arith.constant 0 : index
      %get3A_34 = vector.load %arg9[%get3A_30, %get3A_31, %get3A_32, %get3A_33] : memref<1x1x1536x768xf32, #tpu.memory_space<vmem>>, vector<1x1x1536x768xf32>
      %get3A_35 = vector.shape_cast %get3A_34 : vector<1x1x1536x768xf32> to vector<1536x768xf32>
      %dot_general3A_36 = arith.constant dense<0.000000e+00> : vector<160x768xf32>
      %dot_general3A_37 = tpu.matmul %slice3A_29, %get3A_35, %dot_general3A_36 {dimension_numbers = #tpu.dot_dimension_numbers<[1], [0], [0], [1], [0, 0, 1, 1], [], []>, transpose_lhs_hint = false} : vector<160x1536xf32>, vector<1536x768xf32>, vector<160x768xf32> -> vector<160x768xf32>
      %slice3A_38 = vector.extract_strided_slice %max3A_28 {offsets = [0, 1536], sizes = [160, 1536], strides = [1, 1]} : vector<160x3072xf32> to vector<160x1536xf32>
      %get3A_39 = arith.constant 0 : index
      %get3A_40 = arith.constant 0 : index
      %get3A_41 = arith.constant 0 : index
      %get3A_42 = arith.constant 0 : index
      %get3A_43 = vector.load %arg10[%get3A_39, %get3A_40, %get3A_41, %get3A_42] : memref<1x1x1536x768xf32, #tpu.memory_space<vmem>>, vector<1x1x1536x768xf32>
      %get3A_44 = vector.shape_cast %get3A_43 : vector<1x1x1536x768xf32> to vector<1536x768xf32>
      %dot_general3A_45 = arith.constant dense<0.000000e+00> : vector<160x768xf32>
      %dot_general3A_46 = tpu.matmul %slice3A_38, %get3A_44, %dot_general3A_45 {dimension_numbers = #tpu.dot_dimension_numbers<[1], [0], [0], [1], [0, 0, 1, 1], [], []>, transpose_lhs_hint = false} : vector<160x1536xf32>, vector<1536x768xf32>, vector<160x768xf32> -> vector<160x768xf32>
      %add3A_47 = arith.addf %dot_general3A_37, %dot_general3A_46 : vector<160x768xf32>
      %mul3A_48 = arith.constant 160 : i32
      %mul3A_49 = arith.muli %sub3A_7, %mul3A_48 : i32
      %get3A_50 = arith.index_cast %mul3A_49 : i32 to index
      %get3A_51 = arith.constant 0 : index
      %get3A_52 = vector.load %arg15[%get3A_50, %get3A_51] : memref<1280x1xf32, #tpu.memory_space<vmem>>, vector<160x1xf32>
      %mul3A_53 = vector.broadcast %get3A_52 : vector<160x1xf32> to vector<160x768xf32>
      %mul3A_54 = arith.mulf %add3A_47, %mul3A_53 : vector<160x768xf32>
      %mul3A_55 = arith.constant 160 : i32
      %mul3A_56 = arith.muli %sub3A_7, %mul3A_55 : i32
      %swap3A = arith.index_cast %mul3A_56 : i32 to index
      %swap3A_57 = arith.constant 0 : index
      %swap3A_58 = vector.load %arg12[%swap3A, %swap3A_57] : memref<1296x768xf32, #tpu.memory_space<vmem>>, vector<160x768xf32>
      tpu.vector_store %arg12[%swap3A, %swap3A_57], %mul3A_54 {strides = array<i32>} : memref<1296x768xf32, #tpu.memory_space<vmem>>, vector<160x768xf32>,
    } else {
    }
    return
  }
  func.func @transform_0(%arg0: i32) -> (i32, i32) {
    %c0_i32 = arith.constant 0 : i32
    %c0_i32_0 = arith.constant 0 : i32
    %c0_i32_1 = arith.constant 0 : i32
    return %c0_i32, %c0_i32_0 : i32, i32
  }
  func.func @transform_1(%arg0: i32) -> (i32, i32, i32) {
    %c5_i32 = arith.constant 5 : i32
    %c0_i32 = arith.constant 0 : i32
    %c0_i32_0 = arith.constant 0 : i32
    %c0_i32_1 = arith.constant 0 : i32
    return %c5_i32, %c0_i32, %c0_i32_0 : i32, i32, i32
  }
  func.func @transform_2(%arg0: i32) -> (i32, i32, i32) {
    %c5_i32 = arith.constant 5 : i32
    %c0_i32 = arith.constant 0 : i32
    %c0_i32_0 = arith.constant 0 : i32
    %c0_i32_1 = arith.constant 0 : i32
    return %c5_i32, %c0_i32, %c0_i32_0 : i32, i32, i32
  }
  func.func @transform_3(%arg0: i32) -> (i32, i32, i32) {
    %c5_i32 = arith.constant 5 : i32
    %c0_i32 = arith.constant 0 : i32
    %c0_i32_0 = arith.constant 0 : i32
    %c0_i32_1 = arith.constant 0 : i32
    return %c5_i32, %c0_i32, %c0_i32_0 : i32, i32, i32
  }
  func.func @transform_4(%arg0: i32) -> (i32, i32, i32) {
    %c5_i32 = arith.constant 5 : i32
    %c0_i32 = arith.constant 0 : i32
    %c0_i32_0 = arith.constant 0 : i32
    %c0_i32_1 = arith.constant 0 : i32
    return %c5_i32, %c0_i32, %c0_i32_0 : i32, i32, i32
  }
  func.func @transform_5(%arg0: i32) -> (i32, i32, i32) {
    %c2_i32 = arith.constant 2 : i32
    %c0_i32 = arith.constant 0 : i32
    %c0_i32_0 = arith.constant 0 : i32
    %c0_i32_1 = arith.constant 0 : i32
    return %c2_i32, %c0_i32, %c0_i32_0 : i32, i32, i32
  }
  func.func @transform_6(%arg0: i32) -> (i32, i32, i32, i32) {
    %sub3A = arith.constant 1 : i32
    %sub3A_0 = arith.subi %arg0, %sub3A : i32
    %jit3A = arith.constant 0 : i32
    %jit3A_1 = arith.constant 7 : i32
    %max3A = arith.maxsi %jit3A, %sub3A_0 : i32
    %min3A = arith.minsi %jit3A_1, %max3A : i32
    %c2_i32 = arith.constant 2 : i32
    %c0_i32 = arith.constant 0 : i32
    %c0_i32_2 = arith.constant 0 : i32
    %c0_i32_3 = arith.constant 0 : i32
    return %c2_i32, %min3A, %c0_i32, %c0_i32_2 : i32, i32, i32, i32
  }
  func.func @transform_7(%arg0: i32) -> (i32, i32, i32, i32) {
    %sub3A = arith.constant 1 : i32
    %sub3A_0 = arith.subi %arg0, %sub3A : i32
    %jit3A = arith.constant 0 : i32
    %jit3A_1 = arith.constant 7 : i32
    %max3A = arith.maxsi %jit3A, %sub3A_0 : i32
    %min3A = arith.minsi %jit3A_1, %max3A : i32
    %c2_i32 = arith.constant 2 : i32
    %c1_i32 = arith.constant 1 : i32
    %c0_i32 = arith.constant 0 : i32
    %c0_i32_2 = arith.constant 0 : i32
    return %c2_i32, %min3A, %c1_i32, %c0_i32 : i32, i32, i32, i32
  }
  func.func @transform_8(%arg0: i32) -> (i32, i32, i32, i32) {
    %sub3A = arith.constant 1 : i32
    %sub3A_0 = arith.subi %arg0, %sub3A : i32
    %jit3A = arith.constant 0 : i32
    %jit3A_1 = arith.constant 7 : i32
    %max3A = arith.maxsi %jit3A, %sub3A_0 : i32
    %min3A = arith.minsi %jit3A_1, %max3A : i32
    %c2_i32 = arith.constant 2 : i32
    %c0_i32 = arith.constant 0 : i32
    %c0_i32_2 = arith.constant 0 : i32
    %c0_i32_3 = arith.constant 0 : i32
    return %c2_i32, %min3A, %c0_i32, %c0_i32_2 : i32, i32, i32, i32
  }
  func.func @transform_9(%arg0: i32) -> (i32, i32, i32, i32) {
    %sub3A = arith.constant 1 : i32
    %sub3A_0 = arith.subi %arg0, %sub3A : i32
    %jit3A = arith.constant 0 : i32
    %jit3A_1 = arith.constant 7 : i32
    %max3A = arith.maxsi %jit3A, %sub3A_0 : i32
    %min3A = arith.minsi %jit3A_1, %max3A : i32
    %c2_i32 = arith.constant 2 : i32
    %c1_i32 = arith.constant 1 : i32
    %c0_i32 = arith.constant 0 : i32
    %c0_i32_2 = arith.constant 0 : i32
    return %c2_i32, %min3A, %c1_i32, %c0_i32 : i32, i32, i32, i32
  }
  func.func @transform_10(%arg0: i32) -> (i32, i32) {
    %c0_i32 = arith.constant 0 : i32
    %c0_i32_0 = arith.constant 0 : i32
    %c0_i32_1 = arith.constant 0 : i32
    return %c0_i32, %c0_i32_0 : i32, i32
  }
  func.func @transform_11(%arg0: i32) -> (i32, i32) {
    %c0_i32 = arith.constant 0 : i32
    %c0_i32_0 = arith.constant 0 : i32
    %c0_i32_1 = arith.constant 0 : i32
    return %c0_i32, %c0_i32_0 : i32, i32
  }
  func.func @transform_12(%arg0: i32) -> (i32, i32) {
    %c0_i32 = arith.constant 0 : i32
    %c0_i32_0 = arith.constant 0 : i32
    %c0_i32_1 = arith.constant 0 : i32
    return %c0_i32, %c0_i32_0 : i32, i32
  }
}

module attributes {stable_mosaic.version = 14 : i64} {
  func.func @_final_kernel(%arg0: memref<1024x768xf32, #tpu.memory_space<vmem>>, %arg1: memref<1024x768xf32, #tpu.memory_space<vmem>>, %arg2: memref<1x768xf32, #tpu.memory_space<vmem>>, %arg3: memref<768x10xf32, #tpu.memory_space<vmem>>, %arg4: memref<1x10xf32, #tpu.memory_space<vmem>>, %arg5: memref<1024x10xf32, #tpu.memory_space<vmem>>) attributes {dimension_semantics = [], scalar_prefetch = 0 : i64, scratch_operands = 0 : i64, tpu.core_type = #tpu.core_type<tc>} {
    %get3A = arith.constant 0 : index
    %get3A_0 = arith.constant 0 : index
    %get3A_1 = vector.load %arg0[%get3A, %get3A_0] : memref<1024x768xf32, #tpu.memory_space<vmem>>, vector<1024x768xf32>
    %get3A_2 = arith.constant 0 : index
    %get3A_3 = arith.constant 0 : index
    %get3A_4 = vector.load %arg1[%get3A_2, %get3A_3] : memref<1024x768xf32, #tpu.memory_space<vmem>>, vector<1024x768xf32>
    %add3A = arith.addf %get3A_1, %get3A_4 : vector<1024x768xf32>
    %get3A_5 = arith.constant 0 : index
    %get3A_6 = arith.constant 0 : index
    %get3A_7 = vector.load %arg2[%get3A_5, %get3A_6] : memref<1x768xf32, #tpu.memory_space<vmem>>, vector<1x768xf32>
    %mul3A = arith.mulf %add3A, %add3A : vector<1024x768xf32>
    %reduce_sum3A = arith.constant dense<0.000000e+00> : vector<1024xf32>
    %reduce_sum3A_8 = vector.multi_reduction <add>, %mul3A, %reduce_sum3A [1] : vector<1024x768xf32> to vector<1024xf32>
    %broadcast_in_dim3A = vector.shape_cast %reduce_sum3A_8 : vector<1024xf32> to vector<1024x1xf32>
    %div3A = arith.constant 7.680000e+02 : f32
    %div3A_9 = vector.broadcast %div3A : f32 to vector<1024x1xf32>
    %div3A_10 = arith.divf %broadcast_in_dim3A, %div3A_9 : vector<1024x1xf32>
    %add3A_11 = arith.constant 9.99999997E-7 : f32
    %add3A_12 = vector.broadcast %add3A_11 : f32 to vector<1024x1xf32>
    %add3A_13 = arith.addf %div3A_10, %add3A_12 : vector<1024x1xf32>
    %rsqrt3A = math.rsqrt %add3A_13 : vector<1024x1xf32>
    %mul3A_14 = vector.broadcast %rsqrt3A : vector<1024x1xf32> to vector<1024x768xf32>
    %mul3A_15 = arith.mulf %add3A, %mul3A_14 : vector<1024x768xf32>
    %mul3A_16 = vector.broadcast %get3A_7 : vector<1x768xf32> to vector<1024x768xf32>
    %mul3A_17 = arith.mulf %mul3A_15, %mul3A_16 : vector<1024x768xf32>
    %get3A_18 = arith.constant 0 : index
    %get3A_19 = arith.constant 0 : index
    %get3A_20 = vector.load %arg3[%get3A_18, %get3A_19] : memref<768x10xf32, #tpu.memory_space<vmem>>, vector<768x10xf32>
    %dot_general3A = arith.constant dense<0.000000e+00> : vector<1024x10xf32>
    %dot_general3A_21 = tpu.matmul %mul3A_17, %get3A_20, %dot_general3A {dimension_numbers = #tpu.dot_dimension_numbers<[1], [0], [0], [1], [0, 0, 1, 1], [], []>, transpose_lhs_hint = false} : vector<1024x768xf32>, vector<768x10xf32>, vector<1024x10xf32> -> vector<1024x10xf32>
    %get3A_22 = arith.constant 0 : index
    %get3A_23 = arith.constant 0 : index
    %get3A_24 = vector.load %arg4[%get3A_22, %get3A_23] : memref<1x10xf32, #tpu.memory_space<vmem>>, vector<1x10xf32>
    %add3A_25 = vector.broadcast %get3A_24 : vector<1x10xf32> to vector<1024x10xf32>
    %add3A_26 = arith.addf %dot_general3A_21, %add3A_25 : vector<1024x10xf32>
    %swap3A = arith.constant 0 : index
    %swap3A_27 = arith.constant 0 : index
    %swap3A_28 = vector.load %arg5[%swap3A, %swap3A_27] : memref<1024x10xf32, #tpu.memory_space<vmem>>, vector<1024x10xf32>
    tpu.vector_store %arg5[%swap3A, %swap3A_27], %add3A_26 {strides = array<i32>} : memref<1024x10xf32, #tpu.memory_space<vmem>>, vector<1024x10xf32>,
    return
  }
}

</mosaic_0001>

<sc_bundles>
// kernel: kernel.13.cloned.1.call-start
scs
__scs_entry_jumppad:
0x0: {  	(pc) =	sbr.rel $0x88, $3  }
0x1: {  	(tag) =	ssettag $0x0;
	lr =	simm.s32 $0x1  }
0x2: {  	[smem:$0x3F92] =	sst lr;
	_ =	strace $0xD0000000  }
0x3: {  	_ = 	snop  }
0x4: {  	_ = 	snop  }
0x5: {  	_ = 	snop  }
0x6: {  	_ = 	snop  }
0x7: {  	_ = 	snop  }
__scs_overlays_trampoline_lowered:
0x8: {  	[smem:$0x3FA1] =	sst s0  }
0x9: {  	[smem:$0x3FA2] =	sst s1  }
0xa: {  	[smem:$0x3FA3] =	sst s2  }
0xb: {  	[smem:$0x3FA4] =	sst s3  }
0xc: {  	[smem:$0x3FA5] =	sst s4  }
0xd: {  	[smem:$0x3FA6] =	sst s5  }
0xe: {  	[smem:$0x3FA7] =	sst s6  }
0xf: {  	[smem:$0x3FA8] =	sst s7  }
0x10: {  	[smem:$0x3FA9] =	sst s8  }
0x11: {  	[smem:$0x3FAA] =	sst s9;
	s0 =	simm.s32 @!p0 $0x0  }
0x12: {  	s1 =	sld [smem:$0x3F90];
	s0 =	simm.s32 @p0 $0x1  }
0x13: {  	[smem:$0x3FAB] =	sst s0;
	s0 =	simm.s32 @!p1 $0x0  }
0x14: {  	s2 =	sld [smem:$0x3F8F];
	s0 =	simm.s32 @p1 $0x1  }
0x15: {  	[smem:$0x3FAC] =	sst s0;
	s0 =	simm.s32 @!p2 $0x0  }
0x16: {  	s3 =	sld [smem:$0x3FDB];
	s0 =	simm.s32 @p2 $0x1  }
0x17: {  	s4 =	simm.s32 $0x1BF5;
	[smem:$0x3FAE] =	sst s0  }
0x18: {  	s0 =	sld [smem:$0x3F91];
	_ =	swait.ge [sflag:s4], $0x0  }
0x19: {  	s7 =	sld [smem:$0x3F92]  }
0x1a: {  	s8 =	sadd.s32 $0xFFFFE003, lr  }
0x1b: {  	s9 =	sadd.s32 $0xFFFFFEF7, lr;
	s5 =	simm.s32 $0xFFFFFFFF;
	p2 =	slt.u32 s8, $0xFFFFF086  }
0x1c: {  	p1 =	slt.u32 s9, $0xF7A;
	s5 =	simm.s32 @!p2 $0x0  }
0x1d: {  	s5 =	simm.s32 @p1 $0x1;
	p0 =	seq.s32 s7, s2  }
0x1e: {  	s7 =	smul.u32 @!p0 $0xF7A, s2;
	p2 =	seq.s32 @!p0 s5, $0x0  }
0x1f: {  	s9 =	smul.u32 $0xF7A, s1;
	s8 =	simm.s32 @!p0 $0x1BF5;
	p2 =	por !p2, p0  }
0x20: {  	[sflag:s8] =	ssyncset.s32 @!p0 $0xFFFFF086;
	s6 =	sadd.s32 @!p0 s3, s7;
	s7 =	simm.s32 @!p0 $0x108  }
0x21: {  	s3 =	sadd.s32 s3, s9;
	s6 =	sadd.s32 @!p0 $0x88, s6;
	s7 =	simm.s32 @p2 $0x1082  }
0x22: {  	[simem:s7], [sflag:s8] =	dma.local @!p0 [hbm:s6], $0xF7A  }
0x23: {  	s9 =	sor.u32 $0xD0000000, s2;
	s6 =	simm.s32 $0x108;
	_ =	swait.ge @!p0 [sflag:s8], $0x0  }
0x24: {  	s3 =	sadd.s32 $0x88, s3;
	s6 =	simm.s32 @!p1 $0x1082;
	[sflag:s4] =	ssyncset.s32 $0xFFFFF086  }
0x25: {  	[simem:s6], [sflag:s4] =	dma.local [hbm:s3], $0xF7A  }
0x26: {  	[smem:$0x3F92] =	sst s1;
	(tag) =	ssettag s2;
	_ =	strace s9  }
0x27: {  	s1 =	sld [smem:$0x3FA2]  }
0x28: {  	s2 =	sld [smem:$0x3FA3]  }
0x29: {  	s4 =	sld [smem:$0x3FA5]  }
0x2a: {  	p0 =	seq.s32 s5, $0x0;
	s5 =	sld [smem:$0x3FA6]  }
0x2b: {  	s6 =	sld [smem:$0x3FA7]  }
0x2c: {  	s7 =	sld [smem:$0x3FA8]  }
0x2d: {  	s3 =	simm.s32 $0x108;
	s8 =	sld [smem:$0x3FA9]  }
0x2e: {  	s3 =	simm.s32 @!p0 $0x1082;
	s9 =	sld [smem:$0x3FAA]  }
0x2f: {  	lr =	sadd.s32 s0, s3;
	s0 =	sld [smem:$0x3FA1]  }
0x30: {  	s3 =	sld [smem:$0x3FA4]  }
0x31: {  	[smem:$0x3FAD] =	sst s10  }
0x32: {  	s10 =	sld [smem:$0x3FAB];
	_ =	sdelay $0x3  }
0x33: {  	p0 =	seq.s32 s10, $0x1;
	s10 =	sld [smem:$0x3FAD];
	_ =	sdelay $0x3  }
0x34: {  	[smem:$0x3FAD] =	sst s10  }
0x35: {  	s10 =	sld [smem:$0x3FAC];
	_ =	sdelay $0x3  }
0x36: {  	p1 =	seq.s32 s10, $0x1;
	s10 =	sld [smem:$0x3FAD];
	_ =	sdelay $0x3  }
0x37: {  	[smem:$0x3FAD] =	sst s10  }
0x38: {  	s10 =	sld [smem:$0x3FAE]  }
0x39: {  	_ = 	snop;
	(pc) =	sbr.ind lr, $3  }
0x3a: {  	_ = 	snop  }
0x3b: {  	_ = 	snop  }
0x3c: {  	p2 =	seq.s32 s10, $0x1;
	s10 =	sld [smem:$0x3FAD]  }
0x3d: {  	_ =	shalt  }
0x3e: {  	_ =	shalt  }
0x3f: {  	_ =	shalt  }
0x40: {  	_ =	shalt  }
0x41: {  	_ =	shalt  }
0x42: {  	_ =	shalt  }
0x43: {  	_ =	shalt  }
0x44: {  	_ =	shalt  }
0x45: {  	_ =	shalt  }
0x46: {  	_ =	shalt  }
0x47: {  	_ =	shalt  }
0x48: {  	_ =	shalt  }
0x49: {  	_ =	shalt  }
0x4a: {  	_ =	shalt  }
0x4b: {  	_ =	shalt  }
0x4c: {  	_ =	shalt  }
0x4d: {  	_ =	shalt  }
0x4e: {  	_ =	shalt  }
0x4f: {  	_ =	shalt  }
0x50: {  	_ =	shalt  }
0x51: {  	_ =	shalt  }
0x52: {  	_ =	shalt  }
0x53: {  	_ =	shalt  }
0x54: {  	_ =	shalt  }
0x55: {  	_ =	shalt  }
0x56: {  	_ =	shalt  }
0x57: {  	_ =	shalt  }
0x58: {  	_ =	shalt  }
0x59: {  	_ =	shalt  }
0x5a: {  	_ =	shalt  }
0x5b: {  	_ =	shalt  }
0x5c: {  	_ =	shalt  }
0x5d: {  	_ =	shalt  }
0x5e: {  	_ =	shalt  }
0x5f: {  	_ =	shalt  }
0x60: {  	_ =	shalt  }
0x61: {  	_ =	shalt  }
0x62: {  	_ =	shalt  }
0x63: {  	_ =	shalt  }
0x64: {  	_ =	shalt  }
0x65: {  	_ =	shalt  }
0x66: {  	_ =	shalt  }
0x67: {  	_ =	shalt  }
0x68: {  	_ =	shalt  }
0x69: {  	_ =	shalt  }
0x6a: {  	_ =	shalt  }
0x6b: {  	_ =	shalt  }
0x6c: {  	_ =	shalt  }
0x6d: {  	_ =	shalt  }
0x6e: {  	_ =	shalt  }
0x6f: {  	_ =	shalt  }
0x70: {  	_ =	shalt  }
0x71: {  	_ =	shalt  }
0x72: {  	_ =	shalt  }
0x73: {  	_ =	shalt  }
0x74: {  	_ =	shalt  }
0x75: {  	_ =	shalt  }
0x76: {  	_ =	shalt  }
0x77: {  	_ =	shalt  }
0x78: {  	_ =	shalt  }
0x79: {  	_ =	shalt  }
0x7a: {  	_ =	shalt  }
0x7b: {  	_ =	shalt  }
0x7c: {  	_ =	shalt  }
0x7d: {  	_ =	shalt  }
0x7e: {  	_ =	shalt  }
0x7f: {  	_ =	shalt  }
0x80: {  	_ =	shalt  }
0x81: {  	_ =	shalt  }
0x82: {  	_ =	shalt  }
0x83: {  	_ =	shalt  }
0x84: {  	_ =	shalt  }
0x85: {  	_ =	shalt  }
0x86: {  	_ =	shalt  }
0x87: {  	_ =	shalt  }
.Lfunc_end0:
.L_simem_size_0:
called_computation_lowered:
.L_overlay_start_0:
0x88: {  	s2 =	sld [smem:$0x3FD9]  }
0x89: {  	s3 =	sld [smem:$0x3FFE];
	_ =	sdelay $0x1  }
0x8a: {  	s1 =	srdreg.scid  }
0x8b: {  	s0 =	sand.u32 $0x1, s1  }
0x8c: {  	s16 =	sshll.u32 s0, $0xA;
	s2 =	sadd.s32 s3, s2  }
0x8d: {  	s2 =	sadd.s32 s2, s16  }
0x8e: {  	[smem:$0x3FB9] =	sst s2  }
0x8f: {  	_ = 	snop  }
0x90: {  	(tm) =	ssettm $0x1  }
0x91: {  	s17 =	sld [smem:$0x3FFB];
	_ =	sdelay $0x3  }
0x92: {  	_ =	strace s17  }
0x93: {  	s2 =	sld [smem:$0x3FFC];
	_ =	sdelay $0x3  }
0x94: {  	_ =	strace s2  }
0x95: {  	s2 =	sld [smem:$0x3FFD];
	_ =	sdelay $0x3  }
0x96: {  	_ =	strace s2  }
0x97: {  	_ =	strace $0x8FFFFFFF  }
0x98: {  	s18 =	sld [smem:$0x3FDB];
	_ =	sdelay $0x1  }
0x99: {  	s19 =	simm.s32 $_scs_section_size  }
0x9a: {  	s4 =	simm.s32 $_size__tile_overlayer_lowered;
	s5 =	simm.s32 $_tile_overlayer_lowered  }
0x9b: {  	s22 =	simm.s32 $0x1BFF;
	s21 =	sshll.u32 s5, $0x1;
	s2 =	sadd.s32 s19, s18  }
0x9c: {  	s6 =	simm.s32 $0x0;
	s20 =	sshll.u32 s4, $0x1;
	s4 =	sadd.s32 s21, s2  }
0x9d: {  	[timem:s6], [sflag:s22] =	dma.local [hbm:s4], s20  }
0x9e: {  	_ =	swait.ge [sflag:s22], s20  }
0x9f: {  	s3 =	ssub.s32 $0x0, s20;
	[sflag:s22] =	ssyncset.done $0x0  }
0xa0: {  	[sflag:s22] =	ssyncadd.s32 s3;
	_ =	sdelay $0x1  }
0xa1: {  	s23 =	simm.s32 $0x1B8B  }
0xa2: {  	_ =	swait.ge [sflag:s23], $0x1  }
0xa3: {  	[sflag:s23] =	ssyncset.done $0x0  }
0xa4: {  	s25 =	simm.s32 $0x1B8E;
	s24 =	sld [smem:$0x3FFE];
	[sflag:s23] =	ssyncadd.s32 $0xFFFFFFFF  }
0xa5: {  	s26 =	simm.s32 $execute0_lowered;
	[smem:$0x3FD2] =	sst s25  }
0xa6: {  	s4 =	sshll.u32 s26, $0x1;
	_ =	strace $0x80000046;
	[dreg:$0x1] =	wrdreg $0xFFFFFFFF  }
0xa7: {  	s28 =	simm.s32 $_size_execute0_lowered;
	s2 =	sadd.s32 s2, s4;
	[dreg:$0x0] =	wrdreg $0x0  }
0xa8: {  	s4 =	sshll.u32 s28, $0x1;
	[dreg:$0x2] =	wrdreg s2  }
0xa9: {  	[dreg:$0x3] =	wrdreg s4  }
0xaa: {  	[dreg:$0x4] =	wrdreg $0xC0  }
0xab: {  	_ =	task [dreg:s6], $0x5FFFF  }
0xac: {  	[dreg:$0x1] =	wrdreg $0xFFFFFFFF  }
0xad: {  	[dreg:$0x0] =	wrdreg $0x60  }
0xae: {  	[dreg:$0x2] =	wrdreg s24  }
0xaf: {  	[dreg:$0x3] =	wrdreg $0x9  }
0xb0: {  	_ =	task.clear_ibuf [dreg:s6], $0x4FFFF;
	_ =	strace $0x90000046  }
0xb1: {  	s29 =	simm.s32 $0x9;
	_ =	strace $0x80000048  }
0xb2: {  	_ =	swait.ge [sflag:s29], $0x1  }
0xb3: {  	[sflag:s29] =	ssyncadd.s32 $0xFFFFFFFF  }
0xb4: {  	_ =	strace $0x90000048  }
0xb5: {  	_ =	sfence  }
0xb6: {  	s30 =	sld [smem:$0x0];
	_ =	sdelay $0x2  }
0xb7: {  	s31 =	sshll.u32 s1, $0xD;
	s1 =	sshrl.u32 s1, $0x2  }
0xb8: {  	s3 =	sand.u32 $0x4000, s31;
	s1 =	sadd.s32 s1, s30  }
0xb9: {  	s0 =	sor.u32 s3, s0;
	s1 =	sshll.u32 s1, $0x11  }
0xba: {  	s0 =	sor.u32 s1, s0  }
0xbb: {  	s0 =	sadd.s32 $0x8F2B, s0  }
0xbc: {  	[sflag:s0] =	ssyncadd.remote.s32 $0x1  }
0xbd: {  	_ =	sfence.sel $0xFFFF  }
0xbe: {  	[dreg:$0x0] =	wrdreg $0xFFFFFFFF;
	(pc) =	sbr.abs _section_cstart, $3  }
0xbf: {  	[dreg:$0x1] =	wrdreg $0xFFFFFFFF  }
0xc0: {  	_ =	task.clear_ibuf [dreg:s6], $0x2FFFF;
	_ =	strace $0x9FFFFFFF  }
0xc1: {  	(tm) =	ssettm $0x7FFFFFFF  }
tec
execute0_lowered:
.L_overlay_start_1:
0x0: {  	(tag) =	ssettag $0x1  }
0x1: {  	s6 =	rddreg [dreg:$0x0];
	s2 =	srdreg.scid  }
0x2: {  	s0 =	rddreg [dreg:$0x1];
	s1 =	stileid.u32  }
0x3: {  	s10 =	simm.s32 $0x80;
	s11 =	simm.s32 $0x880;
	s12 =	simm.s32 $0x1080  }
0x4: {  	s13 =	simm.s32 $0x1880;
	s14 =	simm.s32 $0x2080;
	s15 =	simm.s32 $0x2880  }
0x5: {  	s16 =	simm.s32 $0x3080;
	s17 =	simm.s32 $0x3880;
	s18 =	simm.s32 $0x4080  }
0x6: {  	s19 =	simm.s32 $0x4880;
	s20 =	simm.s32 $0x5080;
	s21 =	simm.s32 $0x5880  }
0x7: {  	s22 =	simm.s32 $0x1;
	s3 =	sand.u32 $0x1, s2;
	s2 =	simm.s32 $0x0  }
0x8: {  	s4 =	sshll.u32 s1, $0x3;
	s5 =	sshll.u32 s3, $0x2;
	[smem:$0x7FF] =	sst s2  }
0x9: {  	s7 =	ssub.s32 $0x2, s3;
	s3 =	sadd.s32 $0x1CE00, s6;
	s4 =	sor.u32 s5, s4  }
0xa: {  	s8 =	sshrl.u32 s7, $0x1;
	s5 =	smul.u32 $0x300, s4;
	s4 =	sadd.s32 s4, s6  }
0xb: {  	v2 =	vlaneseq.u32;
	_ =	strace $0x80000047;
	s8 =	ssub.s32 s7, s8;
	s4 =	sadd.s32 $0x53400, s4  }
0xc: {  	vm0 =	vmmov $0xffff;
	v1 =	vshrl.u32 v2, $0x3;
	s8 =	smax.u32 s8, $0x1;
	s9 =	sadd.s32 s5, s6;
	s5 =	sadd.s32 $0x1CF00, s6  }
0xd: {  	v0 =	vand.u32 $0x7, v2;
	v2 =	vor.u32 $0x8, v2;
	v1 =	vmul.u32 $0x8, v1;
	s6 =	sadd.s32 $0x1D000, s6;
	s7 =	sadd.s32 $0xE00, s9;
	s9 =	simm.s32 $0x2  }
.LBB2_1:
0xe: {  	[tilespmem:s2], [sflag:$0x2] =	stream.linear.gather [hbm4b:s4+s2], $0x20, $0x38;
	[tilespmem:$0x6080] =	vst v63  }
0xf: {  	_ =	swait.ge [sflag:s9], $0x20  }
0x10: {  	[sflag:s9] =	ssyncset.done $0x0  }
0x11: {  	[sflag:s9] =	ssyncadd.s32 $0xFFFFFFE0  }
0x12: {  	v3 =	vld [tilespmem:$0x0];
	_ =	sdelay $0x4  }
0x13: {  	v4 =	vshrl.u32 v3, $0x3  }
0x14: {  	v4 =	vmul.u32 $0x30, v4  }
0x15: {  	v3 =	vand.u32 $0x7, v3  }
0x16: {  	v3 =	vor.u32 v3, v4  }
0x17: {  	v4 =	vperm.xlane v3, v0;
	_ =	sdelay $0x1  }
0x18: {  	v4 =	vadd.s32 v1, v4;
	_ =	sdelay $0x3  }
0x19: {  	v3 =	vperm.xlane v3, v2  }
0x1a: {  	[tilespmem:s10], [sflag:$0x1] =	stream.indirect_vreg.gather [hbm4b:s3+s2], $0x80, v4, vm0, $0xb8;
	[tilespmem:$0x6080] =	vst v63  }
0x1b: {  	v3 =	vadd.s32 v1, v3  }
0x1c: {  	[tilespmem:s11], [sflag:$0x1] =	stream.indirect_vreg.gather [hbm4b:s5+s2], $0x80, v4, vm0, $0xb8;
	[tilespmem:$0x6080] =	vst v63  }
0x1d: {  	_ = 	snop  }
0x1e: {  	[tilespmem:s12], [sflag:$0x1] =	stream.indirect_vreg.gather [hbm4b:s6+s2], $0x80, v4, vm0, $0xb8;
	[tilespmem:$0x6080] =	vst v63  }
0x1f: {  	_ = 	snop  }
0x20: {  	[tilespmem:s13], [sflag:$0x1] =	stream.indirect_vreg.gather [hbm4b:s3+s2], $0x80, v3, vm0, $0xb8;
	[tilespmem:$0x6080] =	vst v63  }
0x21: {  	_ = 	snop  }
0x22: {  	[tilespmem:s14], [sflag:$0x1] =	stream.indirect_vreg.gather [hbm4b:s5+s2], $0x80, v3, vm0, $0xb8;
	[tilespmem:$0x6080] =	vst v63  }
0x23: {  	_ = 	snop  }
0x24: {  	[tilespmem:s15], [sflag:$0x1] =	stream.indirect_vreg.gather [hbm4b:s6+s2], $0x80, v3, vm0, $0xb8;
	[tilespmem:$0x6080] =	vst v63  }
0x25: {  	v3 =	vld [tilespmem:$0x10];
	_ =	sdelay $0x4  }
0x26: {  	v63 =	vshrl.u32 v3, $0x3  }
0x27: {  	v4 =	vmul.u32 $0x30, v63  }
0x28: {  	v3 =	vand.u32 $0x7, v3  }
0x29: {  	v3 =	vor.u32 v3, v4  }
0x2a: {  	v4 =	vperm.xlane v3, v0;
	_ =	sdelay $0x1  }
0x2b: {  	v4 =	vadd.s32 v1, v4;
	_ =	sdelay $0x3  }
0x2c: {  	v3 =	vperm.xlane v3, v2  }
0x2d: {  	[tilespmem:s16], [sflag:$0x1] =	stream.indirect_vreg.gather [hbm4b:s3+s2], $0x80, v4, vm0, $0xb8;
	[tilespmem:$0x6080] =	vst v63  }
0x2e: {  	v3 =	vadd.s32 v1, v3  }
0x2f: {  	[tilespmem:s17], [sflag:$0x1] =	stream.indirect_vreg.gather [hbm4b:s5+s2], $0x80, v4, vm0, $0xb8;
	[tilespmem:$0x6080] =	vst v63  }
0x30: {  	_ = 	snop  }
0x31: {  	[tilespmem:s18], [sflag:$0x1] =	stream.indirect_vreg.gather [hbm4b:s6+s2], $0x80, v4, vm0, $0xb8;
	[tilespmem:$0x6080] =	vst v63  }
0x32: {  	_ = 	snop  }
0x33: {  	[tilespmem:s19], [sflag:$0x1] =	stream.indirect_vreg.gather [hbm4b:s3+s2], $0x80, v3, vm0, $0xb8;
	[tilespmem:$0x6080] =	vst v63  }
0x34: {  	_ = 	snop  }
0x35: {  	[tilespmem:s20], [sflag:$0x1] =	stream.indirect_vreg.gather [hbm4b:s5+s2], $0x80, v3, vm0, $0xb8;
	[tilespmem:$0x6080] =	vst v63  }
0x36: {  	_ = 	snop  }
0x37: {  	[tilespmem:s21], [sflag:$0x1] =	stream.indirect_vreg.gather [hbm4b:s6+s2], $0x80, v3, vm0, $0xb8;
	[tilespmem:$0x6080] =	vst v63  }
0x38: {  	_ =	swait.ge [sflag:s22], $0x6000  }
0x39: {  	p0 =	sne.s32 s8, $0x1;
	[sflag:s22] =	ssyncset.done $0x0  }
.Ltmp0:
0x3a: {  	[sflag:s22] =	ssyncadd.s32 $0xFFFFA000;
	(pc) =	sbr.rel @p0 .LBB2_1-.Ltmp0, $4  }
0x3b: {  	[hbm4b:s7+s2] =	stream.linear.scatter [tilespmem:s10], [sflag:$0x2], $0x6000, $0x38;
	[tilespmem:$0x6080] =	vst v63  }
0x3c: {  	_ =	swait.ge [sflag:s9], $0x6000  }
0x3d: {  	[sflag:s9] =	ssyncset.done $0x0  }
0x3e: {  	s8 =	sadd.s32 $0xFFFFFFFF, s8;
	[sflag:s9] =	ssyncadd.s32 $0xFFFFA000  }
0x3f: {  	_ =	sfence.sel $0x180000  }
0x40: {  	[bflag:$0x0] =	sbarrier.arrive $0xFFFF  }
0x41: {  	p0 =	sne.s32 s1, $0x0;
	_ =	strace $0x90000047  }
0x42: {  	s0 =	sadd.s32 @!p0 $0x100000, s0;
	[bflag:$0x2] =	sbarrier.arrive $0xFFFF  }
0x43: {  	[sflag:s0] =	ssyncadd.tile.s32 @!p0 $0x1;
	_ =	shalt  }
.Lfunc_end2:
_tile_overlayer_lowered:
.L_overlay_start_2:
0x44: {  	(tag) =	ssettag $0x2  }
0x45: {  	s0 =	rddreg [dreg:$0x0];
	s2 =	stileid.u32  }
0x46: {  	s1 =	rddreg [dreg:$0x1];
	p0 =	sne.s32 s2, $0x0  }
0x47: {  	s3 =	rddreg [dreg:$0x2];
	[bflag:$0x3] =	sbarrier.arrive $0xFFFF;
	s2 =	simm.s32 @!p0 $0x1C02  }
0x48: {  	[timem:s3], [sflag:s2] =	dma.local @!p0 [hbm:s0], s1  }
0x49: {  	s0 =	simm.s32 @!p0 $0x2  }
0x4a: {  	_ =	swait.ge @!p0 [sflag:s0], s1  }
0x4b: {  	s1 =	ssub.s32 @!p0 $0x0, s1;
	[sflag:s0] =	ssyncset.done @!p0 $0x0  }
0x4c: {  	[sflag:s0] =	ssyncadd.s32 @!p0 s1  }
0x4d: {  	[bflag:$0x3] =	sbarrier.arrive $0xFFFF  }
0x4e: {  	_ =	shalt  }

// kernel: kernel.16.cloned.1.call-start
scs
__scs_entry_jumppad:
0x0: {  	(pc) =	sbr.rel $0x88, $3  }
0x1: {  	(tag) =	ssettag $0x0;
	lr =	simm.s32 $0x1  }
0x2: {  	[smem:$0x3F92] =	sst lr;
	_ =	strace $0xD0000000  }
0x3: {  	_ = 	snop  }
0x4: {  	_ = 	snop  }
0x5: {  	_ = 	snop  }
0x6: {  	_ = 	snop  }
0x7: {  	_ = 	snop  }
__scs_overlays_trampoline_lowered:
0x8: {  	[smem:$0x3FA1] =	sst s0  }
0x9: {  	[smem:$0x3FA2] =	sst s1  }
0xa: {  	[smem:$0x3FA3] =	sst s2  }
0xb: {  	[smem:$0x3FA4] =	sst s3  }
0xc: {  	[smem:$0x3FA5] =	sst s4  }
0xd: {  	[smem:$0x3FA6] =	sst s5  }
0xe: {  	[smem:$0x3FA7] =	sst s6  }
0xf: {  	[smem:$0x3FA8] =	sst s7  }
0x10: {  	[smem:$0x3FA9] =	sst s8  }
0x11: {  	[smem:$0x3FAA] =	sst s9;
	s0 =	simm.s32 @!p0 $0x0  }
0x12: {  	s1 =	sld [smem:$0x3F90];
	s0 =	simm.s32 @p0 $0x1  }
0x13: {  	[smem:$0x3FAB] =	sst s0;
	s0 =	simm.s32 @!p1 $0x0  }
0x14: {  	s2 =	sld [smem:$0x3F8F];
	s0 =	simm.s32 @p1 $0x1  }
0x15: {  	[smem:$0x3FAC] =	sst s0;
	s0 =	simm.s32 @!p2 $0x0  }
0x16: {  	s3 =	sld [smem:$0x3FDB];
	s0 =	simm.s32 @p2 $0x1  }
0x17: {  	s4 =	simm.s32 $0x1BF5;
	[smem:$0x3FAE] =	sst s0  }
0x18: {  	s0 =	sld [smem:$0x3F91];
	_ =	swait.ge [sflag:s4], $0x0  }
0x19: {  	s7 =	sld [smem:$0x3F92]  }
0x1a: {  	s8 =	sadd.s32 $0xFFFFE003, lr  }
0x1b: {  	s9 =	sadd.s32 $0xFFFFFEF7, lr;
	s5 =	simm.s32 $0xFFFFFFFF;
	p2 =	slt.u32 s8, $0xFFFFF086  }
0x1c: {  	p1 =	slt.u32 s9, $0xF7A;
	s5 =	simm.s32 @!p2 $0x0  }
0x1d: {  	s5 =	simm.s32 @p1 $0x1;
	p0 =	seq.s32 s7, s2  }
0x1e: {  	s7 =	smul.u32 @!p0 $0xF7A, s2;
	p2 =	seq.s32 @!p0 s5, $0x0  }
0x1f: {  	s9 =	smul.u32 $0xF7A, s1;
	s8 =	simm.s32 @!p0 $0x1BF5;
	p2 =	por !p2, p0  }
0x20: {  	[sflag:s8] =	ssyncset.s32 @!p0 $0xFFFFF086;
	s6 =	sadd.s32 @!p0 s3, s7;
	s7 =	simm.s32 @!p0 $0x108  }
0x21: {  	s3 =	sadd.s32 s3, s9;
	s6 =	sadd.s32 @!p0 $0x88, s6;
	s7 =	simm.s32 @p2 $0x1082  }
0x22: {  	[simem:s7], [sflag:s8] =	dma.local @!p0 [hbm:s6], $0xF7A  }
0x23: {  	s9 =	sor.u32 $0xD0000000, s2;
	s6 =	simm.s32 $0x108;
	_ =	swait.ge @!p0 [sflag:s8], $0x0  }
0x24: {  	s3 =	sadd.s32 $0x88, s3;
	s6 =	simm.s32 @!p1 $0x1082;
	[sflag:s4] =	ssyncset.s32 $0xFFFFF086  }
0x25: {  	[simem:s6], [sflag:s4] =	dma.local [hbm:s3], $0xF7A  }
0x26: {  	[smem:$0x3F92] =	sst s1;
	(tag) =	ssettag s2;
	_ =	strace s9  }
0x27: {  	s1 =	sld [smem:$0x3FA2]  }
0x28: {  	s2 =	sld [smem:$0x3FA3]  }
0x29: {  	s4 =	sld [smem:$0x3FA5]  }
0x2a: {  	p0 =	seq.s32 s5, $0x0;
	s5 =	sld [smem:$0x3FA6]  }
0x2b: {  	s6 =	sld [smem:$0x3FA7]  }
0x2c: {  	s7 =	sld [smem:$0x3FA8]  }
0x2d: {  	s3 =	simm.s32 $0x108;
	s8 =	sld [smem:$0x3FA9]  }
0x2e: {  	s3 =	simm.s32 @!p0 $0x1082;
	s9 =	sld [smem:$0x3FAA]  }
0x2f: {  	lr =	sadd.s32 s0, s3;
	s0 =	sld [smem:$0x3FA1]  }
0x30: {  	s3 =	sld [smem:$0x3FA4]  }
0x31: {  	[smem:$0x3FAD] =	sst s10  }
0x32: {  	s10 =	sld [smem:$0x3FAB];
	_ =	sdelay $0x3  }
0x33: {  	p0 =	seq.s32 s10, $0x1;
	s10 =	sld [smem:$0x3FAD];
	_ =	sdelay $0x3  }
0x34: {  	[smem:$0x3FAD] =	sst s10  }
0x35: {  	s10 =	sld [smem:$0x3FAC];
	_ =	sdelay $0x3  }
0x36: {  	p1 =	seq.s32 s10, $0x1;
	s10 =	sld [smem:$0x3FAD];
	_ =	sdelay $0x3  }
0x37: {  	[smem:$0x3FAD] =	sst s10  }
0x38: {  	s10 =	sld [smem:$0x3FAE]  }
0x39: {  	_ = 	snop;
	(pc) =	sbr.ind lr, $3  }
0x3a: {  	_ = 	snop  }
0x3b: {  	_ = 	snop  }
0x3c: {  	p2 =	seq.s32 s10, $0x1;
	s10 =	sld [smem:$0x3FAD]  }
0x3d: {  	_ =	shalt  }
0x3e: {  	_ =	shalt  }
0x3f: {  	_ =	shalt  }
0x40: {  	_ =	shalt  }
0x41: {  	_ =	shalt  }
0x42: {  	_ =	shalt  }
0x43: {  	_ =	shalt  }
0x44: {  	_ =	shalt  }
0x45: {  	_ =	shalt  }
0x46: {  	_ =	shalt  }
0x47: {  	_ =	shalt  }
0x48: {  	_ =	shalt  }
0x49: {  	_ =	shalt  }
0x4a: {  	_ =	shalt  }
0x4b: {  	_ =	shalt  }
0x4c: {  	_ =	shalt  }
0x4d: {  	_ =	shalt  }
0x4e: {  	_ =	shalt  }
0x4f: {  	_ =	shalt  }
0x50: {  	_ =	shalt  }
0x51: {  	_ =	shalt  }
0x52: {  	_ =	shalt  }
0x53: {  	_ =	shalt  }
0x54: {  	_ =	shalt  }
0x55: {  	_ =	shalt  }
0x56: {  	_ =	shalt  }
0x57: {  	_ =	shalt  }
0x58: {  	_ =	shalt  }
0x59: {  	_ =	shalt  }
0x5a: {  	_ =	shalt  }
0x5b: {  	_ =	shalt  }
0x5c: {  	_ =	shalt  }
0x5d: {  	_ =	shalt  }
0x5e: {  	_ =	shalt  }
0x5f: {  	_ =	shalt  }
0x60: {  	_ =	shalt  }
0x61: {  	_ =	shalt  }
0x62: {  	_ =	shalt  }
0x63: {  	_ =	shalt  }
0x64: {  	_ =	shalt  }
0x65: {  	_ =	shalt  }
0x66: {  	_ =	shalt  }
0x67: {  	_ =	shalt  }
0x68: {  	_ =	shalt  }
0x69: {  	_ =	shalt  }
0x6a: {  	_ =	shalt  }
0x6b: {  	_ =	shalt  }
0x6c: {  	_ =	shalt  }
0x6d: {  	_ =	shalt  }
0x6e: {  	_ =	shalt  }
0x6f: {  	_ =	shalt  }
0x70: {  	_ =	shalt  }
0x71: {  	_ =	shalt  }
0x72: {  	_ =	shalt  }
0x73: {  	_ =	shalt  }
0x74: {  	_ =	shalt  }
0x75: {  	_ =	shalt  }
0x76: {  	_ =	shalt  }
0x77: {  	_ =	shalt  }
0x78: {  	_ =	shalt  }
0x79: {  	_ =	shalt  }
0x7a: {  	_ =	shalt  }
0x7b: {  	_ =	shalt  }
0x7c: {  	_ =	shalt  }
0x7d: {  	_ =	shalt  }
0x7e: {  	_ =	shalt  }
0x7f: {  	_ =	shalt  }
0x80: {  	_ =	shalt  }
0x81: {  	_ =	shalt  }
0x82: {  	_ =	shalt  }
0x83: {  	_ =	shalt  }
0x84: {  	_ =	shalt  }
0x85: {  	_ =	shalt  }
0x86: {  	_ =	shalt  }
0x87: {  	_ =	shalt  }
.Lfunc_end0:
.L_simem_size_0:
called_computation.1_lowered:
.L_overlay_start_0:
0x88: {  	s2 =	sld [smem:$0x3FD9]  }
0x89: {  	s3 =	sld [smem:$0x3FFE];
	_ =	sdelay $0x1  }
0x8a: {  	s1 =	srdreg.scid  }
0x8b: {  	s0 =	sand.u32 $0x1, s1  }
0x8c: {  	s16 =	sshll.u32 s0, $0xA;
	s2 =	sadd.s32 s3, s2  }
0x8d: {  	s2 =	sadd.s32 s2, s16  }
0x8e: {  	[smem:$0x3FB9] =	sst s2  }
0x8f: {  	_ = 	snop  }
0x90: {  	(tm) =	ssettm $0x1  }
0x91: {  	s17 =	sld [smem:$0x3FFB];
	_ =	sdelay $0x3  }
0x92: {  	_ =	strace s17  }
0x93: {  	s2 =	sld [smem:$0x3FFC];
	_ =	sdelay $0x3  }
0x94: {  	_ =	strace s2  }
0x95: {  	s2 =	sld [smem:$0x3FFD];
	_ =	sdelay $0x3  }
0x96: {  	_ =	strace s2  }
0x97: {  	_ =	strace $0x8FFFFFFF  }
0x98: {  	s18 =	sld [smem:$0x3FDB];
	_ =	sdelay $0x1  }
0x99: {  	s19 =	simm.s32 $_scs_section_size  }
0x9a: {  	s4 =	simm.s32 $_size__tile_overlayer_lowered;
	s5 =	simm.s32 $_tile_overlayer_lowered  }
0x9b: {  	s22 =	simm.s32 $0x1BFF;
	s21 =	sshll.u32 s5, $0x1;
	s2 =	sadd.s32 s19, s18  }
0x9c: {  	s6 =	simm.s32 $0x0;
	s20 =	sshll.u32 s4, $0x1;
	s4 =	sadd.s32 s21, s2  }
0x9d: {  	[timem:s6], [sflag:s22] =	dma.local [hbm:s4], s20  }
0x9e: {  	_ =	swait.ge [sflag:s22], s20  }
0x9f: {  	s3 =	ssub.s32 $0x0, s20;
	[sflag:s22] =	ssyncset.done $0x0  }
0xa0: {  	[sflag:s22] =	ssyncadd.s32 s3;
	_ =	sdelay $0x1  }
0xa1: {  	s23 =	simm.s32 $0x1B8B  }
0xa2: {  	_ =	swait.ge [sflag:s23], $0x1  }
0xa3: {  	[sflag:s23] =	ssyncset.done $0x0  }
0xa4: {  	s25 =	simm.s32 $0x1B8E;
	s24 =	sld [smem:$0x3FFE];
	[sflag:s23] =	ssyncadd.s32 $0xFFFFFFFF  }
0xa5: {  	s26 =	simm.s32 $execute0_lowered;
	[smem:$0x3FD2] =	sst s25  }
0xa6: {  	s4 =	sshll.u32 s26, $0x1;
	_ =	strace $0x80000049;
	[dreg:$0x1] =	wrdreg $0xFFFFFFFF  }
0xa7: {  	s28 =	simm.s32 $_size_execute0_lowered;
	s2 =	sadd.s32 s2, s4;
	[dreg:$0x0] =	wrdreg $0x0  }
0xa8: {  	s4 =	sshll.u32 s28, $0x1;
	[dreg:$0x2] =	wrdreg s2  }
0xa9: {  	[dreg:$0x3] =	wrdreg s4  }
0xaa: {  	[dreg:$0x4] =	wrdreg $0xC0  }
0xab: {  	_ =	task [dreg:s6], $0x5FFFF  }
0xac: {  	[dreg:$0x1] =	wrdreg $0xFFFFFFFF  }
0xad: {  	[dreg:$0x0] =	wrdreg $0x60  }
0xae: {  	[dreg:$0x2] =	wrdreg s24  }
0xaf: {  	[dreg:$0x3] =	wrdreg $0x9  }
0xb0: {  	_ =	task.clear_ibuf [dreg:s6], $0x4FFFF;
	_ =	strace $0x90000049  }
0xb1: {  	s29 =	simm.s32 $0x9;
	_ =	strace $0x8000004B  }
0xb2: {  	_ =	swait.ge [sflag:s29], $0x1  }
0xb3: {  	[sflag:s29] =	ssyncadd.s32 $0xFFFFFFFF  }
0xb4: {  	_ =	strace $0x9000004B  }
0xb5: {  	_ =	sfence  }
0xb6: {  	s30 =	sld [smem:$0x0];
	_ =	sdelay $0x2  }
0xb7: {  	s31 =	sshll.u32 s1, $0xD;
	s1 =	sshrl.u32 s1, $0x2  }
0xb8: {  	s3 =	sand.u32 $0x4000, s31;
	s1 =	sadd.s32 s1, s30  }
0xb9: {  	s0 =	sor.u32 s3, s0;
	s1 =	sshll.u32 s1, $0x11  }
0xba: {  	s0 =	sor.u32 s1, s0  }
0xbb: {  	s0 =	sadd.s32 $0x8F2B, s0  }
0xbc: {  	[sflag:s0] =	ssyncadd.remote.s32 $0x1  }
0xbd: {  	_ =	sfence.sel $0xFFFF  }
0xbe: {  	[dreg:$0x0] =	wrdreg $0xFFFFFFFF;
	(pc) =	sbr.abs _section_cstart, $3  }
0xbf: {  	[dreg:$0x1] =	wrdreg $0xFFFFFFFF  }
0xc0: {  	_ =	task.clear_ibuf [dreg:s6], $0x2FFFF;
	_ =	strace $0x9FFFFFFF  }
0xc1: {  	(tm) =	ssettm $0x7FFFFFFF  }
tec
execute0_lowered:
.L_overlay_start_1:
0x0: {  	(tag) =	ssettag $0x1  }
0x1: {  	s6 =	rddreg [dreg:$0x0];
	s2 =	srdreg.scid  }
0x2: {  	s0 =	rddreg [dreg:$0x1];
	s1 =	stileid.u32  }
0x3: {  	s10 =	simm.s32 $0x80;
	s11 =	simm.s32 $0x880;
	s12 =	simm.s32 $0x1080  }
0x4: {  	s13 =	simm.s32 $0x1880;
	s14 =	simm.s32 $0x2080;
	s15 =	simm.s32 $0x2880  }
0x5: {  	s16 =	simm.s32 $0x3080;
	s17 =	simm.s32 $0x3880;
	s18 =	simm.s32 $0x4080  }
0x6: {  	s19 =	simm.s32 $0x4880;
	s20 =	simm.s32 $0x5080;
	s21 =	simm.s32 $0x5880  }
0x7: {  	s22 =	simm.s32 $0x1;
	s3 =	sand.u32 $0x1, s2;
	s2 =	simm.s32 $0x0  }
0x8: {  	s4 =	sshll.u32 s1, $0x3;
	s5 =	sshll.u32 s3, $0x2;
	[smem:$0x7FF] =	sst s2  }
0x9: {  	s7 =	ssub.s32 $0x2, s3;
	s3 =	sadd.s32 $0x30E00, s6;
	s4 =	sor.u32 s5, s4  }
0xa: {  	s8 =	sshrl.u32 s7, $0x1;
	s5 =	smul.u32 $0x300, s4;
	s4 =	sadd.s32 s4, s6  }
0xb: {  	v2 =	vlaneseq.u32;
	_ =	strace $0x8000004A;
	s8 =	ssub.s32 s7, s8;
	s4 =	sadd.s32 $0x4F400, s4  }
0xc: {  	vm0 =	vmmov $0xffff;
	v1 =	vshrl.u32 v2, $0x3;
	s8 =	smax.u32 s8, $0x1;
	s9 =	sadd.s32 s5, s6;
	s5 =	sadd.s32 $0x30F00, s6  }
0xd: {  	v0 =	vand.u32 $0x7, v2;
	v2 =	vor.u32 $0x8, v2;
	v1 =	vmul.u32 $0x8, v1;
	s6 =	sadd.s32 $0x31000, s6;
	s7 =	sadd.s32 $0xE00, s9;
	s9 =	simm.s32 $0x2  }
.LBB2_1:
0xe: {  	[tilespmem:s2], [sflag:$0x2] =	stream.linear.gather [hbm4b:s4+s2], $0x20, $0x38;
	[tilespmem:$0x6080] =	vst v63  }
0xf: {  	_ =	swait.ge [sflag:s9], $0x20  }
0x10: {  	[sflag:s9] =	ssyncset.done $0x0  }
0x11: {  	[sflag:s9] =	ssyncadd.s32 $0xFFFFFFE0  }
0x12: {  	v3 =	vld [tilespmem:$0x0];
	_ =	sdelay $0x4  }
0x13: {  	v4 =	vshrl.u32 v3, $0x3  }
0x14: {  	v4 =	vmul.u32 $0x30, v4  }
0x15: {  	v3 =	vand.u32 $0x7, v3  }
0x16: {  	v3 =	vor.u32 v3, v4  }
0x17: {  	v4 =	vperm.xlane v3, v0;
	_ =	sdelay $0x1  }
0x18: {  	v4 =	vadd.s32 v1, v4;
	_ =	sdelay $0x3  }
0x19: {  	v3 =	vperm.xlane v3, v2  }
0x1a: {  	[tilespmem:s10], [sflag:$0x1] =	stream.indirect_vreg.gather [hbm4b:s3+s2], $0x80, v4, vm0, $0xb8;
	[tilespmem:$0x6080] =	vst v63  }
0x1b: {  	v3 =	vadd.s32 v1, v3  }
0x1c: {  	[tilespmem:s11], [sflag:$0x1] =	stream.indirect_vreg.gather [hbm4b:s5+s2], $0x80, v4, vm0, $0xb8;
	[tilespmem:$0x6080] =	vst v63  }
0x1d: {  	_ = 	snop  }
0x1e: {  	[tilespmem:s12], [sflag:$0x1] =	stream.indirect_vreg.gather [hbm4b:s6+s2], $0x80, v4, vm0, $0xb8;
	[tilespmem:$0x6080] =	vst v63  }
0x1f: {  	_ = 	snop  }
0x20: {  	[tilespmem:s13], [sflag:$0x1] =	stream.indirect_vreg.gather [hbm4b:s3+s2], $0x80, v3, vm0, $0xb8;
	[tilespmem:$0x6080] =	vst v63  }
0x21: {  	_ = 	snop  }
0x22: {  	[tilespmem:s14], [sflag:$0x1] =	stream.indirect_vreg.gather [hbm4b:s5+s2], $0x80, v3, vm0, $0xb8;
	[tilespmem:$0x6080] =	vst v63  }
0x23: {  	_ = 	snop  }
0x24: {  	[tilespmem:s15], [sflag:$0x1] =	stream.indirect_vreg.gather [hbm4b:s6+s2], $0x80, v3, vm0, $0xb8;
	[tilespmem:$0x6080] =	vst v63  }
0x25: {  	v3 =	vld [tilespmem:$0x10];
	_ =	sdelay $0x4  }
0x26: {  	v63 =	vshrl.u32 v3, $0x3  }
0x27: {  	v4 =	vmul.u32 $0x30, v63  }
0x28: {  	v3 =	vand.u32 $0x7, v3  }
0x29: {  	v3 =	vor.u32 v3, v4  }
0x2a: {  	v4 =	vperm.xlane v3, v0;
	_ =	sdelay $0x1  }
0x2b: {  	v4 =	vadd.s32 v1, v4;
	_ =	sdelay $0x3  }
0x2c: {  	v3 =	vperm.xlane v3, v2  }
0x2d: {  	[tilespmem:s16], [sflag:$0x1] =	stream.indirect_vreg.gather [hbm4b:s3+s2], $0x80, v4, vm0, $0xb8;
	[tilespmem:$0x6080] =	vst v63  }
0x2e: {  	v3 =	vadd.s32 v1, v3  }
0x2f: {  	[tilespmem:s17], [sflag:$0x1] =	stream.indirect_vreg.gather [hbm4b:s5+s2], $0x80, v4, vm0, $0xb8;
	[tilespmem:$0x6080] =	vst v63  }
0x30: {  	_ = 	snop  }
0x31: {  	[tilespmem:s18], [sflag:$0x1] =	stream.indirect_vreg.gather [hbm4b:s6+s2], $0x80, v4, vm0, $0xb8;
	[tilespmem:$0x6080] =	vst v63  }
0x32: {  	_ = 	snop  }
0x33: {  	[tilespmem:s19], [sflag:$0x1] =	stream.indirect_vreg.gather [hbm4b:s3+s2], $0x80, v3, vm0, $0xb8;
	[tilespmem:$0x6080] =	vst v63  }
0x34: {  	_ = 	snop  }
0x35: {  	[tilespmem:s20], [sflag:$0x1] =	stream.indirect_vreg.gather [hbm4b:s5+s2], $0x80, v3, vm0, $0xb8;
	[tilespmem:$0x6080] =	vst v63  }
0x36: {  	_ = 	snop  }
0x37: {  	[tilespmem:s21], [sflag:$0x1] =	stream.indirect_vreg.gather [hbm4b:s6+s2], $0x80, v3, vm0, $0xb8;
	[tilespmem:$0x6080] =	vst v63  }
0x38: {  	_ =	swait.ge [sflag:s22], $0x6000  }
0x39: {  	p0 =	sne.s32 s8, $0x1;
	[sflag:s22] =	ssyncset.done $0x0  }
.Ltmp0:
0x3a: {  	[sflag:s22] =	ssyncadd.s32 $0xFFFFA000;
	(pc) =	sbr.rel @p0 .LBB2_1-.Ltmp0, $4  }
0x3b: {  	[hbm4b:s7+s2] =	stream.linear.scatter [tilespmem:s10], [sflag:$0x2], $0x6000, $0x38;
	[tilespmem:$0x6080] =	vst v63  }
0x3c: {  	_ =	swait.ge [sflag:s9], $0x6000  }
0x3d: {  	[sflag:s9] =	ssyncset.done $0x0  }
0x3e: {  	s8 =	sadd.s32 $0xFFFFFFFF, s8;
	[sflag:s9] =	ssyncadd.s32 $0xFFFFA000  }
0x3f: {  	_ =	sfence.sel $0x180000  }
0x40: {  	[bflag:$0x0] =	sbarrier.arrive $0xFFFF  }
0x41: {  	p0 =	sne.s32 s1, $0x0;
	_ =	strace $0x9000004A  }
0x42: {  	s0 =	sadd.s32 @!p0 $0x100000, s0;
	[bflag:$0x2] =	sbarrier.arrive $0xFFFF  }
0x43: {  	[sflag:s0] =	ssyncadd.tile.s32 @!p0 $0x1;
	_ =	shalt  }
.Lfunc_end2:
_tile_overlayer_lowered:
.L_overlay_start_2:
0x44: {  	(tag) =	ssettag $0x2  }
0x45: {  	s0 =	rddreg [dreg:$0x0];
	s2 =	stileid.u32  }
0x46: {  	s1 =	rddreg [dreg:$0x1];
	p0 =	sne.s32 s2, $0x0  }
0x47: {  	s3 =	rddreg [dreg:$0x2];
	[bflag:$0x3] =	sbarrier.arrive $0xFFFF;
	s2 =	simm.s32 @!p0 $0x1C02  }
0x48: {  	[timem:s3], [sflag:s2] =	dma.local @!p0 [hbm:s0], s1  }
0x49: {  	s0 =	simm.s32 @!p0 $0x2  }
0x4a: {  	_ =	swait.ge @!p0 [sflag:s0], s1  }
0x4b: {  	s1 =	ssub.s32 @!p0 $0x0, s1;
	[sflag:s0] =	ssyncset.done @!p0 $0x0  }
0x4c: {  	[sflag:s0] =	ssyncadd.s32 @!p0 s1  }
0x4d: {  	[bflag:$0x3] =	sbarrier.arrive $0xFFFF  }
0x4e: {  	_ =	shalt  }

// kernel: kernel.19.cloned.1.call-start
scs
__scs_entry_jumppad:
0x0: {  	(pc) =	sbr.rel $0x88, $3  }
0x1: {  	(tag) =	ssettag $0x0;
	lr =	simm.s32 $0x1  }
0x2: {  	[smem:$0x3F92] =	sst lr;
	_ =	strace $0xD0000000  }
0x3: {  	_ = 	snop  }
0x4: {  	_ = 	snop  }
0x5: {  	_ = 	snop  }
0x6: {  	_ = 	snop  }
0x7: {  	_ = 	snop  }
__scs_overlays_trampoline_lowered:
0x8: {  	[smem:$0x3FA1] =	sst s0  }
0x9: {  	[smem:$0x3FA2] =	sst s1  }
0xa: {  	[smem:$0x3FA3] =	sst s2  }
0xb: {  	[smem:$0x3FA4] =	sst s3  }
0xc: {  	[smem:$0x3FA5] =	sst s4  }
0xd: {  	[smem:$0x3FA6] =	sst s5  }
0xe: {  	[smem:$0x3FA7] =	sst s6  }
0xf: {  	[smem:$0x3FA8] =	sst s7  }
0x10: {  	[smem:$0x3FA9] =	sst s8  }
0x11: {  	[smem:$0x3FAA] =	sst s9;
	s0 =	simm.s32 @!p0 $0x0  }
0x12: {  	s1 =	sld [smem:$0x3F90];
	s0 =	simm.s32 @p0 $0x1  }
0x13: {  	[smem:$0x3FAB] =	sst s0;
	s0 =	simm.s32 @!p1 $0x0  }
0x14: {  	s2 =	sld [smem:$0x3F8F];
	s0 =	simm.s32 @p1 $0x1  }
0x15: {  	[smem:$0x3FAC] =	sst s0;
	s0 =	simm.s32 @!p2 $0x0  }
0x16: {  	s3 =	sld [smem:$0x3FDB];
	s0 =	simm.s32 @p2 $0x1  }
0x17: {  	s4 =	simm.s32 $0x1BF5;
	[smem:$0x3FAE] =	sst s0  }
0x18: {  	s0 =	sld [smem:$0x3F91];
	_ =	swait.ge [sflag:s4], $0x0  }
0x19: {  	s7 =	sld [smem:$0x3F92]  }
0x1a: {  	s8 =	sadd.s32 $0xFFFFE003, lr  }
0x1b: {  	s9 =	sadd.s32 $0xFFFFFEF7, lr;
	s5 =	simm.s32 $0xFFFFFFFF;
	p2 =	slt.u32 s8, $0xFFFFF086  }
0x1c: {  	p1 =	slt.u32 s9, $0xF7A;
	s5 =	simm.s32 @!p2 $0x0  }
0x1d: {  	s5 =	simm.s32 @p1 $0x1;
	p0 =	seq.s32 s7, s2  }
0x1e: {  	s7 =	smul.u32 @!p0 $0xF7A, s2;
	p2 =	seq.s32 @!p0 s5, $0x0  }
0x1f: {  	s9 =	smul.u32 $0xF7A, s1;
	s8 =	simm.s32 @!p0 $0x1BF5;
	p2 =	por !p2, p0  }
0x20: {  	[sflag:s8] =	ssyncset.s32 @!p0 $0xFFFFF086;
	s6 =	sadd.s32 @!p0 s3, s7;
	s7 =	simm.s32 @!p0 $0x108  }
0x21: {  	s3 =	sadd.s32 s3, s9;
	s6 =	sadd.s32 @!p0 $0x88, s6;
	s7 =	simm.s32 @p2 $0x1082  }
0x22: {  	[simem:s7], [sflag:s8] =	dma.local @!p0 [hbm:s6], $0xF7A  }
0x23: {  	s9 =	sor.u32 $0xD0000000, s2;
	s6 =	simm.s32 $0x108;
	_ =	swait.ge @!p0 [sflag:s8], $0x0  }
0x24: {  	s3 =	sadd.s32 $0x88, s3;
	s6 =	simm.s32 @!p1 $0x1082;
	[sflag:s4] =	ssyncset.s32 $0xFFFFF086  }
0x25: {  	[simem:s6], [sflag:s4] =	dma.local [hbm:s3], $0xF7A  }
0x26: {  	[smem:$0x3F92] =	sst s1;
	(tag) =	ssettag s2;
	_ =	strace s9  }
0x27: {  	s1 =	sld [smem:$0x3FA2]  }
0x28: {  	s2 =	sld [smem:$0x3FA3]  }
0x29: {  	s4 =	sld [smem:$0x3FA5]  }
0x2a: {  	p0 =	seq.s32 s5, $0x0;
	s5 =	sld [smem:$0x3FA6]  }
0x2b: {  	s6 =	sld [smem:$0x3FA7]  }
0x2c: {  	s7 =	sld [smem:$0x3FA8]  }
0x2d: {  	s3 =	simm.s32 $0x108;
	s8 =	sld [smem:$0x3FA9]  }
0x2e: {  	s3 =	simm.s32 @!p0 $0x1082;
	s9 =	sld [smem:$0x3FAA]  }
0x2f: {  	lr =	sadd.s32 s0, s3;
	s0 =	sld [smem:$0x3FA1]  }
0x30: {  	s3 =	sld [smem:$0x3FA4]  }
0x31: {  	[smem:$0x3FAD] =	sst s10  }
0x32: {  	s10 =	sld [smem:$0x3FAB];
	_ =	sdelay $0x3  }
0x33: {  	p0 =	seq.s32 s10, $0x1;
	s10 =	sld [smem:$0x3FAD];
	_ =	sdelay $0x3  }
0x34: {  	[smem:$0x3FAD] =	sst s10  }
0x35: {  	s10 =	sld [smem:$0x3FAC];
	_ =	sdelay $0x3  }
0x36: {  	p1 =	seq.s32 s10, $0x1;
	s10 =	sld [smem:$0x3FAD];
	_ =	sdelay $0x3  }
0x37: {  	[smem:$0x3FAD] =	sst s10  }
0x38: {  	s10 =	sld [smem:$0x3FAE]  }
0x39: {  	_ = 	snop;
	(pc) =	sbr.ind lr, $3  }
0x3a: {  	_ = 	snop  }
0x3b: {  	_ = 	snop  }
0x3c: {  	p2 =	seq.s32 s10, $0x1;
	s10 =	sld [smem:$0x3FAD]  }
0x3d: {  	_ =	shalt  }
0x3e: {  	_ =	shalt  }
0x3f: {  	_ =	shalt  }
0x40: {  	_ =	shalt  }
0x41: {  	_ =	shalt  }
0x42: {  	_ =	shalt  }
0x43: {  	_ =	shalt  }
0x44: {  	_ =	shalt  }
0x45: {  	_ =	shalt  }
0x46: {  	_ =	shalt  }
0x47: {  	_ =	shalt  }
0x48: {  	_ =	shalt  }
0x49: {  	_ =	shalt  }
0x4a: {  	_ =	shalt  }
0x4b: {  	_ =	shalt  }
0x4c: {  	_ =	shalt  }
0x4d: {  	_ =	shalt  }
0x4e: {  	_ =	shalt  }
0x4f: {  	_ =	shalt  }
0x50: {  	_ =	shalt  }
0x51: {  	_ =	shalt  }
0x52: {  	_ =	shalt  }
0x53: {  	_ =	shalt  }
0x54: {  	_ =	shalt  }
0x55: {  	_ =	shalt  }
0x56: {  	_ =	shalt  }
0x57: {  	_ =	shalt  }
0x58: {  	_ =	shalt  }
0x59: {  	_ =	shalt  }
0x5a: {  	_ =	shalt  }
0x5b: {  	_ =	shalt  }
0x5c: {  	_ =	shalt  }
0x5d: {  	_ =	shalt  }
0x5e: {  	_ =	shalt  }
0x5f: {  	_ =	shalt  }
0x60: {  	_ =	shalt  }
0x61: {  	_ =	shalt  }
0x62: {  	_ =	shalt  }
0x63: {  	_ =	shalt  }
0x64: {  	_ =	shalt  }
0x65: {  	_ =	shalt  }
0x66: {  	_ =	shalt  }
0x67: {  	_ =	shalt  }
0x68: {  	_ =	shalt  }
0x69: {  	_ =	shalt  }
0x6a: {  	_ =	shalt  }
0x6b: {  	_ =	shalt  }
0x6c: {  	_ =	shalt  }
0x6d: {  	_ =	shalt  }
0x6e: {  	_ =	shalt  }
0x6f: {  	_ =	shalt  }
0x70: {  	_ =	shalt  }
0x71: {  	_ =	shalt  }
0x72: {  	_ =	shalt  }
0x73: {  	_ =	shalt  }
0x74: {  	_ =	shalt  }
0x75: {  	_ =	shalt  }
0x76: {  	_ =	shalt  }
0x77: {  	_ =	shalt  }
0x78: {  	_ =	shalt  }
0x79: {  	_ =	shalt  }
0x7a: {  	_ =	shalt  }
0x7b: {  	_ =	shalt  }
0x7c: {  	_ =	shalt  }
0x7d: {  	_ =	shalt  }
0x7e: {  	_ =	shalt  }
0x7f: {  	_ =	shalt  }
0x80: {  	_ =	shalt  }
0x81: {  	_ =	shalt  }
0x82: {  	_ =	shalt  }
0x83: {  	_ =	shalt  }
0x84: {  	_ =	shalt  }
0x85: {  	_ =	shalt  }
0x86: {  	_ =	shalt  }
0x87: {  	_ =	shalt  }
.Lfunc_end0:
.L_simem_size_0:
called_computation.2_lowered:
.L_overlay_start_0:
0x88: {  	s2 =	sld [smem:$0x3FD9]  }
0x89: {  	s3 =	sld [smem:$0x3FFE];
	_ =	sdelay $0x1  }
0x8a: {  	s1 =	srdreg.scid  }
0x8b: {  	s0 =	sand.u32 $0x1, s1  }
0x8c: {  	s17 =	sshll.u32 s0, $0xA;
	s2 =	sadd.s32 s3, s2  }
0x8d: {  	s2 =	sadd.s32 s2, s17  }
0x8e: {  	[smem:$0x3FB9] =	sst s2  }
0x8f: {  	_ = 	snop  }
0x90: {  	s2 =	sld [smem:$0x3FD0];
	(tm) =	ssettm $0x1  }
0x91: {  	s18 =	sld [smem:$0x3FFB];
	_ =	sdelay $0x3  }
0x92: {  	_ =	strace s18  }
0x93: {  	s3 =	sld [smem:$0x3FFC];
	_ =	sdelay $0x3  }
0x94: {  	_ =	strace s3  }
0x95: {  	s3 =	sld [smem:$0x3FFD];
	_ =	sdelay $0x3  }
0x96: {  	_ =	strace s3  }
0x97: {  	_ =	strace $0x8FFFFFFF  }
0x98: {  	s19 =	sld [smem:$0x3FDB];
	_ =	sdelay $0x1  }
0x99: {  	s4 =	simm.s32 $_scs_section_size  }
0x9a: {  	s5 =	simm.s32 $_size__tile_overlayer_lowered;
	s6 =	simm.s32 $_tile_overlayer_lowered  }
0x9b: {  	s22 =	simm.s32 $0x1BFF;
	s21 =	sshll.u32 s6, $0x1;
	s3 =	sadd.s32 s4, s19  }
0x9c: {  	s7 =	simm.s32 $0x0;
	s20 =	sshll.u32 s5, $0x1;
	s5 =	sadd.s32 s21, s3  }
0x9d: {  	[timem:s7], [sflag:s22] =	dma.local [hbm:s5], s20  }
0x9e: {  	_ =	swait.ge [sflag:s22], s20  }
0x9f: {  	s4 =	ssub.s32 $0x0, s20;
	[sflag:s22] =	ssyncset.done $0x0  }
0xa0: {  	[sflag:s22] =	ssyncadd.s32 s4;
	_ =	sdelay $0x1  }
0xa1: {  	s23 =	simm.s32 $0x1B8B  }
0xa2: {  	_ =	swait.ge [sflag:s23], $0x1  }
0xa3: {  	[sflag:s23] =	ssyncset.done $0x0  }
0xa4: {  	s25 =	simm.s32 $0x1B8E;
	s24 =	sld [smem:$0x3FFE];
	[sflag:s23] =	ssyncadd.s32 $0xFFFFFFFF  }
0xa5: {  	s26 =	simm.s32 $execute0_lowered;
	[smem:$0x3FD2] =	sst s25  }
0xa6: {  	s5 =	sshll.u32 s26, $0x1;
	_ =	strace $0x8000004C;
	[dreg:$0x1] =	wrdreg $0xFFFFFFFF  }
0xa7: {  	s28 =	simm.s32 $_size_execute0_lowered;
	s3 =	sadd.s32 s3, s5;
	[dreg:$0x0] =	wrdreg $0x0  }
0xa8: {  	s5 =	sshll.u32 s28, $0x1;
	[dreg:$0x2] =	wrdreg s3  }
0xa9: {  	[dreg:$0x3] =	wrdreg s5  }
0xaa: {  	[dreg:$0x4] =	wrdreg $0xC0  }
0xab: {  	_ =	task [dreg:s7], $0x5FFFF  }
0xac: {  	[dreg:$0x1] =	wrdreg $0xFFFFFFFF  }
0xad: {  	[dreg:$0x0] =	wrdreg $0x60  }
0xae: {  	[dreg:$0x2] =	wrdreg s24  }
0xaf: {  	[dreg:$0x3] =	wrdreg s2  }
0xb0: {  	[dreg:$0x4] =	wrdreg $0x9  }
0xb1: {  	_ =	task.clear_ibuf [dreg:s7], $0x5FFFF;
	_ =	strace $0x9000004C  }
0xb2: {  	s29 =	simm.s32 $0x9;
	_ =	strace $0x8000004E  }
0xb3: {  	_ =	swait.ge [sflag:s29], $0x1  }
0xb4: {  	[sflag:s29] =	ssyncadd.s32 $0xFFFFFFFF  }
0xb5: {  	_ =	strace $0x9000004E  }
0xb6: {  	_ =	sfence  }
0xb7: {  	s30 =	sld [smem:$0x0];
	_ =	sdelay $0x2  }
0xb8: {  	s31 =	sshll.u32 s1, $0xD;
	s1 =	sshrl.u32 s1, $0x2  }
0xb9: {  	s3 =	sand.u32 $0x4000, s31;
	s1 =	sadd.s32 s1, s30  }
0xba: {  	s0 =	sor.u32 s3, s0;
	s1 =	sshll.u32 s1, $0x11  }
0xbb: {  	s0 =	sor.u32 s1, s0  }
0xbc: {  	s0 =	sadd.s32 $0x8F2B, s0  }
0xbd: {  	[sflag:s0] =	ssyncadd.remote.s32 $0x1  }
0xbe: {  	_ =	sfence.sel $0xFFFF  }
0xbf: {  	[dreg:$0x0] =	wrdreg $0xFFFFFFFF;
	(pc) =	sbr.abs _section_cstart, $3  }
0xc0: {  	[dreg:$0x1] =	wrdreg $0xFFFFFFFF  }
0xc1: {  	_ =	task.clear_ibuf [dreg:s7], $0x2FFFF;
	_ =	strace $0x9FFFFFFF  }
0xc2: {  	(tm) =	ssettm $0x7FFFFFFF  }
0xc3: {  	_ =	shalt  }
tec
execute0_lowered:
.L_overlay_start_1:
0x0: {  	(tag) =	ssettag $0x1  }
0x1: {  	s1 =	srdreg.scid;
	s6 =	rddreg [dreg:$0x0]  }
0x2: {  	s0 =	stileid.u32;
	s4 =	rddreg [dreg:$0x1]  }
0x3: {  	s2 =	simm.s32 $0x0;
	s10 =	simm.s32 $0x80;
	s11 =	simm.s32 $0x880  }
0x4: {  	s12 =	simm.s32 $0x1080;
	s13 =	simm.s32 $0x1880;
	s14 =	simm.s32 $0x2080  }
0x5: {  	s15 =	simm.s32 $0x2880;
	s16 =	simm.s32 $0x3080;
	s17 =	simm.s32 $0x3880  }
0x6: {  	s18 =	simm.s32 $0x4080;
	s19 =	simm.s32 $0x4880;
	s20 =	simm.s32 $0x5080  }
0x7: {  	s21 =	simm.s32 $0x5880;
	s22 =	simm.s32 $0x1;
	s3 =	sand.u32 $0x1, s1  }
0x8: {  	s5 =	sshll.u32 s0, $0x3;
	s1 =	rddreg [dreg:$0x2];
	s7 =	sshll.u32 s3, $0x2  }
0x9: {  	[smem:$0x7FF] =	sst s2;
	s8 =	ssub.s32 $0x2, s3;
	s5 =	sor.u32 s7, s5  }
0xa: {  	_ =	strace $0x8000004D;
	s9 =	sshrl.u32 s8, $0x1;
	s7 =	smul.u32 $0x300, s5  }
0xb: {  	v2 =	vlaneseq.u32;
	s3 =	sadd.s32 $0x30E00, s6;
	s8 =	ssub.s32 s8, s9;
	s4 =	sadd.s32 s4, s5  }
0xc: {  	vm0 =	vmmov $0xffff;
	v1 =	vshrl.u32 v2, $0x3;
	s5 =	sadd.s32 $0x30F00, s6;
	s9 =	simm.s32 $0x2;
	s7 =	sadd.s32 s7, s6  }
0xd: {  	v0 =	vand.u32 $0x7, v2;
	v2 =	vor.u32 $0x8, v2;
	v1 =	vmul.u32 $0x8, v1;
	s8 =	smax.u32 s8, $0x1;
	s6 =	sadd.s32 $0x31000, s6;
	s7 =	sadd.s32 $0x4F400, s7  }
.LBB2_1:
0xe: {  	[tilespmem:s2], [sflag:$0x2] =	stream.linear.gather [hbm4b:s4+s2], $0x20, $0x38;
	[tilespmem:$0x6080] =	vst v63  }
0xf: {  	_ =	swait.ge [sflag:s9], $0x20  }
0x10: {  	[sflag:s9] =	ssyncset.done $0x0  }
0x11: {  	[sflag:s9] =	ssyncadd.s32 $0xFFFFFFE0  }
0x12: {  	v3 =	vld [tilespmem:$0x0];
	_ =	sdelay $0x4  }
0x13: {  	v4 =	vshrl.u32 v3, $0x3  }
0x14: {  	v4 =	vmul.u32 $0x30, v4  }
0x15: {  	v3 =	vand.u32 $0x7, v3  }
0x16: {  	v3 =	vor.u32 v3, v4  }
0x17: {  	v4 =	vperm.xlane v3, v0;
	_ =	sdelay $0x1  }
0x18: {  	v4 =	vadd.s32 v1, v4;
	_ =	sdelay $0x3  }
0x19: {  	v3 =	vperm.xlane v3, v2  }
0x1a: {  	[tilespmem:s10], [sflag:$0x1] =	stream.indirect_vreg.gather [hbm4b:s3+s2], $0x80, v4, vm0, $0xb8;
	[tilespmem:$0x6080] =	vst v63  }
0x1b: {  	v3 =	vadd.s32 v1, v3  }
0x1c: {  	[tilespmem:s11], [sflag:$0x1] =	stream.indirect_vreg.gather [hbm4b:s5+s2], $0x80, v4, vm0, $0xb8;
	[tilespmem:$0x6080] =	vst v63  }
0x1d: {  	_ = 	snop  }
0x1e: {  	[tilespmem:s12], [sflag:$0x1] =	stream.indirect_vreg.gather [hbm4b:s6+s2], $0x80, v4, vm0, $0xb8;
	[tilespmem:$0x6080] =	vst v63  }
0x1f: {  	_ = 	snop  }
0x20: {  	[tilespmem:s13], [sflag:$0x1] =	stream.indirect_vreg.gather [hbm4b:s3+s2], $0x80, v3, vm0, $0xb8;
	[tilespmem:$0x6080] =	vst v63  }
0x21: {  	_ = 	snop  }
0x22: {  	[tilespmem:s14], [sflag:$0x1] =	stream.indirect_vreg.gather [hbm4b:s5+s2], $0x80, v3, vm0, $0xb8;
	[tilespmem:$0x6080] =	vst v63  }
0x23: {  	_ = 	snop  }
0x24: {  	[tilespmem:s15], [sflag:$0x1] =	stream.indirect_vreg.gather [hbm4b:s6+s2], $0x80, v3, vm0, $0xb8;
	[tilespmem:$0x6080] =	vst v63  }
0x25: {  	v3 =	vld [tilespmem:$0x10];
	_ =	sdelay $0x4  }
0x26: {  	v63 =	vshrl.u32 v3, $0x3  }
0x27: {  	v4 =	vmul.u32 $0x30, v63  }
0x28: {  	v3 =	vand.u32 $0x7, v3  }
0x29: {  	v3 =	vor.u32 v3, v4  }
0x2a: {  	v4 =	vperm.xlane v3, v0;
	_ =	sdelay $0x1  }
0x2b: {  	v4 =	vadd.s32 v1, v4;
	_ =	sdelay $0x3  }
0x2c: {  	v3 =	vperm.xlane v3, v2  }
0x2d: {  	[tilespmem:s16], [sflag:$0x1] =	stream.indirect_vreg.gather [hbm4b:s3+s2], $0x80, v4, vm0, $0xb8;
	[tilespmem:$0x6080] =	vst v63  }
0x2e: {  	v3 =	vadd.s32 v1, v3  }
0x2f: {  	[tilespmem:s17], [sflag:$0x1] =	stream.indirect_vreg.gather [hbm4b:s5+s2], $0x80, v4, vm0, $0xb8;
	[tilespmem:$0x6080] =	vst v63  }
0x30: {  	_ = 	snop  }
0x31: {  	[tilespmem:s18], [sflag:$0x1] =	stream.indirect_vreg.gather [hbm4b:s6+s2], $0x80, v4, vm0, $0xb8;
	[tilespmem:$0x6080] =	vst v63  }
0x32: {  	_ = 	snop  }
0x33: {  	[tilespmem:s19], [sflag:$0x1] =	stream.indirect_vreg.gather [hbm4b:s3+s2], $0x80, v3, vm0, $0xb8;
	[tilespmem:$0x6080] =	vst v63  }
0x34: {  	_ = 	snop  }
0x35: {  	[tilespmem:s20], [sflag:$0x1] =	stream.indirect_vreg.gather [hbm4b:s5+s2], $0x80, v3, vm0, $0xb8;
	[tilespmem:$0x6080] =	vst v63  }
0x36: {  	_ = 	snop  }
0x37: {  	[tilespmem:s21], [sflag:$0x1] =	stream.indirect_vreg.gather [hbm4b:s6+s2], $0x80, v3, vm0, $0xb8;
	[tilespmem:$0x6080] =	vst v63  }
0x38: {  	_ =	swait.ge [sflag:s22], $0x6000  }
0x39: {  	p0 =	sne.s32 s8, $0x1;
	[sflag:s22] =	ssyncset.done $0x0  }
.Ltmp0:
0x3a: {  	[sflag:s22] =	ssyncadd.s32 $0xFFFFA000;
	(pc) =	sbr.rel @p0 .LBB2_1-.Ltmp0, $4  }
0x3b: {  	[hbm4b:s7+s2] =	stream.linear.scatter [tilespmem:s10], [sflag:$0x2], $0x6000, $0x38;
	[tilespmem:$0x6080] =	vst v63  }
0x3c: {  	_ =	swait.ge [sflag:s9], $0x6000  }
0x3d: {  	[sflag:s9] =	ssyncset.done $0x0  }
0x3e: {  	s8 =	sadd.s32 $0xFFFFFFFF, s8;
	[sflag:s9] =	ssyncadd.s32 $0xFFFFA000  }
0x3f: {  	_ =	sfence.sel $0x180000  }
0x40: {  	[bflag:$0x0] =	sbarrier.arrive $0xFFFF  }
0x41: {  	p0 =	sne.s32 s0, $0x0;
	_ =	strace $0x9000004D  }
0x42: {  	s0 =	sadd.s32 @!p0 $0x100000, s1;
	[bflag:$0x2] =	sbarrier.arrive $0xFFFF  }
0x43: {  	[sflag:s0] =	ssyncadd.tile.s32 @!p0 $0x1;
	_ =	shalt  }
.Lfunc_end2:
_tile_overlayer_lowered:
.L_overlay_start_2:
0x44: {  	(tag) =	ssettag $0x2  }
0x45: {  	s0 =	rddreg [dreg:$0x0];
	s2 =	stileid.u32  }
0x46: {  	s1 =	rddreg [dreg:$0x1];
	p0 =	sne.s32 s2, $0x0  }
0x47: {  	s3 =	rddreg [dreg:$0x2];
	[bflag:$0x3] =	sbarrier.arrive $0xFFFF;
	s2 =	simm.s32 @!p0 $0x1C02  }
0x48: {  	[timem:s3], [sflag:s2] =	dma.local @!p0 [hbm:s0], s1  }
0x49: {  	s0 =	simm.s32 @!p0 $0x2  }
0x4a: {  	_ =	swait.ge @!p0 [sflag:s0], s1  }
0x4b: {  	s1 =	ssub.s32 @!p0 $0x0, s1;
	[sflag:s0] =	ssyncset.done @!p0 $0x0  }
0x4c: {  	[sflag:s0] =	ssyncadd.s32 @!p0 s1  }
0x4d: {  	[bflag:$0x3] =	sbarrier.arrive $0xFFFF  }
0x4e: {  	_ =	shalt  }

</sc_bundles>
